<compile_context>
chip_gen: v7x
topology: tpu7x:2x2x1
jax: 0.10.2.dev20260603
libtpu: 0.0.44.dev20260713+nightly
codegen_flags: <defaults>
</compile_context>

<pallas_src>
import jax
import jax.numpy as jnp
from jax import lax
from jax.experimental import pallas as pl
from jax.experimental.pallas import tpu as pltpu
from jax.experimental.pallas import tpu_sc as plsc

N_NODES = 100000
N_EDGES = 6400000

NC = 2
NS = 16
NW = NC * NS
L = 16

EPT = N_EDGES // NW
CHUNK = 1600
NCHUNK = EPT // CHUNK
NSTEP = CHUNK // L
SCHUNK = 5000
SNCHUNK = EPT // SCHUNK
SNSTEP = SCHUNK // L

N_PAD = 100352
RPT = N_PAD // NS
NPT = N_PAD // NW

_MASK_HI = -65536


def _edge_body(xp_hbm, src_hbm, dst_hbm, eattr_hbm, eparams_hbm, *refs):
    ea_hbms = refs[0]
    rows_hbm, xp_v, src_v, dst_v, attr_v, eac_v, ea_v, prm_v = refs[1:]
    c = lax.axis_index("c")
    s = lax.axis_index("s")
    wid = c * NS + s

    pltpu.sync_copy(xp_hbm, xp_v)
    pltpu.sync_copy(eparams_hbm, prm_v)

    iota = lax.iota(jnp.int32, L)
    zvec = jnp.zeros((L,), jnp.float32)
    cols = [jnp.full((L,), cc, jnp.int32) for cc in range(8)]

    def _zb(j, _):
        rows = iota + j * L
        plsc.store_scatter(ea_v, [rows, cols[6]], zvec)
        plsc.store_scatter(ea_v, [rows, cols[7]], zvec)
        return 0

    lax.fori_loop(0, NSTEP, _zb, 0)

    pv = prm_v[pl.ds(0, 16)]
    we0 = pv[0]
    we1 = pv[1]
    be0 = pv[2]
    be1 = pv[3]
    wx00 = pv[4]
    wx01 = pv[5]
    wx10 = pv[6]
    wx11 = pv[7]
    wx20 = pv[8]
    wx21 = pv[9]
    wx30 = pv[10]
    wx31 = pv[11]
    bx0 = pv[12]
    bx1 = pv[13]
    bx2 = pv[14]
    bx3 = pv[15]
    zero = jnp.float32(0.0)

    def _step(j, _):
        sl = pl.ds(j * L, L)
        si = src_v[sl]
        di = dst_v[sl]
        at = attr_v[sl]
        ps = plsc.load_gather(xp_v, [si])
        pd = plsc.load_gather(xp_v, [di])
        x0 = plsc.bitcast(lax.shift_left(ps, 16), jnp.float32) + \
            plsc.bitcast(lax.shift_left(pd, 16), jnp.float32)
        x1 = plsc.bitcast(lax.bitwise_and(ps, _MASK_HI), jnp.float32) + \
            plsc.bitcast(lax.bitwise_and(pd, _MASK_HI), jnp.float32)
        c0 = jnp.maximum(at * we0 + be0, zero)
        c1 = jnp.maximum(at * we1 + be1, zero)
        c2 = jnp.maximum(x0 * wx00 + x1 * wx01 + bx0, zero)
        c3 = jnp.maximum(x0 * wx10 + x1 * wx11 + bx1, zero)
        c4 = jnp.maximum(x0 * wx20 + x1 * wx21 + bx2, zero)
        c5 = jnp.maximum(x0 * wx30 + x1 * wx31 + bx3, zero)
        eac_v[0, sl] = c0
        eac_v[1, sl] = c1
        eac_v[2, sl] = c2
        eac_v[3, sl] = c3
        eac_v[4, sl] = c4
        eac_v[5, sl] = c5
        rows = iota + j * L
        plsc.store_scatter(ea_v, [rows, cols[0]], c0)
        plsc.store_scatter(ea_v, [rows, cols[1]], c1)
        plsc.store_scatter(ea_v, [rows, cols[2]], c2)
        plsc.store_scatter(ea_v, [rows, cols[3]], c3)
        plsc.store_scatter(ea_v, [rows, cols[4]], c4)
        plsc.store_scatter(ea_v, [rows, cols[5]], c5)
        return 0

    def _chunk(i, _):
        base = wid * EPT + i * CHUNK
        pltpu.sync_copy(src_hbm.at[pl.ds(base, CHUNK)], src_v)
        pltpu.sync_copy(dst_hbm.at[pl.ds(base, CHUNK)], dst_v)
        pltpu.sync_copy(eattr_hbm.at[pl.ds(base, CHUNK)], attr_v)
        lax.fori_loop(0, NSTEP, _step, 0)
        dsl = pl.ds(base, CHUNK)
        for cc in range(6):
            pltpu.sync_copy(eac_v.at[cc], ea_hbms[cc].at[dsl])
        pltpu.sync_copy(ea_v, rows_hbm.at[pl.ds(base, CHUNK)])
        return 0

    lax.fori_loop(0, NCHUNK, _chunk, 0)



def _scatter_body(src_hbm, dst_hbm, rows_hbm, part_hbm,
                  src_v, dst_v, ea_v, esum):
    c = lax.axis_index("c")
    s = lax.axis_index("s")
    wid = c * NS + s

    iota = lax.iota(jnp.int32, L)
    zvec = jnp.zeros((L,), jnp.float32)
    cols = [jnp.full((L,), cc, jnp.int32) for cc in range(8)]

    def _zbuf(j, _):
        rows = iota + j * L
        for cc in range(8):
            plsc.store_scatter(ea_v, [rows, cols[cc]], zvec)
        return 0

    lax.fori_loop(0, SNSTEP, _zbuf, 0)

    def _zero(i, _):
        pltpu.sync_copy(ea_v, esum.at[pl.ds(s * RPT + i * SCHUNK, SCHUNK)])
        return 0

    nz = RPT // SCHUNK
    lax.fori_loop(0, nz, _zero, 0)
    rem = RPT - nz * SCHUNK
    pltpu.sync_copy(ea_v.at[pl.ds(0, rem)],
                    esum.at[pl.ds(s * RPT + nz * SCHUNK, rem)])
    plsc.subcore_barrier()

    def _chunk(i, _):
        base = wid * EPT + i * SCHUNK
        pltpu.sync_copy(src_hbm.at[pl.ds(base, SCHUNK)], src_v)
        pltpu.sync_copy(dst_hbm.at[pl.ds(base, SCHUNK)], dst_v)
        pltpu.sync_copy(rows_hbm.at[pl.ds(base, SCHUNK)], ea_v)
        pltpu.sync_copy(ea_v, esum.at[dst_v], add=True)
        pltpu.sync_copy(ea_v, esum.at[src_v], add=True)
        return 0

    lax.fori_loop(0, SNCHUNK, _chunk, 0)
    plsc.subcore_barrier()

    pltpu.sync_copy(esum.at[pl.ds(s * RPT, RPT)],
                    part_hbm.at[pl.ds(c * N_PAD + s * RPT, RPT)])


def _node_body(xp_hbm, part_hbm, nparams_hbm, *refs):
    xn_hbms = refs[:14]
    xq_v, p0_v, p1_v, xnc_v, prm_v = refs[14:]
    c = lax.axis_index("c")
    s = lax.axis_index("s")
    wid = c * NS + s
    base = wid * NPT

    pltpu.sync_copy(nparams_hbm, prm_v)
    pltpu.sync_copy(xp_hbm.at[pl.ds(base, NPT)], xq_v)
    pltpu.sync_copy(part_hbm.at[pl.ds(base, NPT)], p0_v)
    pltpu.sync_copy(part_hbm.at[pl.ds(N_PAD + base, NPT)], p1_v)

    pvs = [prm_v[pl.ds(16 * k, 16)] for k in range(6)]
    pva = pvs[0]

    def _w2(r, k):
        i = 12 + r * 6 + k
        return pvs[i // 16][i % 16]

    def _b2(r):
        i = 72 + r
        return pvs[i // 16][i % 16]

    iota = lax.iota(jnp.int32, L)
    zero = jnp.float32(0.0)
    col6 = [jnp.full((L,), cc, jnp.int32) for cc in range(6)]

    def _step(j, _):
        rows = iota + j * L
        sl = pl.ds(j * L, L)
        q = xq_v[sl]
        x0 = plsc.bitcast(lax.shift_left(q, 16), jnp.float32)
        x1 = plsc.bitcast(lax.bitwise_and(q, _MASK_HI), jnp.float32)
        es = [plsc.load_gather(p0_v, [rows, col6[k]]) +
              plsc.load_gather(p1_v, [rows, col6[k]]) for k in range(6)]
        for r in range(4):
            h = jnp.maximum(x0 * pva[r * 2] + x1 * pva[r * 2 + 1] + pva[8 + r],
                            zero)
            xnc_v[r, sl] = h
        for r in range(10):
            acc = es[0] * _w2(r, 0)
            for k in range(1, 6):
                acc = acc + es[k] * _w2(r, k)
            h = jnp.maximum(acc + _b2(r), zero)
            xnc_v[4 + r, sl] = h
        return 0

    lax.fori_loop(0, NPT // L, _step, 0)
    dsl = pl.ds(base, NPT)
    for r in range(14):
        pltpu.sync_copy(xnc_v.at[r], xn_hbms[r].at[dsl])


def kernel(x, edge_index, edge_attr,
           e1_fcx_W, e1_fcx_b, e1_fce_W, e1_fce_b,
           n1_fcx_W, n1_fcx_b, n1_fce_W, n1_fce_b):
    xu = lax.bitcast_convert_type(x.astype(jnp.bfloat16), jnp.uint16)
    xp = lax.bitcast_convert_type(
        xu[:, 0].astype(jnp.uint32) | (xu[:, 1].astype(jnp.uint32) << 16),
        jnp.int32)
    xp = jnp.concatenate([xp, jnp.zeros((N_PAD - N_NODES,), jnp.int32)])
    srcs = edge_index[0]
    dsts = edge_index[1]
    eattr = edge_attr.reshape(N_EDGES)
    eparams = jnp.concatenate([
        e1_fce_W.reshape(2), e1_fce_b,
        e1_fcx_W.reshape(8), e1_fcx_b]).astype(jnp.float32)
    nparams = jnp.concatenate([
        n1_fcx_W.reshape(8), n1_fcx_b,
        n1_fce_W.reshape(60), n1_fce_b,
        jnp.zeros((14,), jnp.float32)]).astype(jnp.float32)

    mesh = plsc.VectorSubcoreMesh(core_axis_name="c", subcore_axis_name="s",
                                  num_cores=NC, num_subcores=NS)
    params = pltpu.CompilerParams(needs_layout_passes=False,
                                  use_tc_tiling_on_sc=False)

    edge_k = pl.kernel(
        _edge_body,
        out_type=(
            tuple(jax.ShapeDtypeStruct((N_EDGES,), jnp.float32)
                  for _ in range(6)),
            jax.ShapeDtypeStruct((N_EDGES, 8), jnp.float32),
        ),
        mesh=mesh,
        compiler_params=params,
        scratch_types=[
            pltpu.VMEM((N_PAD,), jnp.int32),
            pltpu.VMEM((CHUNK,), jnp.int32),
            pltpu.VMEM((CHUNK,), jnp.int32),
            pltpu.VMEM((CHUNK,), jnp.float32),
            pltpu.VMEM((6, CHUNK), jnp.float32),
            pltpu.VMEM((CHUNK, 8), jnp.float32),
            pltpu.VMEM((16,), jnp.float32),
        ],
    )
    ea_cols, ea_rows = edge_k(xp, srcs, dsts, eattr, eparams)

    scatter_k = pl.kernel(
        _scatter_body,
        out_type=jax.ShapeDtypeStruct((NC * N_PAD, 8), jnp.float32),
        mesh=mesh,
        compiler_params=params,
        scratch_types=[
            pltpu.VMEM((SCHUNK,), jnp.int32),
            pltpu.VMEM((SCHUNK,), jnp.int32),
            pltpu.VMEM((SCHUNK, 8), jnp.float32),
            pltpu.VMEM_SHARED((N_PAD, 8), jnp.float32),
        ],
    )
    part = scatter_k(srcs, dsts, ea_rows)

    node_k = pl.kernel(
        _node_body,
        out_type=tuple(jax.ShapeDtypeStruct((N_PAD,), jnp.float32)
                       for _ in range(14)),
        mesh=mesh,
        compiler_params=params,
        scratch_types=[
            pltpu.VMEM((NPT,), jnp.int32),
            pltpu.VMEM((NPT, 8), jnp.float32),
            pltpu.VMEM((NPT, 8), jnp.float32),
            pltpu.VMEM((14, NPT), jnp.float32),
            pltpu.VMEM((96,), jnp.float32),
        ],
    )
    xn_cols = node_k(xp, part, nparams)
    xn = jnp.stack([col[:N_NODES] for col in xn_cols], axis=1)
    ea = jnp.stack(list(ea_cols), axis=1)
    return xn, ea

# --- scband reference (transcript-rebuilt; emitter-appended) ---
"""Pipeline reference for scband-sgnn-72567767433498 (READ-ONLY COPY).

The authoritative reference and input builder live on the scoring server;
editing this copy changes nothing except your own understanding.
"""

import jax, jax.numpy as jnp
import numpy as np

N_NODES = 100000
N_EDGES = 6400000


def setup_inputs(seed: int = 0) -> dict:
    key = jax.random.key(seed)
    ks = jax.random.split(key, 12)
    x = jax.random.normal(ks[0], (N_NODES, 2), dtype=jnp.float32)
    edge_index = jax.random.randint(ks[1], (2, N_EDGES), 0, N_NODES, dtype=jnp.int64 if jax.config.jax_enable_x64 else jnp.int32)
    edge_attr = jax.random.normal(ks[2], (N_EDGES, 1), dtype=jnp.float32)
    # EdgeCentric params: fcx Linear(2,4), fce Linear(1,2)
    e1_fcx_W = jax.random.normal(ks[3], (4, 2), dtype=jnp.float32) * 0.5
    e1_fcx_b = jax.random.normal(ks[4], (4,), dtype=jnp.float32) * 0.1
    e1_fce_W = jax.random.normal(ks[5], (2, 1), dtype=jnp.float32) * 0.5
    e1_fce_b = jax.random.normal(ks[6], (2,), dtype=jnp.float32) * 0.1
    # NodeCentric params: fcx Linear(2,4), fce Linear(6,10)
    n1_fcx_W = jax.random.normal(ks[7], (4, 2), dtype=jnp.float32) * 0.5
    n1_fcx_b = jax.random.normal(ks[8], (4,), dtype=jnp.float32) * 0.1
    n1_fce_W = jax.random.normal(ks[9], (10, 6), dtype=jnp.float32) * 0.5
    n1_fce_b = jax.random.normal(ks[10], (10,), dtype=jnp.float32) * 0.1
    return {"x": x, "edge_index": edge_index, "edge_attr": edge_attr,
            "e1_fcx_W": e1_fcx_W, "e1_fcx_b": e1_fcx_b,
            "e1_fce_W": e1_fce_W, "e1_fce_b": e1_fce_b,
            "n1_fcx_W": n1_fcx_W, "n1_fcx_b": n1_fcx_b,
            "n1_fce_W": n1_fce_W, "n1_fce_b": n1_fce_b}


def reference(x, edge_index, edge_attr,
              e1_fcx_W, e1_fcx_b, e1_fce_W, e1_fce_b,
              n1_fcx_W, n1_fcx_b, n1_fce_W, n1_fce_b):
    src = edge_index[0]
    dst = edge_index[1]
    # ---- EdgeCentric (edge1) ----
    ea = edge_attr @ e1_fce_W.T + e1_fce_b            # [E, 2]
    # add_neighbours: per-edge sum of endpoint node features
    node_sum = x[src] + x[dst]                        # [E, 2] (gathers)
    node_sum = node_sum @ e1_fcx_W.T + e1_fcx_b       # [E, 4]
    ea = jnp.concatenate([ea, node_sum], axis=1)      # [E, 6]
    ea = jax.nn.relu(ea)
    # ---- NodeCentric (node1) ----
    xn = x @ n1_fcx_W.T + n1_fcx_b                    # [N, 4]
    n_nodes = x.shape[0]
    # add_edges: per-node sum of incident edge attrs (scatter-add to both endpoints)
    edge_sum = jnp.zeros((n_nodes, ea.shape[1]), dtype=x.dtype)
    edge_sum = edge_sum.at[dst].add(ea)
    edge_sum = edge_sum.at[src].add(ea)               # [N, 6]
    edge_sum = edge_sum @ n1_fce_W.T + n1_fce_b       # [N, 10]
    xn = jnp.concatenate([xn, edge_sum], axis=1)      # [N, 14]
    xn = jax.nn.relu(xn)
    return xn, ea

if __name__ == "__main__":
    import jax
    _d = setup_inputs()
    print(jax.jit(kernel)(*tuple(_d.values())))

</pallas_src>

<mosaic_0001>
#map = affine_map<(d0, d1) -> (0)>
#map1 = affine_map<(d0, d1) -> (0, 0)>
module attributes {stable_mosaic.version = 14 : i64} {
  func.func @_scatter_body(%arg0: i32, %arg1: i32, %arg2: memref<6400000xi32, #tpu.memory_space<hbm>>, %arg3: memref<6400000xi32, #tpu.memory_space<hbm>>, %arg4: memref<6400000x8xf32, #tpu.memory_space<hbm>>, %arg5: memref<200704x8xf32, #tpu.memory_space<hbm>>, %arg6: memref<5000xi32, #tpu.memory_space<vmem>>, %arg7: memref<5000xi32, #tpu.memory_space<vmem>>, %arg8: memref<5000x8xf32, #tpu.memory_space<vmem>>, %arg9: memref<100352x8xf32, #tpu.memory_space<vmem_shared>>) attributes {dimension_semantics = [#tpu.dimension_semantics<core_parallel>, #tpu.dimension_semantics<subcore_parallel>], iteration_bounds = array<i64: 2, 16>, scalar_prefetch = 0 : i64, scratch_operands = 4 : i64, tpu.core_type = #tpu.core_type<sc_vector_subcore>, window_params = [{transform_indices = #map}, {transform_indices = #map}, {transform_indices = #map1}, {transform_indices = #map1}]} {
    %mul3A = arith.constant 16 : i32
    %mul3A_0 = arith.muli %arg0, %mul3A : i32
    %add3A = arith.addi %mul3A_0, %arg1 : i32
    %iota3A = tpu.iota {dimensions = array<i32: 0>} : vector<16xi32>
    %broadcast_in_dim3A = arith.constant 0.000000e+00 : f32
    %broadcast_in_dim3A_1 = vector.broadcast %broadcast_in_dim3A : f32 to vector<16xf32>
    %broadcast_in_dim3A_2 = arith.constant 0 : i32
    %broadcast_in_dim3A_3 = vector.broadcast %broadcast_in_dim3A_2 : i32 to vector<16xi32>
    %broadcast_in_dim3A_4 = arith.constant 1 : i32
    %broadcast_in_dim3A_5 = vector.broadcast %broadcast_in_dim3A_4 : i32 to vector<16xi32>
    %broadcast_in_dim3A_6 = arith.constant 2 : i32
    %broadcast_in_dim3A_7 = vector.broadcast %broadcast_in_dim3A_6 : i32 to vector<16xi32>
    %broadcast_in_dim3A_8 = arith.constant 3 : i32
    %broadcast_in_dim3A_9 = vector.broadcast %broadcast_in_dim3A_8 : i32 to vector<16xi32>
    %broadcast_in_dim3A_10 = arith.constant 4 : i32
    %broadcast_in_dim3A_11 = vector.broadcast %broadcast_in_dim3A_10 : i32 to vector<16xi32>
    %broadcast_in_dim3A_12 = arith.constant 5 : i32
    %broadcast_in_dim3A_13 = vector.broadcast %broadcast_in_dim3A_12 : i32 to vector<16xi32>
    %broadcast_in_dim3A_14 = arith.constant 6 : i32
    %broadcast_in_dim3A_15 = vector.broadcast %broadcast_in_dim3A_14 : i32 to vector<16xi32>
    %broadcast_in_dim3A_16 = arith.constant 7 : i32
    %broadcast_in_dim3A_17 = vector.broadcast %broadcast_in_dim3A_16 : i32 to vector<16xi32>
    %scan3A = arith.constant 0 : i32
    %scan3A_18 = arith.constant 0 : i32
    %scan3A_19 = arith.constant 312 : i32
    %scan3A_20 = arith.addi %scan3A_18, %scan3A_19 : i32
    %scan3A_21 = arith.constant 1 : i32
    %scan3A_22 = scf.for %scan3A_52 = %scan3A_18 to %scan3A_20 step %scan3A_21 iter_args(%scan3A_53 = %scan3A) -> (i32)  : i32 {
      %mul3A_54 = arith.constant 16 : i32
      %mul3A_55 = arith.muli %scan3A_52, %mul3A_54 : i32
      %add3A_56 = vector.broadcast %mul3A_55 : i32 to vector<16xi32>
      %add3A_57 = arith.addi %iota3A, %add3A_56 : vector<16xi32>
      tpu.vector_store_idx %arg8[%add3A_57, %broadcast_in_dim3A_3], %broadcast_in_dim3A_1 : memref<5000x8xf32, #tpu.memory_space<vmem>>[vector<16xi32>, vector<16xi32>], vector<16xf32>,
      tpu.vector_store_idx %arg8[%add3A_57, %broadcast_in_dim3A_5], %broadcast_in_dim3A_1 : memref<5000x8xf32, #tpu.memory_space<vmem>>[vector<16xi32>, vector<16xi32>], vector<16xf32>,
      tpu.vector_store_idx %arg8[%add3A_57, %broadcast_in_dim3A_7], %broadcast_in_dim3A_1 : memref<5000x8xf32, #tpu.memory_space<vmem>>[vector<16xi32>, vector<16xi32>], vector<16xf32>,
      tpu.vector_store_idx %arg8[%add3A_57, %broadcast_in_dim3A_9], %broadcast_in_dim3A_1 : memref<5000x8xf32, #tpu.memory_space<vmem>>[vector<16xi32>, vector<16xi32>], vector<16xf32>,
      tpu.vector_store_idx %arg8[%add3A_57, %broadcast_in_dim3A_11], %broadcast_in_dim3A_1 : memref<5000x8xf32, #tpu.memory_space<vmem>>[vector<16xi32>, vector<16xi32>], vector<16xf32>,
      tpu.vector_store_idx %arg8[%add3A_57, %broadcast_in_dim3A_13], %broadcast_in_dim3A_1 : memref<5000x8xf32, #tpu.memory_space<vmem>>[vector<16xi32>, vector<16xi32>], vector<16xf32>,
      tpu.vector_store_idx %arg8[%add3A_57, %broadcast_in_dim3A_15], %broadcast_in_dim3A_1 : memref<5000x8xf32, #tpu.memory_space<vmem>>[vector<16xi32>, vector<16xi32>], vector<16xf32>,
      tpu.vector_store_idx %arg8[%add3A_57, %broadcast_in_dim3A_17], %broadcast_in_dim3A_1 : memref<5000x8xf32, #tpu.memory_space<vmem>>[vector<16xi32>, vector<16xi32>], vector<16xf32>,
      %scan3A_58 = arith.constant 0 : i32
      scf.yield %scan3A_58 : i32
    }
    %scan3A_23 = arith.constant 312 : i32
    %scan3A_24 = arith.constant 0 : i32
    %scan3A_25 = arith.constant 0 : i32
    %mul3A_26 = arith.constant 6272 : i32
    %mul3A_27 = arith.muli %arg1, %mul3A_26 : i32
    %mul3A_28 = arith.constant 5000 : i32
    %mul3A_29 = arith.muli %scan3A_25, %mul3A_28 : i32
    %add3A_30 = arith.addi %mul3A_27, %mul3A_29 : i32
    "tpu.region"() ({
      %run_scoped3A = tpu.sem_alloc : memref<!tpu.dma_semaphore, #tpu.memory_space<semaphore_mem>>
      %dma_start3A = arith.constant 0 : i32
      %dma_start3A_52 = tpu.memref_slice %arg9[%add3A_30, %dma_start3A] : memref<100352x8xf32, #tpu.memory_space<vmem_shared>> -> memref<5000x8xf32, #tpu.memory_space<vmem_shared>>
      %dma_start3A_53 = arith.constant 0 : i32
      %dma_start3A_54 = tpu.memref_slice %arg9[%add3A_30, %dma_start3A_53] : memref<100352x8xf32, #tpu.memory_space<vmem_shared>> -> memref<5000x8xf32, #tpu.memory_space<vmem_shared>>
      tpu.enqueue_dma source(%arg8 : memref<5000x8xf32, #tpu.memory_space<vmem>>) target(%dma_start3A_54 : memref<5000x8xf32, #tpu.memory_space<vmem_shared>>) target_semaphore(%run_scoped3A : memref<!tpu.dma_semaphore, #tpu.memory_space<semaphore_mem>>)
      %dma_wait3A = arith.constant 0 : i32
      %dma_wait3A_55 = tpu.memref_slice %arg9[%add3A_30, %dma_wait3A] : memref<100352x8xf32, #tpu.memory_space<vmem_shared>> -> memref<5000x8xf32, #tpu.memory_space<vmem_shared>>
      %dma_wait3A_56 = arith.constant 0 : i32
      %dma_wait3A_57 = tpu.memref_slice %arg9[%add3A_30, %dma_wait3A_56] : memref<100352x8xf32, #tpu.memory_space<vmem_shared>> -> memref<5000x8xf32, #tpu.memory_space<vmem_shared>>
      tpu.wait_dma2 semaphore(%run_scoped3A : memref<!tpu.dma_semaphore, #tpu.memory_space<semaphore_mem>>) src(%arg8 : memref<5000x8xf32, #tpu.memory_space<vmem>>) dst(%dma_wait3A_57 : memref<5000x8xf32, #tpu.memory_space<vmem_shared>>)
      tpu.yield
    }) : () -> ()
    %scan3A_31 = arith.constant 0 : i32
    %scan3A_32 = arith.constant 1 : i32
    %mul3A_33 = arith.constant 6272 : i32
    %mul3A_34 = arith.muli %arg1, %mul3A_33 : i32
    %add3A_35 = arith.constant 5000 : i32
    %add3A_36 = arith.addi %mul3A_34, %add3A_35 : i32
    "tpu.region"() ({
      %run_scoped3A = tpu.sem_alloc : memref<!tpu.dma_semaphore, #tpu.memory_space<semaphore_mem>>
      %dma_start3A = arith.constant 0 : i32
      %dma_start3A_52 = arith.constant 0 : i32
      %dma_start3A_53 = tpu.memref_slice %arg8[%dma_start3A, %dma_start3A_52] : memref<5000x8xf32, #tpu.memory_space<vmem>> -> memref<1272x8xf32, #tpu.memory_space<vmem>>
      %dma_start3A_54 = arith.constant 0 : i32
      %dma_start3A_55 = tpu.memref_slice %arg9[%add3A_36, %dma_start3A_54] : memref<100352x8xf32, #tpu.memory_space<vmem_shared>> -> memref<1272x8xf32, #tpu.memory_space<vmem_shared>>
      %dma_start3A_56 = arith.constant 0 : i32
      %dma_start3A_57 = tpu.memref_slice %arg9[%add3A_36, %dma_start3A_56] : memref<100352x8xf32, #tpu.memory_space<vmem_shared>> -> memref<1272x8xf32, #tpu.memory_space<vmem_shared>>
      %dma_start3A_58 = arith.constant 0 : i32
      %dma_start3A_59 = arith.constant 0 : i32
      %dma_start3A_60 = tpu.memref_slice %arg8[%dma_start3A_58, %dma_start3A_59] : memref<5000x8xf32, #tpu.memory_space<vmem>> -> memref<1272x8xf32, #tpu.memory_space<vmem>>
      tpu.enqueue_dma source(%dma_start3A_60 : memref<1272x8xf32, #tpu.memory_space<vmem>>) target(%dma_start3A_57 : memref<1272x8xf32, #tpu.memory_space<vmem_shared>>) target_semaphore(%run_scoped3A : memref<!tpu.dma_semaphore, #tpu.memory_space<semaphore_mem>>)
      %dma_wait3A = arith.constant 0 : i32
      %dma_wait3A_61 = arith.constant 0 : i32
      %dma_wait3A_62 = tpu.memref_slice %arg8[%dma_wait3A, %dma_wait3A_61] : memref<5000x8xf32, #tpu.memory_space<vmem>> -> memref<1272x8xf32, #tpu.memory_space<vmem>>
      %dma_wait3A_63 = arith.constant 0 : i32
      %dma_wait3A_64 = tpu.memref_slice %arg9[%add3A_36, %dma_wait3A_63] : memref<100352x8xf32, #tpu.memory_space<vmem_shared>> -> memref<1272x8xf32, #tpu.memory_space<vmem_shared>>
      %dma_wait3A_65 = arith.constant 0 : i32
      %dma_wait3A_66 = tpu.memref_slice %arg9[%add3A_36, %dma_wait3A_65] : memref<100352x8xf32, #tpu.memory_space<vmem_shared>> -> memref<1272x8xf32, #tpu.memory_space<vmem_shared>>
      %dma_wait3A_67 = arith.constant 0 : i32
      %dma_wait3A_68 = arith.constant 0 : i32
      %dma_wait3A_69 = tpu.memref_slice %arg8[%dma_wait3A_67, %dma_wait3A_68] : memref<5000x8xf32, #tpu.memory_space<vmem>> -> memref<1272x8xf32, #tpu.memory_space<vmem>>
      tpu.wait_dma2 semaphore(%run_scoped3A : memref<!tpu.dma_semaphore, #tpu.memory_space<semaphore_mem>>) src(%dma_wait3A_69 : memref<1272x8xf32, #tpu.memory_space<vmem>>) dst(%dma_wait3A_66 : memref<1272x8xf32, #tpu.memory_space<vmem_shared>>)
      tpu.yield
    }) : () -> ()
    %barrier3A = arith.constant 0 : index
    tpu.barrier barrier_id(%barrier3A)
    %scan3A_37 = arith.constant 0 : i32
    %scan3A_38 = arith.constant 0 : i32
    %scan3A_39 = arith.constant 40 : i32
    %scan3A_40 = arith.addi %scan3A_38, %scan3A_39 : i32
    %scan3A_41 = arith.constant 1 : i32
    %scan3A_42 = scf.for %scan3A_52 = %scan3A_38 to %scan3A_40 step %scan3A_41 iter_args(%scan3A_53 = %scan3A_37) -> (i32)  : i32 {
      %mul3A_54 = arith.constant 200000 : i32
      %mul3A_55 = arith.muli %add3A, %mul3A_54 : i32
      %mul3A_56 = arith.constant 5000 : i32
      %mul3A_57 = arith.muli %scan3A_52, %mul3A_56 : i32
      %add3A_58 = arith.addi %mul3A_55, %mul3A_57 : i32
      "tpu.region"() ({
        %run_scoped3A = tpu.sem_alloc : memref<!tpu.dma_semaphore, #tpu.memory_space<semaphore_mem>>
        %dma_start3A = tpu.memref_slice %arg2[%add3A_58] : memref<6400000xi32, #tpu.memory_space<hbm>> -> memref<5000xi32, #tpu.memory_space<hbm>>
        %dma_start3A_60 = tpu.memref_slice %arg2[%add3A_58] : memref<6400000xi32, #tpu.memory_space<hbm>> -> memref<5000xi32, #tpu.memory_space<hbm>>
        tpu.enqueue_dma source(%dma_start3A_60 : memref<5000xi32, #tpu.memory_space<hbm>>) target(%arg6 : memref<5000xi32, #tpu.memory_space<vmem>>) target_semaphore(%run_scoped3A : memref<!tpu.dma_semaphore, #tpu.memory_space<semaphore_mem>>)
        %dma_wait3A = tpu.memref_slice %arg2[%add3A_58] : memref<6400000xi32, #tpu.memory_space<hbm>> -> memref<5000xi32, #tpu.memory_space<hbm>>
        %dma_wait3A_61 = tpu.memref_slice %arg2[%add3A_58] : memref<6400000xi32, #tpu.memory_space<hbm>> -> memref<5000xi32, #tpu.memory_space<hbm>>
        tpu.wait_dma2 semaphore(%run_scoped3A : memref<!tpu.dma_semaphore, #tpu.memory_space<semaphore_mem>>) src(%dma_wait3A_61 : memref<5000xi32, #tpu.memory_space<hbm>>) dst(%arg6 : memref<5000xi32, #tpu.memory_space<vmem>>)
        tpu.yield
      }) : () -> ()
      "tpu.region"() ({
        %run_scoped3A = tpu.sem_alloc : memref<!tpu.dma_semaphore, #tpu.memory_space<semaphore_mem>>
        %dma_start3A = tpu.memref_slice %arg3[%add3A_58] : memref<6400000xi32, #tpu.memory_space<hbm>> -> memref<5000xi32, #tpu.memory_space<hbm>>
        %dma_start3A_60 = tpu.memref_slice %arg3[%add3A_58] : memref<6400000xi32, #tpu.memory_space<hbm>> -> memref<5000xi32, #tpu.memory_space<hbm>>
        tpu.enqueue_dma source(%dma_start3A_60 : memref<5000xi32, #tpu.memory_space<hbm>>) target(%arg7 : memref<5000xi32, #tpu.memory_space<vmem>>) target_semaphore(%run_scoped3A : memref<!tpu.dma_semaphore, #tpu.memory_space<semaphore_mem>>)
        %dma_wait3A = tpu.memref_slice %arg3[%add3A_58] : memref<6400000xi32, #tpu.memory_space<hbm>> -> memref<5000xi32, #tpu.memory_space<hbm>>
        %dma_wait3A_61 = tpu.memref_slice %arg3[%add3A_58] : memref<6400000xi32, #tpu.memory_space<hbm>> -> memref<5000xi32, #tpu.memory_space<hbm>>
        tpu.wait_dma2 semaphore(%run_scoped3A : memref<!tpu.dma_semaphore, #tpu.memory_space<semaphore_mem>>) src(%dma_wait3A_61 : memref<5000xi32, #tpu.memory_space<hbm>>) dst(%arg7 : memref<5000xi32, #tpu.memory_space<vmem>>)
        tpu.yield
      }) : () -> ()
      "tpu.region"() ({
        %run_scoped3A = tpu.sem_alloc : memref<!tpu.dma_semaphore, #tpu.memory_space<semaphore_mem>>
        %dma_start3A = arith.constant 0 : i32
        %dma_start3A_60 = tpu.memref_slice %arg4[%add3A_58, %dma_start3A] : memref<6400000x8xf32, #tpu.memory_space<hbm>> -> memref<5000x8xf32, #tpu.memory_space<hbm>>
        %dma_start3A_61 = arith.constant 0 : i32
        %dma_start3A_62 = tpu.memref_slice %arg4[%add3A_58, %dma_start3A_61] : memref<6400000x8xf32, #tpu.memory_space<hbm>> -> memref<5000x8xf32, #tpu.memory_space<hbm>>
        tpu.enqueue_dma source(%dma_start3A_62 : memref<5000x8xf32, #tpu.memory_space<hbm>>) target(%arg8 : memref<5000x8xf32, #tpu.memory_space<vmem>>) target_semaphore(%run_scoped3A : memref<!tpu.dma_semaphore, #tpu.memory_space<semaphore_mem>>)
        %dma_wait3A = arith.constant 0 : i32
        %dma_wait3A_63 = tpu.memref_slice %arg4[%add3A_58, %dma_wait3A] : memref<6400000x8xf32, #tpu.memory_space<hbm>> -> memref<5000x8xf32, #tpu.memory_space<hbm>>
        %dma_wait3A_64 = arith.constant 0 : i32
        %dma_wait3A_65 = tpu.memref_slice %arg4[%add3A_58, %dma_wait3A_64] : memref<6400000x8xf32, #tpu.memory_space<hbm>> -> memref<5000x8xf32, #tpu.memory_space<hbm>>
        tpu.wait_dma2 semaphore(%run_scoped3A : memref<!tpu.dma_semaphore, #tpu.memory_space<semaphore_mem>>) src(%dma_wait3A_65 : memref<5000x8xf32, #tpu.memory_space<hbm>>) dst(%arg8 : memref<5000x8xf32, #tpu.memory_space<vmem>>)
        tpu.yield
      }) : () -> ()
      "tpu.region"() ({
        %run_scoped3A = tpu.sem_alloc : memref<!tpu.dma_semaphore, #tpu.memory_space<semaphore_mem>>
        %dma_start3A = arith.constant 0 : i32
        %dma_start3A_60 = arith.constant 0 : i32
        %dma_start3A_61 = tpu.memref_slice %arg9[%dma_start3A, %dma_start3A_60] : memref<100352x8xf32, #tpu.memory_space<vmem_shared>> -> memref<100352x8xf32, #tpu.memory_space<vmem_shared>>
        tpu.enqueue_indirect_dma source(%arg8 : memref<5000x8xf32, #tpu.memory_space<vmem>>) target(%dma_start3A_61 : memref<100352x8xf32, #tpu.memory_space<vmem_shared>>) offsets(%arg7 : memref<5000xi32, #tpu.memory_space<vmem>>) semaphore(%run_scoped3A : memref<!tpu.dma_semaphore, #tpu.memory_space<semaphore_mem>>) {add = true}
        %dma_wait3A = arith.constant 0 : i32
        %dma_wait3A_62 = arith.constant 0 : i32
        %dma_wait3A_63 = tpu.memref_slice %arg9[%dma_wait3A, %dma_wait3A_62] : memref<100352x8xf32, #tpu.memory_space<vmem_shared>> -> memref<100352x8xf32, #tpu.memory_space<vmem_shared>>
        tpu.wait_indirect_dma semaphore(%run_scoped3A : memref<!tpu.dma_semaphore, #tpu.memory_space<semaphore_mem>>) src(%arg8 : memref<5000x8xf32, #tpu.memory_space<vmem>>) dst(%dma_wait3A_63 : memref<100352x8xf32, #tpu.memory_space<vmem_shared>>)
        tpu.yield
      }) : () -> ()
      "tpu.region"() ({
        %run_scoped3A = tpu.sem_alloc : memref<!tpu.dma_semaphore, #tpu.memory_space<semaphore_mem>>
        %dma_start3A = arith.constant 0 : i32
        %dma_start3A_60 = arith.constant 0 : i32
        %dma_start3A_61 = tpu.memref_slice %arg9[%dma_start3A, %dma_start3A_60] : memref<100352x8xf32, #tpu.memory_space<vmem_shared>> -> memref<100352x8xf32, #tpu.memory_space<vmem_shared>>
        tpu.enqueue_indirect_dma source(%arg8 : memref<5000x8xf32, #tpu.memory_space<vmem>>) target(%dma_start3A_61 : memref<100352x8xf32, #tpu.memory_space<vmem_shared>>) offsets(%arg6 : memref<5000xi32, #tpu.memory_space<vmem>>) semaphore(%run_scoped3A : memref<!tpu.dma_semaphore, #tpu.memory_space<semaphore_mem>>) {add = true}
        %dma_wait3A = arith.constant 0 : i32
        %dma_wait3A_62 = arith.constant 0 : i32
        %dma_wait3A_63 = tpu.memref_slice %arg9[%dma_wait3A, %dma_wait3A_62] : memref<100352x8xf32, #tpu.memory_space<vmem_shared>> -> memref<100352x8xf32, #tpu.memory_space<vmem_shared>>
        tpu.wait_indirect_dma semaphore(%run_scoped3A : memref<!tpu.dma_semaphore, #tpu.memory_space<semaphore_mem>>) src(%arg8 : memref<5000x8xf32, #tpu.memory_space<vmem>>) dst(%dma_wait3A_63 : memref<100352x8xf32, #tpu.memory_space<vmem_shared>>)
        tpu.yield
      }) : () -> ()
      %scan3A_59 = arith.constant 0 : i32
      scf.yield %scan3A_59 : i32
    }
    %scan3A_43 = arith.constant 40 : i32
    %barrier3A_44 = arith.constant 0 : index
    tpu.barrier barrier_id(%barrier3A_44)
    %mul3A_45 = arith.constant 6272 : i32
    %mul3A_46 = arith.muli %arg1, %mul3A_45 : i32
    %mul3A_47 = arith.constant 100352 : i32
    %mul3A_48 = arith.muli %arg0, %mul3A_47 : i32
    %mul3A_49 = arith.constant 6272 : i32
    %mul3A_50 = arith.muli %arg1, %mul3A_49 : i32
    %add3A_51 = arith.addi %mul3A_48, %mul3A_50 : i32
    "tpu.region"() ({
      %run_scoped3A = tpu.sem_alloc : memref<!tpu.dma_semaphore, #tpu.memory_space<semaphore_mem>>
      %dma_start3A = arith.constant 0 : i32
      %dma_start3A_52 = tpu.memref_slice %arg5[%add3A_51, %dma_start3A] : memref<200704x8xf32, #tpu.memory_space<hbm>> -> memref<6272x8xf32, #tpu.memory_space<hbm>>
      %dma_start3A_53 = arith.constant 0 : i32
      %dma_start3A_54 = tpu.memref_slice %arg9[%mul3A_46, %dma_start3A_53] : memref<100352x8xf32, #tpu.memory_space<vmem_shared>> -> memref<6272x8xf32, #tpu.memory_space<vmem_shared>>
      tpu.enqueue_dma source(%dma_start3A_54 : memref<6272x8xf32, #tpu.memory_space<vmem_shared>>) target(%dma_start3A_52 : memref<6272x8xf32, #tpu.memory_space<hbm>>) target_semaphore(%run_scoped3A : memref<!tpu.dma_semaphore, #tpu.memory_space<semaphore_mem>>)
      %dma_wait3A = arith.constant 0 : i32
      %dma_wait3A_55 = tpu.memref_slice %arg5[%add3A_51, %dma_wait3A] : memref<200704x8xf32, #tpu.memory_space<hbm>> -> memref<6272x8xf32, #tpu.memory_space<hbm>>
      %dma_wait3A_56 = arith.constant 0 : i32
      %dma_wait3A_57 = tpu.memref_slice %arg9[%mul3A_46, %dma_wait3A_56] : memref<100352x8xf32, #tpu.memory_space<vmem_shared>> -> memref<6272x8xf32, #tpu.memory_space<vmem_shared>>
      tpu.wait_dma2 semaphore(%run_scoped3A : memref<!tpu.dma_semaphore, #tpu.memory_space<semaphore_mem>>) src(%dma_wait3A_57 : memref<6272x8xf32, #tpu.memory_space<vmem_shared>>) dst(%dma_wait3A_55 : memref<6272x8xf32, #tpu.memory_space<hbm>>)
      tpu.yield
    }) : () -> ()
    return
  }
}

#map = affine_map<(d0, d1) -> (0)>
#map1 = affine_map<(d0, d1) -> (0, 0)>
module attributes {stable_mosaic.version = 14 : i64} {
  func.func @_node_body(%arg0: i32, %arg1: i32, %arg2: memref<100352xi32, #tpu.memory_space<hbm>>, %arg3: memref<200704x8xf32, #tpu.memory_space<hbm>>, %arg4: memref<96xf32, #tpu.memory_space<hbm>>, %arg5: memref<100352xf32, #tpu.memory_space<hbm>>, %arg6: memref<100352xf32, #tpu.memory_space<hbm>>, %arg7: memref<100352xf32, #tpu.memory_space<hbm>>, %arg8: memref<100352xf32, #tpu.memory_space<hbm>>, %arg9: memref<100352xf32, #tpu.memory_space<hbm>>, %arg10: memref<100352xf32, #tpu.memory_space<hbm>>, %arg11: memref<100352xf32, #tpu.memory_space<hbm>>, %arg12: memref<100352xf32, #tpu.memory_space<hbm>>, %arg13: memref<100352xf32, #tpu.memory_space<hbm>>, %arg14: memref<100352xf32, #tpu.memory_space<hbm>>, %arg15: memref<100352xf32, #tpu.memory_space<hbm>>, %arg16: memref<100352xf32, #tpu.memory_space<hbm>>, %arg17: memref<100352xf32, #tpu.memory_space<hbm>>, %arg18: memref<100352xf32, #tpu.memory_space<hbm>>, %arg19: memref<3136xi32, #tpu.memory_space<vmem>>, %arg20: memref<3136x8xf32, #tpu.memory_space<vmem>>, %arg21: memref<3136x8xf32, #tpu.memory_space<vmem>>, %arg22: memref<14x3136xf32, #tpu.memory_space<vmem>>, %arg23: memref<96xf32, #tpu.memory_space<vmem>>) attributes {dimension_semantics = [#tpu.dimension_semantics<core_parallel>, #tpu.dimension_semantics<subcore_parallel>], iteration_bounds = array<i64: 2, 16>, scalar_prefetch = 0 : i64, scratch_operands = 5 : i64, tpu.core_type = #tpu.core_type<sc_vector_subcore>, window_params = [{transform_indices = #map}, {transform_indices = #map1}, {transform_indices = #map}, {transform_indices = #map}, {transform_indices = #map}, {transform_indices = #map}, {transform_indices = #map}, {transform_indices = #map}, {transform_indices = #map}, {transform_indices = #map}, {transform_indices = #map}, {transform_indices = #map}, {transform_indices = #map}, {transform_indices = #map}, {transform_indices = #map}, {transform_indices = #map}, {transform_indices = #map}]} {
    %mul3A = arith.constant 16 : i32
    %mul3A_0 = arith.muli %arg0, %mul3A : i32
    %add3A = arith.addi %mul3A_0, %arg1 : i32
    %mul3A_1 = arith.constant 3136 : i32
    %mul3A_2 = arith.muli %add3A, %mul3A_1 : i32
    "tpu.region"() ({
      %run_scoped3A_47 = tpu.sem_alloc : memref<!tpu.dma_semaphore, #tpu.memory_space<semaphore_mem>>
      tpu.enqueue_dma source(%arg4 : memref<96xf32, #tpu.memory_space<hbm>>) target(%arg23 : memref<96xf32, #tpu.memory_space<vmem>>) target_semaphore(%run_scoped3A_47 : memref<!tpu.dma_semaphore, #tpu.memory_space<semaphore_mem>>)
      tpu.wait_dma2 semaphore(%run_scoped3A_47 : memref<!tpu.dma_semaphore, #tpu.memory_space<semaphore_mem>>) src(%arg4 : memref<96xf32, #tpu.memory_space<hbm>>) dst(%arg23 : memref<96xf32, #tpu.memory_space<vmem>>)
      tpu.yield
    }) : () -> ()
    "tpu.region"() ({
      %run_scoped3A_47 = tpu.sem_alloc : memref<!tpu.dma_semaphore, #tpu.memory_space<semaphore_mem>>
      %dma_start3A = tpu.memref_slice %arg2[%mul3A_2] : memref<100352xi32, #tpu.memory_space<hbm>> -> memref<3136xi32, #tpu.memory_space<hbm>>
      %dma_start3A_48 = tpu.memref_slice %arg2[%mul3A_2] : memref<100352xi32, #tpu.memory_space<hbm>> -> memref<3136xi32, #tpu.memory_space<hbm>>
      tpu.enqueue_dma source(%dma_start3A_48 : memref<3136xi32, #tpu.memory_space<hbm>>) target(%arg19 : memref<3136xi32, #tpu.memory_space<vmem>>) target_semaphore(%run_scoped3A_47 : memref<!tpu.dma_semaphore, #tpu.memory_space<semaphore_mem>>)
      %dma_wait3A = tpu.memref_slice %arg2[%mul3A_2] : memref<100352xi32, #tpu.memory_space<hbm>> -> memref<3136xi32, #tpu.memory_space<hbm>>
      %dma_wait3A_49 = tpu.memref_slice %arg2[%mul3A_2] : memref<100352xi32, #tpu.memory_space<hbm>> -> memref<3136xi32, #tpu.memory_space<hbm>>
      tpu.wait_dma2 semaphore(%run_scoped3A_47 : memref<!tpu.dma_semaphore, #tpu.memory_space<semaphore_mem>>) src(%dma_wait3A_49 : memref<3136xi32, #tpu.memory_space<hbm>>) dst(%arg19 : memref<3136xi32, #tpu.memory_space<vmem>>)
      tpu.yield
    }) : () -> ()
    "tpu.region"() ({
      %run_scoped3A_47 = tpu.sem_alloc : memref<!tpu.dma_semaphore, #tpu.memory_space<semaphore_mem>>
      %dma_start3A = arith.constant 0 : i32
      %dma_start3A_48 = tpu.memref_slice %arg3[%mul3A_2, %dma_start3A] : memref<200704x8xf32, #tpu.memory_space<hbm>> -> memref<3136x8xf32, #tpu.memory_space<hbm>>
      %dma_start3A_49 = arith.constant 0 : i32
      %dma_start3A_50 = tpu.memref_slice %arg3[%mul3A_2, %dma_start3A_49] : memref<200704x8xf32, #tpu.memory_space<hbm>> -> memref<3136x8xf32, #tpu.memory_space<hbm>>
      tpu.enqueue_dma source(%dma_start3A_50 : memref<3136x8xf32, #tpu.memory_space<hbm>>) target(%arg20 : memref<3136x8xf32, #tpu.memory_space<vmem>>) target_semaphore(%run_scoped3A_47 : memref<!tpu.dma_semaphore, #tpu.memory_space<semaphore_mem>>)
      %dma_wait3A = arith.constant 0 : i32
      %dma_wait3A_51 = tpu.memref_slice %arg3[%mul3A_2, %dma_wait3A] : memref<200704x8xf32, #tpu.memory_space<hbm>> -> memref<3136x8xf32, #tpu.memory_space<hbm>>
      %dma_wait3A_52 = arith.constant 0 : i32
      %dma_wait3A_53 = tpu.memref_slice %arg3[%mul3A_2, %dma_wait3A_52] : memref<200704x8xf32, #tpu.memory_space<hbm>> -> memref<3136x8xf32, #tpu.memory_space<hbm>>
      tpu.wait_dma2 semaphore(%run_scoped3A_47 : memref<!tpu.dma_semaphore, #tpu.memory_space<semaphore_mem>>) src(%dma_wait3A_53 : memref<3136x8xf32, #tpu.memory_space<hbm>>) dst(%arg20 : memref<3136x8xf32, #tpu.memory_space<vmem>>)
      tpu.yield
    }) : () -> ()
    %add3A_3 = arith.constant 100352 : i32
    %add3A_4 = arith.addi %add3A_3, %mul3A_2 : i32
    "tpu.region"() ({
      %run_scoped3A_47 = tpu.sem_alloc : memref<!tpu.dma_semaphore, #tpu.memory_space<semaphore_mem>>
      %dma_start3A = arith.constant 0 : i32
      %dma_start3A_48 = tpu.memref_slice %arg3[%add3A_4, %dma_start3A] : memref<200704x8xf32, #tpu.memory_space<hbm>> -> memref<3136x8xf32, #tpu.memory_space<hbm>>
      %dma_start3A_49 = arith.constant 0 : i32
      %dma_start3A_50 = tpu.memref_slice %arg3[%add3A_4, %dma_start3A_49] : memref<200704x8xf32, #tpu.memory_space<hbm>> -> memref<3136x8xf32, #tpu.memory_space<hbm>>
      tpu.enqueue_dma source(%dma_start3A_50 : memref<3136x8xf32, #tpu.memory_space<hbm>>) target(%arg21 : memref<3136x8xf32, #tpu.memory_space<vmem>>) target_semaphore(%run_scoped3A_47 : memref<!tpu.dma_semaphore, #tpu.memory_space<semaphore_mem>>)
      %dma_wait3A = arith.constant 0 : i32
      %dma_wait3A_51 = tpu.memref_slice %arg3[%add3A_4, %dma_wait3A] : memref<200704x8xf32, #tpu.memory_space<hbm>> -> memref<3136x8xf32, #tpu.memory_space<hbm>>
      %dma_wait3A_52 = arith.constant 0 : i32
      %dma_wait3A_53 = tpu.memref_slice %arg3[%add3A_4, %dma_wait3A_52] : memref<200704x8xf32, #tpu.memory_space<hbm>> -> memref<3136x8xf32, #tpu.memory_space<hbm>>
      tpu.wait_dma2 semaphore(%run_scoped3A_47 : memref<!tpu.dma_semaphore, #tpu.memory_space<semaphore_mem>>) src(%dma_wait3A_53 : memref<3136x8xf32, #tpu.memory_space<hbm>>) dst(%arg21 : memref<3136x8xf32, #tpu.memory_space<vmem>>)
      tpu.yield
    }) : () -> ()
    %get3A = arith.constant 0 : index
    %get3A_5 = tpu.vector_load %arg23[%get3A] {strides = array<i32>} : memref<96xf32, #tpu.memory_space<vmem>>, vector<16xf32>,
    %get3A_6 = arith.constant 16 : index
    %get3A_7 = tpu.vector_load %arg23[%get3A_6] {strides = array<i32>} : memref<96xf32, #tpu.memory_space<vmem>>, vector<16xf32>,
    %get3A_8 = arith.constant 32 : index
    %get3A_9 = tpu.vector_load %arg23[%get3A_8] {strides = array<i32>} : memref<96xf32, #tpu.memory_space<vmem>>, vector<16xf32>,
    %get3A_10 = arith.constant 48 : index
    %get3A_11 = tpu.vector_load %arg23[%get3A_10] {strides = array<i32>} : memref<96xf32, #tpu.memory_space<vmem>>, vector<16xf32>,
    %get3A_12 = arith.constant 64 : index
    %get3A_13 = tpu.vector_load %arg23[%get3A_12] {strides = array<i32>} : memref<96xf32, #tpu.memory_space<vmem>>, vector<16xf32>,
    %get3A_14 = arith.constant 80 : index
    %get3A_15 = tpu.vector_load %arg23[%get3A_14] {strides = array<i32>} : memref<96xf32, #tpu.memory_space<vmem>>, vector<16xf32>,
    %iota3A = tpu.iota {dimensions = array<i32: 0>} : vector<16xi32>
    %broadcast_in_dim3A = arith.constant 0 : i32
    %broadcast_in_dim3A_16 = vector.broadcast %broadcast_in_dim3A : i32 to vector<16xi32>
    %broadcast_in_dim3A_17 = arith.constant 1 : i32
    %broadcast_in_dim3A_18 = vector.broadcast %broadcast_in_dim3A_17 : i32 to vector<16xi32>
    %broadcast_in_dim3A_19 = arith.constant 2 : i32
    %broadcast_in_dim3A_20 = vector.broadcast %broadcast_in_dim3A_19 : i32 to vector<16xi32>
    %broadcast_in_dim3A_21 = arith.constant 3 : i32
    %broadcast_in_dim3A_22 = vector.broadcast %broadcast_in_dim3A_21 : i32 to vector<16xi32>
    %broadcast_in_dim3A_23 = arith.constant 4 : i32
    %broadcast_in_dim3A_24 = vector.broadcast %broadcast_in_dim3A_23 : i32 to vector<16xi32>
    %broadcast_in_dim3A_25 = arith.constant 5 : i32
    %broadcast_in_dim3A_26 = vector.broadcast %broadcast_in_dim3A_25 : i32 to vector<16xi32>
    %scan3A = arith.constant 0.000000e+00 : f32
    %scan3A_27 = arith.constant 0 : i32
    %scan3A_28 = arith.constant 0 : i32
    %scan3A_29 = arith.constant 196 : i32
    %scan3A_30 = arith.addi %scan3A_28, %scan3A_29 : i32
    %scan3A_31 = arith.constant 1 : i32
    %scan3A_32 = scf.for %scan3A_47 = %scan3A_28 to %scan3A_30 step %scan3A_31 iter_args(%scan3A_48 = %scan3A_27) -> (i32)  : i32 {
      %mul3A_49 = arith.constant 16 : i32
      %mul3A_50 = arith.muli %scan3A_47, %mul3A_49 : i32
      %add3A_51 = vector.broadcast %mul3A_50 : i32 to vector<16xi32>
      %add3A_52 = arith.addi %iota3A, %add3A_51 : vector<16xi32>
      %mul3A_53 = arith.constant 16 : i32
      %mul3A_54 = arith.muli %scan3A_47, %mul3A_53 : i32
      %get3A_55 = arith.index_cast %mul3A_54 : i32 to index
      %get3A_56 = tpu.vector_load %arg19[%get3A_55] {strides = array<i32>} : memref<3136xi32, #tpu.memory_space<vmem>>, vector<16xi32>,
      %shift_left3A = arith.constant 16 : i32
      %shift_left3A_57 = vector.broadcast %shift_left3A : i32 to vector<16xi32>
      %shift_left3A_58 = arith.shli %get3A_56, %shift_left3A_57 : vector<16xi32>
      %bitcast3A = vector.bitcast %shift_left3A_58 : vector<16xi32> to vector<16xf32>
      %and3A = arith.constant -65536 : i32
      %and3A_59 = vector.broadcast %and3A : i32 to vector<16xi32>
      %and3A_60 = arith.andi %get3A_56, %and3A_59 : vector<16xi32>
      %bitcast3A_61 = vector.bitcast %and3A_60 : vector<16xi32> to vector<16xf32>
      %gather3A = tpu.vector_load_idx %arg20[%add3A_52, %broadcast_in_dim3A_16] : memref<3136x8xf32, #tpu.memory_space<vmem>>[vector<16xi32>, vector<16xi32>], vector<16xf32>,
      %gather3A_62 = tpu.vector_load_idx %arg21[%add3A_52, %broadcast_in_dim3A_16] : memref<3136x8xf32, #tpu.memory_space<vmem>>[vector<16xi32>, vector<16xi32>], vector<16xf32>,
      %add3A_63 = arith.addf %gather3A, %gather3A_62 : vector<16xf32>
      %gather3A_64 = tpu.vector_load_idx %arg20[%add3A_52, %broadcast_in_dim3A_18] : memref<3136x8xf32, #tpu.memory_space<vmem>>[vector<16xi32>, vector<16xi32>], vector<16xf32>,
      %gather3A_65 = tpu.vector_load_idx %arg21[%add3A_52, %broadcast_in_dim3A_18] : memref<3136x8xf32, #tpu.memory_space<vmem>>[vector<16xi32>, vector<16xi32>], vector<16xf32>,
      %add3A_66 = arith.addf %gather3A_64, %gather3A_65 : vector<16xf32>
      %gather3A_67 = tpu.vector_load_idx %arg20[%add3A_52, %broadcast_in_dim3A_20] : memref<3136x8xf32, #tpu.memory_space<vmem>>[vector<16xi32>, vector<16xi32>], vector<16xf32>,
      %gather3A_68 = tpu.vector_load_idx %arg21[%add3A_52, %broadcast_in_dim3A_20] : memref<3136x8xf32, #tpu.memory_space<vmem>>[vector<16xi32>, vector<16xi32>], vector<16xf32>,
      %add3A_69 = arith.addf %gather3A_67, %gather3A_68 : vector<16xf32>
      %gather3A_70 = tpu.vector_load_idx %arg20[%add3A_52, %broadcast_in_dim3A_22] : memref<3136x8xf32, #tpu.memory_space<vmem>>[vector<16xi32>, vector<16xi32>], vector<16xf32>,
      %gather3A_71 = tpu.vector_load_idx %arg21[%add3A_52, %broadcast_in_dim3A_22] : memref<3136x8xf32, #tpu.memory_space<vmem>>[vector<16xi32>, vector<16xi32>], vector<16xf32>,
      %add3A_72 = arith.addf %gather3A_70, %gather3A_71 : vector<16xf32>
      %gather3A_73 = tpu.vector_load_idx %arg20[%add3A_52, %broadcast_in_dim3A_24] : memref<3136x8xf32, #tpu.memory_space<vmem>>[vector<16xi32>, vector<16xi32>], vector<16xf32>,
      %gather3A_74 = tpu.vector_load_idx %arg21[%add3A_52, %broadcast_in_dim3A_24] : memref<3136x8xf32, #tpu.memory_space<vmem>>[vector<16xi32>, vector<16xi32>], vector<16xf32>,
      %add3A_75 = arith.addf %gather3A_73, %gather3A_74 : vector<16xf32>
      %gather3A_76 = tpu.vector_load_idx %arg20[%add3A_52, %broadcast_in_dim3A_26] : memref<3136x8xf32, #tpu.memory_space<vmem>>[vector<16xi32>, vector<16xi32>], vector<16xf32>,
      %gather3A_77 = tpu.vector_load_idx %arg21[%add3A_52, %broadcast_in_dim3A_26] : memref<3136x8xf32, #tpu.memory_space<vmem>>[vector<16xi32>, vector<16xi32>], vector<16xf32>,
      %add3A_78 = arith.addf %gather3A_76, %gather3A_77 : vector<16xf32>
      %slice3A = vector.extract_strided_slice %get3A_5 {offsets = [0], sizes = [1], strides = [1]} : vector<16xf32> to vector<1xf32>
      %squeeze3A = vector.extract %slice3A[0] : f32 from vector<1xf32>
      %mul3A_79 = vector.broadcast %squeeze3A : f32 to vector<16xf32>
      %mul3A_80 = arith.mulf %bitcast3A, %mul3A_79 : vector<16xf32>
      %slice3A_81 = vector.extract_strided_slice %get3A_5 {offsets = [1], sizes = [1], strides = [1]} : vector<16xf32> to vector<1xf32>
      %squeeze3A_82 = vector.extract %slice3A_81[0] : f32 from vector<1xf32>
      %mul3A_83 = vector.broadcast %squeeze3A_82 : f32 to vector<16xf32>
      %mul3A_84 = arith.mulf %bitcast3A_61, %mul3A_83 : vector<16xf32>
      %add3A_85 = arith.addf %mul3A_80, %mul3A_84 : vector<16xf32>
      %slice3A_86 = vector.extract_strided_slice %get3A_5 {offsets = [8], sizes = [1], strides = [1]} : vector<16xf32> to vector<1xf32>
      %squeeze3A_87 = vector.extract %slice3A_86[0] : f32 from vector<1xf32>
      %add3A_88 = vector.broadcast %squeeze3A_87 : f32 to vector<16xf32>
      %add3A_89 = arith.addf %add3A_85, %add3A_88 : vector<16xf32>
      %max3A = vector.broadcast %scan3A : f32 to vector<16xf32>
      %max3A_90 = arith.maximumf %add3A_89, %max3A : vector<16xf32>
      %swap3A = arith.constant 0 : i32
      %swap3A_91 = arith.index_cast %swap3A : i32 to index
      %swap3A_92 = arith.index_cast %mul3A_54 : i32 to index
      %swap3A_93 = tpu.vector_load %arg22[%swap3A_91, %swap3A_92] {strides = array<i32>} : memref<14x3136xf32, #tpu.memory_space<vmem>>, vector<16xf32>,
      tpu.vector_store %arg22[%swap3A_91, %swap3A_92], %max3A_90 {strides = array<i32>} : memref<14x3136xf32, #tpu.memory_space<vmem>>, vector<16xf32>,
      %slice3A_94 = vector.extract_strided_slice %get3A_5 {offsets = [2], sizes = [1], strides = [1]} : vector<16xf32> to vector<1xf32>
      %squeeze3A_95 = vector.extract %slice3A_94[0] : f32 from vector<1xf32>
      %mul3A_96 = vector.broadcast %squeeze3A_95 : f32 to vector<16xf32>
      %mul3A_97 = arith.mulf %bitcast3A, %mul3A_96 : vector<16xf32>
      %slice3A_98 = vector.extract_strided_slice %get3A_5 {offsets = [3], sizes = [1], strides = [1]} : vector<16xf32> to vector<1xf32>
      %squeeze3A_99 = vector.extract %slice3A_98[0] : f32 from vector<1xf32>
      %mul3A_100 = vector.broadcast %squeeze3A_99 : f32 to vector<16xf32>
      %mul3A_101 = arith.mulf %bitcast3A_61, %mul3A_100 : vector<16xf32>
      %add3A_102 = arith.addf %mul3A_97, %mul3A_101 : vector<16xf32>
      %slice3A_103 = vector.extract_strided_slice %get3A_5 {offsets = [9], sizes = [1], strides = [1]} : vector<16xf32> to vector<1xf32>
      %squeeze3A_104 = vector.extract %slice3A_103[0] : f32 from vector<1xf32>
      %add3A_105 = vector.broadcast %squeeze3A_104 : f32 to vector<16xf32>
      %add3A_106 = arith.addf %add3A_102, %add3A_105 : vector<16xf32>
      %max3A_107 = vector.broadcast %scan3A : f32 to vector<16xf32>
      %max3A_108 = arith.maximumf %add3A_106, %max3A_107 : vector<16xf32>
      %swap3A_109 = arith.constant 1 : i32
      %swap3A_110 = arith.index_cast %swap3A_109 : i32 to index
      %swap3A_111 = arith.index_cast %mul3A_54 : i32 to index
      %swap3A_112 = tpu.vector_load %arg22[%swap3A_110, %swap3A_111] {strides = array<i32>} : memref<14x3136xf32, #tpu.memory_space<vmem>>, vector<16xf32>,
      tpu.vector_store %arg22[%swap3A_110, %swap3A_111], %max3A_108 {strides = array<i32>} : memref<14x3136xf32, #tpu.memory_space<vmem>>, vector<16xf32>,
      %slice3A_113 = vector.extract_strided_slice %get3A_5 {offsets = [4], sizes = [1], strides = [1]} : vector<16xf32> to vector<1xf32>
      %squeeze3A_114 = vector.extract %slice3A_113[0] : f32 from vector<1xf32>
      %mul3A_115 = vector.broadcast %squeeze3A_114 : f32 to vector<16xf32>
      %mul3A_116 = arith.mulf %bitcast3A, %mul3A_115 : vector<16xf32>
      %slice3A_117 = vector.extract_strided_slice %get3A_5 {offsets = [5], sizes = [1], strides = [1]} : vector<16xf32> to vector<1xf32>
      %squeeze3A_118 = vector.extract %slice3A_117[0] : f32 from vector<1xf32>
      %mul3A_119 = vector.broadcast %squeeze3A_118 : f32 to vector<16xf32>
      %mul3A_120 = arith.mulf %bitcast3A_61, %mul3A_119 : vector<16xf32>
      %add3A_121 = arith.addf %mul3A_116, %mul3A_120 : vector<16xf32>
      %slice3A_122 = vector.extract_strided_slice %get3A_5 {offsets = [10], sizes = [1], strides = [1]} : vector<16xf32> to vector<1xf32>
      %squeeze3A_123 = vector.extract %slice3A_122[0] : f32 from vector<1xf32>
      %add3A_124 = vector.broadcast %squeeze3A_123 : f32 to vector<16xf32>
      %add3A_125 = arith.addf %add3A_121, %add3A_124 : vector<16xf32>
      %max3A_126 = vector.broadcast %scan3A : f32 to vector<16xf32>
      %max3A_127 = arith.maximumf %add3A_125, %max3A_126 : vector<16xf32>
      %swap3A_128 = arith.constant 2 : i32
      %swap3A_129 = arith.index_cast %swap3A_128 : i32 to index
      %swap3A_130 = arith.index_cast %mul3A_54 : i32 to index
      %swap3A_131 = tpu.vector_load %arg22[%swap3A_129, %swap3A_130] {strides = array<i32>} : memref<14x3136xf32, #tpu.memory_space<vmem>>, vector<16xf32>,
      tpu.vector_store %arg22[%swap3A_129, %swap3A_130], %max3A_127 {strides = array<i32>} : memref<14x3136xf32, #tpu.memory_space<vmem>>, vector<16xf32>,
      %slice3A_132 = vector.extract_strided_slice %get3A_5 {offsets = [6], sizes = [1], strides = [1]} : vector<16xf32> to vector<1xf32>
      %squeeze3A_133 = vector.extract %slice3A_132[0] : f32 from vector<1xf32>
      %mul3A_134 = vector.broadcast %squeeze3A_133 : f32 to vector<16xf32>
      %mul3A_135 = arith.mulf %bitcast3A, %mul3A_134 : vector<16xf32>
      %slice3A_136 = vector.extract_strided_slice %get3A_5 {offsets = [7], sizes = [1], strides = [1]} : vector<16xf32> to vector<1xf32>
      %squeeze3A_137 = vector.extract %slice3A_136[0] : f32 from vector<1xf32>
      %mul3A_138 = vector.broadcast %squeeze3A_137 : f32 to vector<16xf32>
      %mul3A_139 = arith.mulf %bitcast3A_61, %mul3A_138 : vector<16xf32>
      %add3A_140 = arith.addf %mul3A_135, %mul3A_139 : vector<16xf32>
      %slice3A_141 = vector.extract_strided_slice %get3A_5 {offsets = [11], sizes = [1], strides = [1]} : vector<16xf32> to vector<1xf32>
      %squeeze3A_142 = vector.extract %slice3A_141[0] : f32 from vector<1xf32>
      %add3A_143 = vector.broadcast %squeeze3A_142 : f32 to vector<16xf32>
      %add3A_144 = arith.addf %add3A_140, %add3A_143 : vector<16xf32>
      %max3A_145 = vector.broadcast %scan3A : f32 to vector<16xf32>
      %max3A_146 = arith.maximumf %add3A_144, %max3A_145 : vector<16xf32>
      %swap3A_147 = arith.constant 3 : i32
      %swap3A_148 = arith.index_cast %swap3A_147 : i32 to index
      %swap3A_149 = arith.index_cast %mul3A_54 : i32 to index
      %swap3A_150 = tpu.vector_load %arg22[%swap3A_148, %swap3A_149] {strides = array<i32>} : memref<14x3136xf32, #tpu.memory_space<vmem>>, vector<16xf32>,
      tpu.vector_store %arg22[%swap3A_148, %swap3A_149], %max3A_146 {strides = array<i32>} : memref<14x3136xf32, #tpu.memory_space<vmem>>, vector<16xf32>,
      %slice3A_151 = vector.extract_strided_slice %get3A_5 {offsets = [12], sizes = [1], strides = [1]} : vector<16xf32> to vector<1xf32>
      %squeeze3A_152 = vector.extract %slice3A_151[0] : f32 from vector<1xf32>
      %mul3A_153 = vector.broadcast %squeeze3A_152 : f32 to vector<16xf32>
      %mul3A_154 = arith.mulf %add3A_63, %mul3A_153 : vector<16xf32>
      %slice3A_155 = vector.extract_strided_slice %get3A_5 {offsets = [13], sizes = [1], strides = [1]} : vector<16xf32> to vector<1xf32>
      %squeeze3A_156 = vector.extract %slice3A_155[0] : f32 from vector<1xf32>
      %mul3A_157 = vector.broadcast %squeeze3A_156 : f32 to vector<16xf32>
      %mul3A_158 = arith.mulf %add3A_66, %mul3A_157 : vector<16xf32>
      %add3A_159 = arith.addf %mul3A_154, %mul3A_158 : vector<16xf32>
      %slice3A_160 = vector.extract_strided_slice %get3A_5 {offsets = [14], sizes = [1], strides = [1]} : vector<16xf32> to vector<1xf32>
      %squeeze3A_161 = vector.extract %slice3A_160[0] : f32 from vector<1xf32>
      %mul3A_162 = vector.broadcast %squeeze3A_161 : f32 to vector<16xf32>
      %mul3A_163 = arith.mulf %add3A_69, %mul3A_162 : vector<16xf32>
      %add3A_164 = arith.addf %add3A_159, %mul3A_163 : vector<16xf32>
      %slice3A_165 = vector.extract_strided_slice %get3A_5 {offsets = [15], sizes = [1], strides = [1]} : vector<16xf32> to vector<1xf32>
      %squeeze3A_166 = vector.extract %slice3A_165[0] : f32 from vector<1xf32>
      %mul3A_167 = vector.broadcast %squeeze3A_166 : f32 to vector<16xf32>
      %mul3A_168 = arith.mulf %add3A_72, %mul3A_167 : vector<16xf32>
      %add3A_169 = arith.addf %add3A_164, %mul3A_168 : vector<16xf32>
      %slice3A_170 = vector.extract_strided_slice %get3A_7 {offsets = [0], sizes = [1], strides = [1]} : vector<16xf32> to vector<1xf32>
      %squeeze3A_171 = vector.extract %slice3A_170[0] : f32 from vector<1xf32>
      %mul3A_172 = vector.broadcast %squeeze3A_171 : f32 to vector<16xf32>
      %mul3A_173 = arith.mulf %add3A_75, %mul3A_172 : vector<16xf32>
      %add3A_174 = arith.addf %add3A_169, %mul3A_173 : vector<16xf32>
      %slice3A_175 = vector.extract_strided_slice %get3A_7 {offsets = [1], sizes = [1], strides = [1]} : vector<16xf32> to vector<1xf32>
      %squeeze3A_176 = vector.extract %slice3A_175[0] : f32 from vector<1xf32>
      %mul3A_177 = vector.broadcast %squeeze3A_176 : f32 to vector<16xf32>
      %mul3A_178 = arith.mulf %add3A_78, %mul3A_177 : vector<16xf32>
      %add3A_179 = arith.addf %add3A_174, %mul3A_178 : vector<16xf32>
      %slice3A_180 = vector.extract_strided_slice %get3A_13 {offsets = [8], sizes = [1], strides = [1]} : vector<16xf32> to vector<1xf32>
      %squeeze3A_181 = vector.extract %slice3A_180[0] : f32 from vector<1xf32>
      %add3A_182 = vector.broadcast %squeeze3A_181 : f32 to vector<16xf32>
      %add3A_183 = arith.addf %add3A_179, %add3A_182 : vector<16xf32>
      %max3A_184 = vector.broadcast %scan3A : f32 to vector<16xf32>
      %max3A_185 = arith.maximumf %add3A_183, %max3A_184 : vector<16xf32>
      %swap3A_186 = arith.constant 4 : i32
      %swap3A_187 = arith.index_cast %swap3A_186 : i32 to index
      %swap3A_188 = arith.index_cast %mul3A_54 : i32 to index
      %swap3A_189 = tpu.vector_load %arg22[%swap3A_187, %swap3A_188] {strides = array<i32>} : memref<14x3136xf32, #tpu.memory_space<vmem>>, vector<16xf32>,
      tpu.vector_store %arg22[%swap3A_187, %swap3A_188], %max3A_185 {strides = array<i32>} : memref<14x3136xf32, #tpu.memory_space<vmem>>, vector<16xf32>,
      %slice3A_190 = vector.extract_strided_slice %get3A_7 {offsets = [2], sizes = [1], strides = [1]} : vector<16xf32> to vector<1xf32>
      %squeeze3A_191 = vector.extract %slice3A_190[0] : f32 from vector<1xf32>
      %mul3A_192 = vector.broadcast %squeeze3A_191 : f32 to vector<16xf32>
      %mul3A_193 = arith.mulf %add3A_63, %mul3A_192 : vector<16xf32>
      %slice3A_194 = vector.extract_strided_slice %get3A_7 {offsets = [3], sizes = [1], strides = [1]} : vector<16xf32> to vector<1xf32>
      %squeeze3A_195 = vector.extract %slice3A_194[0] : f32 from vector<1xf32>
      %mul3A_196 = vector.broadcast %squeeze3A_195 : f32 to vector<16xf32>
      %mul3A_197 = arith.mulf %add3A_66, %mul3A_196 : vector<16xf32>
      %add3A_198 = arith.addf %mul3A_193, %mul3A_197 : vector<16xf32>
      %slice3A_199 = vector.extract_strided_slice %get3A_7 {offsets = [4], sizes = [1], strides = [1]} : vector<16xf32> to vector<1xf32>
      %squeeze3A_200 = vector.extract %slice3A_199[0] : f32 from vector<1xf32>
      %mul3A_201 = vector.broadcast %squeeze3A_200 : f32 to vector<16xf32>
      %mul3A_202 = arith.mulf %add3A_69, %mul3A_201 : vector<16xf32>
      %add3A_203 = arith.addf %add3A_198, %mul3A_202 : vector<16xf32>
      %slice3A_204 = vector.extract_strided_slice %get3A_7 {offsets = [5], sizes = [1], strides = [1]} : vector<16xf32> to vector<1xf32>
      %squeeze3A_205 = vector.extract %slice3A_204[0] : f32 from vector<1xf32>
      %mul3A_206 = vector.broadcast %squeeze3A_205 : f32 to vector<16xf32>
      %mul3A_207 = arith.mulf %add3A_72, %mul3A_206 : vector<16xf32>
      %add3A_208 = arith.addf %add3A_203, %mul3A_207 : vector<16xf32>
      %slice3A_209 = vector.extract_strided_slice %get3A_7 {offsets = [6], sizes = [1], strides = [1]} : vector<16xf32> to vector<1xf32>
      %squeeze3A_210 = vector.extract %slice3A_209[0] : f32 from vector<1xf32>
      %mul3A_211 = vector.broadcast %squeeze3A_210 : f32 to vector<16xf32>
      %mul3A_212 = arith.mulf %add3A_75, %mul3A_211 : vector<16xf32>
      %add3A_213 = arith.addf %add3A_208, %mul3A_212 : vector<16xf32>
      %slice3A_214 = vector.extract_strided_slice %get3A_7 {offsets = [7], sizes = [1], strides = [1]} : vector<16xf32> to vector<1xf32>
      %squeeze3A_215 = vector.extract %slice3A_214[0] : f32 from vector<1xf32>
      %mul3A_216 = vector.broadcast %squeeze3A_215 : f32 to vector<16xf32>
      %mul3A_217 = arith.mulf %add3A_78, %mul3A_216 : vector<16xf32>
      %add3A_218 = arith.addf %add3A_213, %mul3A_217 : vector<16xf32>
      %slice3A_219 = vector.extract_strided_slice %get3A_13 {offsets = [9], sizes = [1], strides = [1]} : vector<16xf32> to vector<1xf32>
      %squeeze3A_220 = vector.extract %slice3A_219[0] : f32 from vector<1xf32>
      %add3A_221 = vector.broadcast %squeeze3A_220 : f32 to vector<16xf32>
      %add3A_222 = arith.addf %add3A_218, %add3A_221 : vector<16xf32>
      %max3A_223 = vector.broadcast %scan3A : f32 to vector<16xf32>
      %max3A_224 = arith.maximumf %add3A_222, %max3A_223 : vector<16xf32>
      %swap3A_225 = arith.constant 5 : i32
      %swap3A_226 = arith.index_cast %swap3A_225 : i32 to index
      %swap3A_227 = arith.index_cast %mul3A_54 : i32 to index
      %swap3A_228 = tpu.vector_load %arg22[%swap3A_226, %swap3A_227] {strides = array<i32>} : memref<14x3136xf32, #tpu.memory_space<vmem>>, vector<16xf32>,
      tpu.vector_store %arg22[%swap3A_226, %swap3A_227], %max3A_224 {strides = array<i32>} : memref<14x3136xf32, #tpu.memory_space<vmem>>, vector<16xf32>,
      %slice3A_229 = vector.extract_strided_slice %get3A_7 {offsets = [8], sizes = [1], strides = [1]} : vector<16xf32> to vector<1xf32>
      %squeeze3A_230 = vector.extract %slice3A_229[0] : f32 from vector<1xf32>
      %mul3A_231 = vector.broadcast %squeeze3A_230 : f32 to vector<16xf32>
      %mul3A_232 = arith.mulf %add3A_63, %mul3A_231 : vector<16xf32>
      %slice3A_233 = vector.extract_strided_slice %get3A_7 {offsets = [9], sizes = [1], strides = [1]} : vector<16xf32> to vector<1xf32>
      %squeeze3A_234 = vector.extract %slice3A_233[0] : f32 from vector<1xf32>
      %mul3A_235 = vector.broadcast %squeeze3A_234 : f32 to vector<16xf32>
      %mul3A_236 = arith.mulf %add3A_66, %mul3A_235 : vector<16xf32>
      %add3A_237 = arith.addf %mul3A_232, %mul3A_236 : vector<16xf32>
      %slice3A_238 = vector.extract_strided_slice %get3A_7 {offsets = [10], sizes = [1], strides = [1]} : vector<16xf32> to vector<1xf32>
      %squeeze3A_239 = vector.extract %slice3A_238[0] : f32 from vector<1xf32>
      %mul3A_240 = vector.broadcast %squeeze3A_239 : f32 to vector<16xf32>
      %mul3A_241 = arith.mulf %add3A_69, %mul3A_240 : vector<16xf32>
      %add3A_242 = arith.addf %add3A_237, %mul3A_241 : vector<16xf32>
      %slice3A_243 = vector.extract_strided_slice %get3A_7 {offsets = [11], sizes = [1], strides = [1]} : vector<16xf32> to vector<1xf32>
      %squeeze3A_244 = vector.extract %slice3A_243[0] : f32 from vector<1xf32>
      %mul3A_245 = vector.broadcast %squeeze3A_244 : f32 to vector<16xf32>
      %mul3A_246 = arith.mulf %add3A_72, %mul3A_245 : vector<16xf32>
      %add3A_247 = arith.addf %add3A_242, %mul3A_246 : vector<16xf32>
      %slice3A_248 = vector.extract_strided_slice %get3A_7 {offsets = [12], sizes = [1], strides = [1]} : vector<16xf32> to vector<1xf32>
      %squeeze3A_249 = vector.extract %slice3A_248[0] : f32 from vector<1xf32>
      %mul3A_250 = vector.broadcast %squeeze3A_249 : f32 to vector<16xf32>
      %mul3A_251 = arith.mulf %add3A_75, %mul3A_250 : vector<16xf32>
      %add3A_252 = arith.addf %add3A_247, %mul3A_251 : vector<16xf32>
      %slice3A_253 = vector.extract_strided_slice %get3A_7 {offsets = [13], sizes = [1], strides = [1]} : vector<16xf32> to vector<1xf32>
      %squeeze3A_254 = vector.extract %slice3A_253[0] : f32 from vector<1xf32>
      %mul3A_255 = vector.broadcast %squeeze3A_254 : f32 to vector<16xf32>
      %mul3A_256 = arith.mulf %add3A_78, %mul3A_255 : vector<16xf32>
      %add3A_257 = arith.addf %add3A_252, %mul3A_256 : vector<16xf32>
      %slice3A_258 = vector.extract_strided_slice %get3A_13 {offsets = [10], sizes = [1], strides = [1]} : vector<16xf32> to vector<1xf32>
      %squeeze3A_259 = vector.extract %slice3A_258[0] : f32 from vector<1xf32>
      %add3A_260 = vector.broadcast %squeeze3A_259 : f32 to vector<16xf32>
      %add3A_261 = arith.addf %add3A_257, %add3A_260 : vector<16xf32>
      %max3A_262 = vector.broadcast %scan3A : f32 to vector<16xf32>
      %max3A_263 = arith.maximumf %add3A_261, %max3A_262 : vector<16xf32>
      %swap3A_264 = arith.constant 6 : i32
      %swap3A_265 = arith.index_cast %swap3A_264 : i32 to index
      %swap3A_266 = arith.index_cast %mul3A_54 : i32 to index
      %swap3A_267 = tpu.vector_load %arg22[%swap3A_265, %swap3A_266] {strides = array<i32>} : memref<14x3136xf32, #tpu.memory_space<vmem>>, vector<16xf32>,
      tpu.vector_store %arg22[%swap3A_265, %swap3A_266], %max3A_263 {strides = array<i32>} : memref<14x3136xf32, #tpu.memory_space<vmem>>, vector<16xf32>,
      %slice3A_268 = vector.extract_strided_slice %get3A_7 {offsets = [14], sizes = [1], strides = [1]} : vector<16xf32> to vector<1xf32>
      %squeeze3A_269 = vector.extract %slice3A_268[0] : f32 from vector<1xf32>
      %mul3A_270 = vector.broadcast %squeeze3A_269 : f32 to vector<16xf32>
      %mul3A_271 = arith.mulf %add3A_63, %mul3A_270 : vector<16xf32>
      %slice3A_272 = vector.extract_strided_slice %get3A_7 {offsets = [15], sizes = [1], strides = [1]} : vector<16xf32> to vector<1xf32>
      %squeeze3A_273 = vector.extract %slice3A_272[0] : f32 from vector<1xf32>
      %mul3A_274 = vector.broadcast %squeeze3A_273 : f32 to vector<16xf32>
      %mul3A_275 = arith.mulf %add3A_66, %mul3A_274 : vector<16xf32>
      %add3A_276 = arith.addf %mul3A_271, %mul3A_275 : vector<16xf32>
      %slice3A_277 = vector.extract_strided_slice %get3A_9 {offsets = [0], sizes = [1], strides = [1]} : vector<16xf32> to vector<1xf32>
      %squeeze3A_278 = vector.extract %slice3A_277[0] : f32 from vector<1xf32>
      %mul3A_279 = vector.broadcast %squeeze3A_278 : f32 to vector<16xf32>
      %mul3A_280 = arith.mulf %add3A_69, %mul3A_279 : vector<16xf32>
      %add3A_281 = arith.addf %add3A_276, %mul3A_280 : vector<16xf32>
      %slice3A_282 = vector.extract_strided_slice %get3A_9 {offsets = [1], sizes = [1], strides = [1]} : vector<16xf32> to vector<1xf32>
      %squeeze3A_283 = vector.extract %slice3A_282[0] : f32 from vector<1xf32>
      %mul3A_284 = vector.broadcast %squeeze3A_283 : f32 to vector<16xf32>
      %mul3A_285 = arith.mulf %add3A_72, %mul3A_284 : vector<16xf32>
      %add3A_286 = arith.addf %add3A_281, %mul3A_285 : vector<16xf32>
      %slice3A_287 = vector.extract_strided_slice %get3A_9 {offsets = [2], sizes = [1], strides = [1]} : vector<16xf32> to vector<1xf32>
      %squeeze3A_288 = vector.extract %slice3A_287[0] : f32 from vector<1xf32>
      %mul3A_289 = vector.broadcast %squeeze3A_288 : f32 to vector<16xf32>
      %mul3A_290 = arith.mulf %add3A_75, %mul3A_289 : vector<16xf32>
      %add3A_291 = arith.addf %add3A_286, %mul3A_290 : vector<16xf32>
      %slice3A_292 = vector.extract_strided_slice %get3A_9 {offsets = [3], sizes = [1], strides = [1]} : vector<16xf32> to vector<1xf32>
      %squeeze3A_293 = vector.extract %slice3A_292[0] : f32 from vector<1xf32>
      %mul3A_294 = vector.broadcast %squeeze3A_293 : f32 to vector<16xf32>
      %mul3A_295 = arith.mulf %add3A_78, %mul3A_294 : vector<16xf32>
      %add3A_296 = arith.addf %add3A_291, %mul3A_295 : vector<16xf32>
      %slice3A_297 = vector.extract_strided_slice %get3A_13 {offsets = [11], sizes = [1], strides = [1]} : vector<16xf32> to vector<1xf32>
      %squeeze3A_298 = vector.extract %slice3A_297[0] : f32 from vector<1xf32>
      %add3A_299 = vector.broadcast %squeeze3A_298 : f32 to vector<16xf32>
      %add3A_300 = arith.addf %add3A_296, %add3A_299 : vector<16xf32>
      %max3A_301 = vector.broadcast %scan3A : f32 to vector<16xf32>
      %max3A_302 = arith.maximumf %add3A_300, %max3A_301 : vector<16xf32>
      %swap3A_303 = arith.constant 7 : i32
      %swap3A_304 = arith.index_cast %swap3A_303 : i32 to index
      %swap3A_305 = arith.index_cast %mul3A_54 : i32 to index
      %swap3A_306 = tpu.vector_load %arg22[%swap3A_304, %swap3A_305] {strides = array<i32>} : memref<14x3136xf32, #tpu.memory_space<vmem>>, vector<16xf32>,
      tpu.vector_store %arg22[%swap3A_304, %swap3A_305], %max3A_302 {strides = array<i32>} : memref<14x3136xf32, #tpu.memory_space<vmem>>, vector<16xf32>,
      %slice3A_307 = vector.extract_strided_slice %get3A_9 {offsets = [4], sizes = [1], strides = [1]} : vector<16xf32> to vector<1xf32>
      %squeeze3A_308 = vector.extract %slice3A_307[0] : f32 from vector<1xf32>
      %mul3A_309 = vector.broadcast %squeeze3A_308 : f32 to vector<16xf32>
      %mul3A_310 = arith.mulf %add3A_63, %mul3A_309 : vector<16xf32>
      %slice3A_311 = vector.extract_strided_slice %get3A_9 {offsets = [5], sizes = [1], strides = [1]} : vector<16xf32> to vector<1xf32>
      %squeeze3A_312 = vector.extract %slice3A_311[0] : f32 from vector<1xf32>
      %mul3A_313 = vector.broadcast %squeeze3A_312 : f32 to vector<16xf32>
      %mul3A_314 = arith.mulf %add3A_66, %mul3A_313 : vector<16xf32>
      %add3A_315 = arith.addf %mul3A_310, %mul3A_314 : vector<16xf32>
      %slice3A_316 = vector.extract_strided_slice %get3A_9 {offsets = [6], sizes = [1], strides = [1]} : vector<16xf32> to vector<1xf32>
      %squeeze3A_317 = vector.extract %slice3A_316[0] : f32 from vector<1xf32>
      %mul3A_318 = vector.broadcast %squeeze3A_317 : f32 to vector<16xf32>
      %mul3A_319 = arith.mulf %add3A_69, %mul3A_318 : vector<16xf32>
      %add3A_320 = arith.addf %add3A_315, %mul3A_319 : vector<16xf32>
      %slice3A_321 = vector.extract_strided_slice %get3A_9 {offsets = [7], sizes = [1], strides = [1]} : vector<16xf32> to vector<1xf32>
      %squeeze3A_322 = vector.extract %slice3A_321[0] : f32 from vector<1xf32>
      %mul3A_323 = vector.broadcast %squeeze3A_322 : f32 to vector<16xf32>
      %mul3A_324 = arith.mulf %add3A_72, %mul3A_323 : vector<16xf32>
      %add3A_325 = arith.addf %add3A_320, %mul3A_324 : vector<16xf32>
      %slice3A_326 = vector.extract_strided_slice %get3A_9 {offsets = [8], sizes = [1], strides = [1]} : vector<16xf32> to vector<1xf32>
      %squeeze3A_327 = vector.extract %slice3A_326[0] : f32 from vector<1xf32>
      %mul3A_328 = vector.broadcast %squeeze3A_327 : f32 to vector<16xf32>
      %mul3A_329 = arith.mulf %add3A_75, %mul3A_328 : vector<16xf32>
      %add3A_330 = arith.addf %add3A_325, %mul3A_329 : vector<16xf32>
      %slice3A_331 = vector.extract_strided_slice %get3A_9 {offsets = [9], sizes = [1], strides = [1]} : vector<16xf32> to vector<1xf32>
      %squeeze3A_332 = vector.extract %slice3A_331[0] : f32 from vector<1xf32>
      %mul3A_333 = vector.broadcast %squeeze3A_332 : f32 to vector<16xf32>
      %mul3A_334 = arith.mulf %add3A_78, %mul3A_333 : vector<16xf32>
      %add3A_335 = arith.addf %add3A_330, %mul3A_334 : vector<16xf32>
      %slice3A_336 = vector.extract_strided_slice %get3A_13 {offsets = [12], sizes = [1], strides = [1]} : vector<16xf32> to vector<1xf32>
      %squeeze3A_337 = vector.extract %slice3A_336[0] : f32 from vector<1xf32>
      %add3A_338 = vector.broadcast %squeeze3A_337 : f32 to vector<16xf32>
      %add3A_339 = arith.addf %add3A_335, %add3A_338 : vector<16xf32>
      %max3A_340 = vector.broadcast %scan3A : f32 to vector<16xf32>
      %max3A_341 = arith.maximumf %add3A_339, %max3A_340 : vector<16xf32>
      %swap3A_342 = arith.constant 8 : i32
      %swap3A_343 = arith.index_cast %swap3A_342 : i32 to index
      %swap3A_344 = arith.index_cast %mul3A_54 : i32 to index
      %swap3A_345 = tpu.vector_load %arg22[%swap3A_343, %swap3A_344] {strides = array<i32>} : memref<14x3136xf32, #tpu.memory_space<vmem>>, vector<16xf32>,
      tpu.vector_store %arg22[%swap3A_343, %swap3A_344], %max3A_341 {strides = array<i32>} : memref<14x3136xf32, #tpu.memory_space<vmem>>, vector<16xf32>,
      %slice3A_346 = vector.extract_strided_slice %get3A_9 {offsets = [10], sizes = [1], strides = [1]} : vector<16xf32> to vector<1xf32>
      %squeeze3A_347 = vector.extract %slice3A_346[0] : f32 from vector<1xf32>
      %mul3A_348 = vector.broadcast %squeeze3A_347 : f32 to vector<16xf32>
      %mul3A_349 = arith.mulf %add3A_63, %mul3A_348 : vector<16xf32>
      %slice3A_350 = vector.extract_strided_slice %get3A_9 {offsets = [11], sizes = [1], strides = [1]} : vector<16xf32> to vector<1xf32>
      %squeeze3A_351 = vector.extract %slice3A_350[0] : f32 from vector<1xf32>
      %mul3A_352 = vector.broadcast %squeeze3A_351 : f32 to vector<16xf32>
      %mul3A_353 = arith.mulf %add3A_66, %mul3A_352 : vector<16xf32>
      %add3A_354 = arith.addf %mul3A_349, %mul3A_353 : vector<16xf32>
      %slice3A_355 = vector.extract_strided_slice %get3A_9 {offsets = [12], sizes = [1], strides = [1]} : vector<16xf32> to vector<1xf32>
      %squeeze3A_356 = vector.extract %slice3A_355[0] : f32 from vector<1xf32>
      %mul3A_357 = vector.broadcast %squeeze3A_356 : f32 to vector<16xf32>
      %mul3A_358 = arith.mulf %add3A_69, %mul3A_357 : vector<16xf32>
      %add3A_359 = arith.addf %add3A_354, %mul3A_358 : vector<16xf32>
      %slice3A_360 = vector.extract_strided_slice %get3A_9 {offsets = [13], sizes = [1], strides = [1]} : vector<16xf32> to vector<1xf32>
      %squeeze3A_361 = vector.extract %slice3A_360[0] : f32 from vector<1xf32>
      %mul3A_362 = vector.broadcast %squeeze3A_361 : f32 to vector<16xf32>
      %mul3A_363 = arith.mulf %add3A_72, %mul3A_362 : vector<16xf32>
      %add3A_364 = arith.addf %add3A_359, %mul3A_363 : vector<16xf32>
      %slice3A_365 = vector.extract_strided_slice %get3A_9 {offsets = [14], sizes = [1], strides = [1]} : vector<16xf32> to vector<1xf32>
      %squeeze3A_366 = vector.extract %slice3A_365[0] : f32 from vector<1xf32>
      %mul3A_367 = vector.broadcast %squeeze3A_366 : f32 to vector<16xf32>
      %mul3A_368 = arith.mulf %add3A_75, %mul3A_367 : vector<16xf32>
      %add3A_369 = arith.addf %add3A_364, %mul3A_368 : vector<16xf32>
      %slice3A_370 = vector.extract_strided_slice %get3A_9 {offsets = [15], sizes = [1], strides = [1]} : vector<16xf32> to vector<1xf32>
      %squeeze3A_371 = vector.extract %slice3A_370[0] : f32 from vector<1xf32>
      %mul3A_372 = vector.broadcast %squeeze3A_371 : f32 to vector<16xf32>
      %mul3A_373 = arith.mulf %add3A_78, %mul3A_372 : vector<16xf32>
      %add3A_374 = arith.addf %add3A_369, %mul3A_373 : vector<16xf32>
      %slice3A_375 = vector.extract_strided_slice %get3A_13 {offsets = [13], sizes = [1], strides = [1]} : vector<16xf32> to vector<1xf32>
      %squeeze3A_376 = vector.extract %slice3A_375[0] : f32 from vector<1xf32>
      %add3A_377 = vector.broadcast %squeeze3A_376 : f32 to vector<16xf32>
      %add3A_378 = arith.addf %add3A_374, %add3A_377 : vector<16xf32>
      %max3A_379 = vector.broadcast %scan3A : f32 to vector<16xf32>
      %max3A_380 = arith.maximumf %add3A_378, %max3A_379 : vector<16xf32>
      %swap3A_381 = arith.constant 9 : i32
      %swap3A_382 = arith.index_cast %swap3A_381 : i32 to index
      %swap3A_383 = arith.index_cast %mul3A_54 : i32 to index
      %swap3A_384 = tpu.vector_load %arg22[%swap3A_382, %swap3A_383] {strides = array<i32>} : memref<14x3136xf32, #tpu.memory_space<vmem>>, vector<16xf32>,
      tpu.vector_store %arg22[%swap3A_382, %swap3A_383], %max3A_380 {strides = array<i32>} : memref<14x3136xf32, #tpu.memory_space<vmem>>, vector<16xf32>,
      %slice3A_385 = vector.extract_strided_slice %get3A_11 {offsets = [0], sizes = [1], strides = [1]} : vector<16xf32> to vector<1xf32>
      %squeeze3A_386 = vector.extract %slice3A_385[0] : f32 from vector<1xf32>
      %mul3A_387 = vector.broadcast %squeeze3A_386 : f32 to vector<16xf32>
      %mul3A_388 = arith.mulf %add3A_63, %mul3A_387 : vector<16xf32>
      %slice3A_389 = vector.extract_strided_slice %get3A_11 {offsets = [1], sizes = [1], strides = [1]} : vector<16xf32> to vector<1xf32>
      %squeeze3A_390 = vector.extract %slice3A_389[0] : f32 from vector<1xf32>
      %mul3A_391 = vector.broadcast %squeeze3A_390 : f32 to vector<16xf32>
      %mul3A_392 = arith.mulf %add3A_66, %mul3A_391 : vector<16xf32>
      %add3A_393 = arith.addf %mul3A_388, %mul3A_392 : vector<16xf32>
      %slice3A_394 = vector.extract_strided_slice %get3A_11 {offsets = [2], sizes = [1], strides = [1]} : vector<16xf32> to vector<1xf32>
      %squeeze3A_395 = vector.extract %slice3A_394[0] : f32 from vector<1xf32>
      %mul3A_396 = vector.broadcast %squeeze3A_395 : f32 to vector<16xf32>
      %mul3A_397 = arith.mulf %add3A_69, %mul3A_396 : vector<16xf32>
      %add3A_398 = arith.addf %add3A_393, %mul3A_397 : vector<16xf32>
      %slice3A_399 = vector.extract_strided_slice %get3A_11 {offsets = [3], sizes = [1], strides = [1]} : vector<16xf32> to vector<1xf32>
      %squeeze3A_400 = vector.extract %slice3A_399[0] : f32 from vector<1xf32>
      %mul3A_401 = vector.broadcast %squeeze3A_400 : f32 to vector<16xf32>
      %mul3A_402 = arith.mulf %add3A_72, %mul3A_401 : vector<16xf32>
      %add3A_403 = arith.addf %add3A_398, %mul3A_402 : vector<16xf32>
      %slice3A_404 = vector.extract_strided_slice %get3A_11 {offsets = [4], sizes = [1], strides = [1]} : vector<16xf32> to vector<1xf32>
      %squeeze3A_405 = vector.extract %slice3A_404[0] : f32 from vector<1xf32>
      %mul3A_406 = vector.broadcast %squeeze3A_405 : f32 to vector<16xf32>
      %mul3A_407 = arith.mulf %add3A_75, %mul3A_406 : vector<16xf32>
      %add3A_408 = arith.addf %add3A_403, %mul3A_407 : vector<16xf32>
      %slice3A_409 = vector.extract_strided_slice %get3A_11 {offsets = [5], sizes = [1], strides = [1]} : vector<16xf32> to vector<1xf32>
      %squeeze3A_410 = vector.extract %slice3A_409[0] : f32 from vector<1xf32>
      %mul3A_411 = vector.broadcast %squeeze3A_410 : f32 to vector<16xf32>
      %mul3A_412 = arith.mulf %add3A_78, %mul3A_411 : vector<16xf32>
      %add3A_413 = arith.addf %add3A_408, %mul3A_412 : vector<16xf32>
      %slice3A_414 = vector.extract_strided_slice %get3A_13 {offsets = [14], sizes = [1], strides = [1]} : vector<16xf32> to vector<1xf32>
      %squeeze3A_415 = vector.extract %slice3A_414[0] : f32 from vector<1xf32>
      %add3A_416 = vector.broadcast %squeeze3A_415 : f32 to vector<16xf32>
      %add3A_417 = arith.addf %add3A_413, %add3A_416 : vector<16xf32>
      %max3A_418 = vector.broadcast %scan3A : f32 to vector<16xf32>
      %max3A_419 = arith.maximumf %add3A_417, %max3A_418 : vector<16xf32>
      %swap3A_420 = arith.constant 10 : i32
      %swap3A_421 = arith.index_cast %swap3A_420 : i32 to index
      %swap3A_422 = arith.index_cast %mul3A_54 : i32 to index
      %swap3A_423 = tpu.vector_load %arg22[%swap3A_421, %swap3A_422] {strides = array<i32>} : memref<14x3136xf32, #tpu.memory_space<vmem>>, vector<16xf32>,
      tpu.vector_store %arg22[%swap3A_421, %swap3A_422], %max3A_419 {strides = array<i32>} : memref<14x3136xf32, #tpu.memory_space<vmem>>, vector<16xf32>,
      %slice3A_424 = vector.extract_strided_slice %get3A_11 {offsets = [6], sizes = [1], strides = [1]} : vector<16xf32> to vector<1xf32>
      %squeeze3A_425 = vector.extract %slice3A_424[0] : f32 from vector<1xf32>
      %mul3A_426 = vector.broadcast %squeeze3A_425 : f32 to vector<16xf32>
      %mul3A_427 = arith.mulf %add3A_63, %mul3A_426 : vector<16xf32>
      %slice3A_428 = vector.extract_strided_slice %get3A_11 {offsets = [7], sizes = [1], strides = [1]} : vector<16xf32> to vector<1xf32>
      %squeeze3A_429 = vector.extract %slice3A_428[0] : f32 from vector<1xf32>
      %mul3A_430 = vector.broadcast %squeeze3A_429 : f32 to vector<16xf32>
      %mul3A_431 = arith.mulf %add3A_66, %mul3A_430 : vector<16xf32>
      %add3A_432 = arith.addf %mul3A_427, %mul3A_431 : vector<16xf32>
      %slice3A_433 = vector.extract_strided_slice %get3A_11 {offsets = [8], sizes = [1], strides = [1]} : vector<16xf32> to vector<1xf32>
      %squeeze3A_434 = vector.extract %slice3A_433[0] : f32 from vector<1xf32>
      %mul3A_435 = vector.broadcast %squeeze3A_434 : f32 to vector<16xf32>
      %mul3A_436 = arith.mulf %add3A_69, %mul3A_435 : vector<16xf32>
      %add3A_437 = arith.addf %add3A_432, %mul3A_436 : vector<16xf32>
      %slice3A_438 = vector.extract_strided_slice %get3A_11 {offsets = [9], sizes = [1], strides = [1]} : vector<16xf32> to vector<1xf32>
      %squeeze3A_439 = vector.extract %slice3A_438[0] : f32 from vector<1xf32>
      %mul3A_440 = vector.broadcast %squeeze3A_439 : f32 to vector<16xf32>
      %mul3A_441 = arith.mulf %add3A_72, %mul3A_440 : vector<16xf32>
      %add3A_442 = arith.addf %add3A_437, %mul3A_441 : vector<16xf32>
      %slice3A_443 = vector.extract_strided_slice %get3A_11 {offsets = [10], sizes = [1], strides = [1]} : vector<16xf32> to vector<1xf32>
      %squeeze3A_444 = vector.extract %slice3A_443[0] : f32 from vector<1xf32>
      %mul3A_445 = vector.broadcast %squeeze3A_444 : f32 to vector<16xf32>
      %mul3A_446 = arith.mulf %add3A_75, %mul3A_445 : vector<16xf32>
      %add3A_447 = arith.addf %add3A_442, %mul3A_446 : vector<16xf32>
      %slice3A_448 = vector.extract_strided_slice %get3A_11 {offsets = [11], sizes = [1], strides = [1]} : vector<16xf32> to vector<1xf32>
      %squeeze3A_449 = vector.extract %slice3A_448[0] : f32 from vector<1xf32>
      %mul3A_450 = vector.broadcast %squeeze3A_449 : f32 to vector<16xf32>
      %mul3A_451 = arith.mulf %add3A_78, %mul3A_450 : vector<16xf32>
      %add3A_452 = arith.addf %add3A_447, %mul3A_451 : vector<16xf32>
      %slice3A_453 = vector.extract_strided_slice %get3A_13 {offsets = [15], sizes = [1], strides = [1]} : vector<16xf32> to vector<1xf32>
      %squeeze3A_454 = vector.extract %slice3A_453[0] : f32 from vector<1xf32>
      %add3A_455 = vector.broadcast %squeeze3A_454 : f32 to vector<16xf32>
      %add3A_456 = arith.addf %add3A_452, %add3A_455 : vector<16xf32>
      %max3A_457 = vector.broadcast %scan3A : f32 to vector<16xf32>
      %max3A_458 = arith.maximumf %add3A_456, %max3A_457 : vector<16xf32>
      %swap3A_459 = arith.constant 11 : i32
      %swap3A_460 = arith.index_cast %swap3A_459 : i32 to index
      %swap3A_461 = arith.index_cast %mul3A_54 : i32 to index
      %swap3A_462 = tpu.vector_load %arg22[%swap3A_460, %swap3A_461] {strides = array<i32>} : memref<14x3136xf32, #tpu.memory_space<vmem>>, vector<16xf32>,
      tpu.vector_store %arg22[%swap3A_460, %swap3A_461], %max3A_458 {strides = array<i32>} : memref<14x3136xf32, #tpu.memory_space<vmem>>, vector<16xf32>,
      %slice3A_463 = vector.extract_strided_slice %get3A_11 {offsets = [12], sizes = [1], strides = [1]} : vector<16xf32> to vector<1xf32>
      %squeeze3A_464 = vector.extract %slice3A_463[0] : f32 from vector<1xf32>
      %mul3A_465 = vector.broadcast %squeeze3A_464 : f32 to vector<16xf32>
      %mul3A_466 = arith.mulf %add3A_63, %mul3A_465 : vector<16xf32>
      %slice3A_467 = vector.extract_strided_slice %get3A_11 {offsets = [13], sizes = [1], strides = [1]} : vector<16xf32> to vector<1xf32>
      %squeeze3A_468 = vector.extract %slice3A_467[0] : f32 from vector<1xf32>
      %mul3A_469 = vector.broadcast %squeeze3A_468 : f32 to vector<16xf32>
      %mul3A_470 = arith.mulf %add3A_66, %mul3A_469 : vector<16xf32>
      %add3A_471 = arith.addf %mul3A_466, %mul3A_470 : vector<16xf32>
      %slice3A_472 = vector.extract_strided_slice %get3A_11 {offsets = [14], sizes = [1], strides = [1]} : vector<16xf32> to vector<1xf32>
      %squeeze3A_473 = vector.extract %slice3A_472[0] : f32 from vector<1xf32>
      %mul3A_474 = vector.broadcast %squeeze3A_473 : f32 to vector<16xf32>
      %mul3A_475 = arith.mulf %add3A_69, %mul3A_474 : vector<16xf32>
      %add3A_476 = arith.addf %add3A_471, %mul3A_475 : vector<16xf32>
      %slice3A_477 = vector.extract_strided_slice %get3A_11 {offsets = [15], sizes = [1], strides = [1]} : vector<16xf32> to vector<1xf32>
      %squeeze3A_478 = vector.extract %slice3A_477[0] : f32 from vector<1xf32>
      %mul3A_479 = vector.broadcast %squeeze3A_478 : f32 to vector<16xf32>
      %mul3A_480 = arith.mulf %add3A_72, %mul3A_479 : vector<16xf32>
      %add3A_481 = arith.addf %add3A_476, %mul3A_480 : vector<16xf32>
      %slice3A_482 = vector.extract_strided_slice %get3A_13 {offsets = [0], sizes = [1], strides = [1]} : vector<16xf32> to vector<1xf32>
      %squeeze3A_483 = vector.extract %slice3A_482[0] : f32 from vector<1xf32>
      %mul3A_484 = vector.broadcast %squeeze3A_483 : f32 to vector<16xf32>
      %mul3A_485 = arith.mulf %add3A_75, %mul3A_484 : vector<16xf32>
      %add3A_486 = arith.addf %add3A_481, %mul3A_485 : vector<16xf32>
      %slice3A_487 = vector.extract_strided_slice %get3A_13 {offsets = [1], sizes = [1], strides = [1]} : vector<16xf32> to vector<1xf32>
      %squeeze3A_488 = vector.extract %slice3A_487[0] : f32 from vector<1xf32>
      %mul3A_489 = vector.broadcast %squeeze3A_488 : f32 to vector<16xf32>
      %mul3A_490 = arith.mulf %add3A_78, %mul3A_489 : vector<16xf32>
      %add3A_491 = arith.addf %add3A_486, %mul3A_490 : vector<16xf32>
      %slice3A_492 = vector.extract_strided_slice %get3A_15 {offsets = [0], sizes = [1], strides = [1]} : vector<16xf32> to vector<1xf32>
      %squeeze3A_493 = vector.extract %slice3A_492[0] : f32 from vector<1xf32>
      %add3A_494 = vector.broadcast %squeeze3A_493 : f32 to vector<16xf32>
      %add3A_495 = arith.addf %add3A_491, %add3A_494 : vector<16xf32>
      %max3A_496 = vector.broadcast %scan3A : f32 to vector<16xf32>
      %max3A_497 = arith.maximumf %add3A_495, %max3A_496 : vector<16xf32>
      %swap3A_498 = arith.constant 12 : i32
      %swap3A_499 = arith.index_cast %swap3A_498 : i32 to index
      %swap3A_500 = arith.index_cast %mul3A_54 : i32 to index
      %swap3A_501 = tpu.vector_load %arg22[%swap3A_499, %swap3A_500] {strides = array<i32>} : memref<14x3136xf32, #tpu.memory_space<vmem>>, vector<16xf32>,
      tpu.vector_store %arg22[%swap3A_499, %swap3A_500], %max3A_497 {strides = array<i32>} : memref<14x3136xf32, #tpu.memory_space<vmem>>, vector<16xf32>,
      %slice3A_502 = vector.extract_strided_slice %get3A_13 {offsets = [2], sizes = [1], strides = [1]} : vector<16xf32> to vector<1xf32>
      %squeeze3A_503 = vector.extract %slice3A_502[0] : f32 from vector<1xf32>
      %mul3A_504 = vector.broadcast %squeeze3A_503 : f32 to vector<16xf32>
      %mul3A_505 = arith.mulf %add3A_63, %mul3A_504 : vector<16xf32>
      %slice3A_506 = vector.extract_strided_slice %get3A_13 {offsets = [3], sizes = [1], strides = [1]} : vector<16xf32> to vector<1xf32>
      %squeeze3A_507 = vector.extract %slice3A_506[0] : f32 from vector<1xf32>
      %mul3A_508 = vector.broadcast %squeeze3A_507 : f32 to vector<16xf32>
      %mul3A_509 = arith.mulf %add3A_66, %mul3A_508 : vector<16xf32>
      %add3A_510 = arith.addf %mul3A_505, %mul3A_509 : vector<16xf32>
      %slice3A_511 = vector.extract_strided_slice %get3A_13 {offsets = [4], sizes = [1], strides = [1]} : vector<16xf32> to vector<1xf32>
      %squeeze3A_512 = vector.extract %slice3A_511[0] : f32 from vector<1xf32>
      %mul3A_513 = vector.broadcast %squeeze3A_512 : f32 to vector<16xf32>
      %mul3A_514 = arith.mulf %add3A_69, %mul3A_513 : vector<16xf32>
      %add3A_515 = arith.addf %add3A_510, %mul3A_514 : vector<16xf32>
      %slice3A_516 = vector.extract_strided_slice %get3A_13 {offsets = [5], sizes = [1], strides = [1]} : vector<16xf32> to vector<1xf32>
      %squeeze3A_517 = vector.extract %slice3A_516[0] : f32 from vector<1xf32>
      %mul3A_518 = vector.broadcast %squeeze3A_517 : f32 to vector<16xf32>
      %mul3A_519 = arith.mulf %add3A_72, %mul3A_518 : vector<16xf32>
      %add3A_520 = arith.addf %add3A_515, %mul3A_519 : vector<16xf32>
      %slice3A_521 = vector.extract_strided_slice %get3A_13 {offsets = [6], sizes = [1], strides = [1]} : vector<16xf32> to vector<1xf32>
      %squeeze3A_522 = vector.extract %slice3A_521[0] : f32 from vector<1xf32>
      %mul3A_523 = vector.broadcast %squeeze3A_522 : f32 to vector<16xf32>
      %mul3A_524 = arith.mulf %add3A_75, %mul3A_523 : vector<16xf32>
      %add3A_525 = arith.addf %add3A_520, %mul3A_524 : vector<16xf32>
      %slice3A_526 = vector.extract_strided_slice %get3A_13 {offsets = [7], sizes = [1], strides = [1]} : vector<16xf32> to vector<1xf32>
      %squeeze3A_527 = vector.extract %slice3A_526[0] : f32 from vector<1xf32>
      %mul3A_528 = vector.broadcast %squeeze3A_527 : f32 to vector<16xf32>
      %mul3A_529 = arith.mulf %add3A_78, %mul3A_528 : vector<16xf32>
      %add3A_530 = arith.addf %add3A_525, %mul3A_529 : vector<16xf32>
      %slice3A_531 = vector.extract_strided_slice %get3A_15 {offsets = [1], sizes = [1], strides = [1]} : vector<16xf32> to vector<1xf32>
      %squeeze3A_532 = vector.extract %slice3A_531[0] : f32 from vector<1xf32>
      %add3A_533 = vector.broadcast %squeeze3A_532 : f32 to vector<16xf32>
      %add3A_534 = arith.addf %add3A_530, %add3A_533 : vector<16xf32>
      %max3A_535 = vector.broadcast %scan3A : f32 to vector<16xf32>
      %max3A_536 = arith.maximumf %add3A_534, %max3A_535 : vector<16xf32>
      %swap3A_537 = arith.constant 13 : i32
      %swap3A_538 = arith.index_cast %swap3A_537 : i32 to index
      %swap3A_539 = arith.index_cast %mul3A_54 : i32 to index
      %swap3A_540 = tpu.vector_load %arg22[%swap3A_538, %swap3A_539] {strides = array<i32>} : memref<14x3136xf32, #tpu.memory_space<vmem>>, vector<16xf32>,
      tpu.vector_store %arg22[%swap3A_538, %swap3A_539], %max3A_536 {strides = array<i32>} : memref<14x3136xf32, #tpu.memory_space<vmem>>, vector<16xf32>,
      %scan3A_541 = arith.constant 0 : i32
      scf.yield %scan3A_541 : i32
    }
    %scan3A_33 = arith.constant 196 : i32
    %run_scoped3A = arith.constant 0 : i32
    "tpu.region"() ({
      %run_scoped3A_47 = tpu.sem_alloc : memref<!tpu.dma_semaphore, #tpu.memory_space<semaphore_mem>>
      %dma_start3A = arith.constant 0 : i32
      %dma_start3A_48 = tpu.memref_slice %arg22[%run_scoped3A, %dma_start3A] : memref<14x3136xf32, #tpu.memory_space<vmem>> -> memref<1x3136xf32, #tpu.memory_space<vmem>>
      %dma_start3A_49 = tpu.memref_squeeze %dma_start3A_48 : memref<1x3136xf32, #tpu.memory_space<vmem>> -> memref<3136xf32, #tpu.memory_space<vmem>>
      %dma_start3A_50 = tpu.memref_slice %arg5[%mul3A_2] : memref<100352xf32, #tpu.memory_space<hbm>> -> memref<3136xf32, #tpu.memory_space<hbm>>
      %dma_start3A_51 = tpu.memref_slice %arg5[%mul3A_2] : memref<100352xf32, #tpu.memory_space<hbm>> -> memref<3136xf32, #tpu.memory_space<hbm>>
      %dma_start3A_52 = arith.constant 0 : i32
      %dma_start3A_53 = tpu.memref_slice %arg22[%run_scoped3A, %dma_start3A_52] : memref<14x3136xf32, #tpu.memory_space<vmem>> -> memref<1x3136xf32, #tpu.memory_space<vmem>>
      %dma_start3A_54 = tpu.memref_squeeze %dma_start3A_53 : memref<1x3136xf32, #tpu.memory_space<vmem>> -> memref<3136xf32, #tpu.memory_space<vmem>>
      tpu.enqueue_dma source(%dma_start3A_54 : memref<3136xf32, #tpu.memory_space<vmem>>) target(%dma_start3A_51 : memref<3136xf32, #tpu.memory_space<hbm>>) target_semaphore(%run_scoped3A_47 : memref<!tpu.dma_semaphore, #tpu.memory_space<semaphore_mem>>)
      %dma_wait3A = arith.constant 0 : i32
      %dma_wait3A_55 = tpu.memref_slice %arg22[%run_scoped3A, %dma_wait3A] : memref<14x3136xf32, #tpu.memory_space<vmem>> -> memref<1x3136xf32, #tpu.memory_space<vmem>>
      %dma_wait3A_56 = tpu.memref_squeeze %dma_wait3A_55 : memref<1x3136xf32, #tpu.memory_space<vmem>> -> memref<3136xf32, #tpu.memory_space<vmem>>
      %dma_wait3A_57 = tpu.memref_slice %arg5[%mul3A_2] : memref<100352xf32, #tpu.memory_space<hbm>> -> memref<3136xf32, #tpu.memory_space<hbm>>
      %dma_wait3A_58 = tpu.memref_slice %arg5[%mul3A_2] : memref<100352xf32, #tpu.memory_space<hbm>> -> memref<3136xf32, #tpu.memory_space<hbm>>
      %dma_wait3A_59 = arith.constant 0 : i32
      %dma_wait3A_60 = tpu.memref_slice %arg22[%run_scoped3A, %dma_wait3A_59] : memref<14x3136xf32, #tpu.memory_space<vmem>> -> memref<1x3136xf32, #tpu.memory_space<vmem>>
      %dma_wait3A_61 = tpu.memref_squeeze %dma_wait3A_60 : memref<1x3136xf32, #tpu.memory_space<vmem>> -> memref<3136xf32, #tpu.memory_space<vmem>>
      tpu.wait_dma2 semaphore(%run_scoped3A_47 : memref<!tpu.dma_semaphore, #tpu.memory_space<semaphore_mem>>) src(%dma_wait3A_61 : memref<3136xf32, #tpu.memory_space<vmem>>) dst(%dma_wait3A_58 : memref<3136xf32, #tpu.memory_space<hbm>>)
      tpu.yield
    }) : () -> ()
    %run_scoped3A_34 = arith.constant 1 : i32
    "tpu.region"() ({
      %run_scoped3A_47 = tpu.sem_alloc : memref<!tpu.dma_semaphore, #tpu.memory_space<semaphore_mem>>
      %dma_start3A = arith.constant 0 : i32
      %dma_start3A_48 = tpu.memref_slice %arg22[%run_scoped3A_34, %dma_start3A] : memref<14x3136xf32, #tpu.memory_space<vmem>> -> memref<1x3136xf32, #tpu.memory_space<vmem>>
      %dma_start3A_49 = tpu.memref_squeeze %dma_start3A_48 : memref<1x3136xf32, #tpu.memory_space<vmem>> -> memref<3136xf32, #tpu.memory_space<vmem>>
      %dma_start3A_50 = tpu.memref_slice %arg6[%mul3A_2] : memref<100352xf32, #tpu.memory_space<hbm>> -> memref<3136xf32, #tpu.memory_space<hbm>>
      %dma_start3A_51 = tpu.memref_slice %arg6[%mul3A_2] : memref<100352xf32, #tpu.memory_space<hbm>> -> memref<3136xf32, #tpu.memory_space<hbm>>
      %dma_start3A_52 = arith.constant 0 : i32
      %dma_start3A_53 = tpu.memref_slice %arg22[%run_scoped3A_34, %dma_start3A_52] : memref<14x3136xf32, #tpu.memory_space<vmem>> -> memref<1x3136xf32, #tpu.memory_space<vmem>>
      %dma_start3A_54 = tpu.memref_squeeze %dma_start3A_53 : memref<1x3136xf32, #tpu.memory_space<vmem>> -> memref<3136xf32, #tpu.memory_space<vmem>>
      tpu.enqueue_dma source(%dma_start3A_54 : memref<3136xf32, #tpu.memory_space<vmem>>) target(%dma_start3A_51 : memref<3136xf32, #tpu.memory_space<hbm>>) target_semaphore(%run_scoped3A_47 : memref<!tpu.dma_semaphore, #tpu.memory_space<semaphore_mem>>)
      %dma_wait3A = arith.constant 0 : i32
      %dma_wait3A_55 = tpu.memref_slice %arg22[%run_scoped3A_34, %dma_wait3A] : memref<14x3136xf32, #tpu.memory_space<vmem>> -> memref<1x3136xf32, #tpu.memory_space<vmem>>
      %dma_wait3A_56 = tpu.memref_squeeze %dma_wait3A_55 : memref<1x3136xf32, #tpu.memory_space<vmem>> -> memref<3136xf32, #tpu.memory_space<vmem>>
      %dma_wait3A_57 = tpu.memref_slice %arg6[%mul3A_2] : memref<100352xf32, #tpu.memory_space<hbm>> -> memref<3136xf32, #tpu.memory_space<hbm>>
      %dma_wait3A_58 = tpu.memref_slice %arg6[%mul3A_2] : memref<100352xf32, #tpu.memory_space<hbm>> -> memref<3136xf32, #tpu.memory_space<hbm>>
      %dma_wait3A_59 = arith.constant 0 : i32
      %dma_wait3A_60 = tpu.memref_slice %arg22[%run_scoped3A_34, %dma_wait3A_59] : memref<14x3136xf32, #tpu.memory_space<vmem>> -> memref<1x3136xf32, #tpu.memory_space<vmem>>
      %dma_wait3A_61 = tpu.memref_squeeze %dma_wait3A_60 : memref<1x3136xf32, #tpu.memory_space<vmem>> -> memref<3136xf32, #tpu.memory_space<vmem>>
      tpu.wait_dma2 semaphore(%run_scoped3A_47 : memref<!tpu.dma_semaphore, #tpu.memory_space<semaphore_mem>>) src(%dma_wait3A_61 : memref<3136xf32, #tpu.memory_space<vmem>>) dst(%dma_wait3A_58 : memref<3136xf32, #tpu.memory_space<hbm>>)
      tpu.yield
    }) : () -> ()
    %run_scoped3A_35 = arith.constant 2 : i32
    "tpu.region"() ({
      %run_scoped3A_47 = tpu.sem_alloc : memref<!tpu.dma_semaphore, #tpu.memory_space<semaphore_mem>>
      %dma_start3A = arith.constant 0 : i32
      %dma_start3A_48 = tpu.memref_slice %arg22[%run_scoped3A_35, %dma_start3A] : memref<14x3136xf32, #tpu.memory_space<vmem>> -> memref<1x3136xf32, #tpu.memory_space<vmem>>
      %dma_start3A_49 = tpu.memref_squeeze %dma_start3A_48 : memref<1x3136xf32, #tpu.memory_space<vmem>> -> memref<3136xf32, #tpu.memory_space<vmem>>
      %dma_start3A_50 = tpu.memref_slice %arg7[%mul3A_2] : memref<100352xf32, #tpu.memory_space<hbm>> -> memref<3136xf32, #tpu.memory_space<hbm>>
      %dma_start3A_51 = tpu.memref_slice %arg7[%mul3A_2] : memref<100352xf32, #tpu.memory_space<hbm>> -> memref<3136xf32, #tpu.memory_space<hbm>>
      %dma_start3A_52 = arith.constant 0 : i32
      %dma_start3A_53 = tpu.memref_slice %arg22[%run_scoped3A_35, %dma_start3A_52] : memref<14x3136xf32, #tpu.memory_space<vmem>> -> memref<1x3136xf32, #tpu.memory_space<vmem>>
      %dma_start3A_54 = tpu.memref_squeeze %dma_start3A_53 : memref<1x3136xf32, #tpu.memory_space<vmem>> -> memref<3136xf32, #tpu.memory_space<vmem>>
      tpu.enqueue_dma source(%dma_start3A_54 : memref<3136xf32, #tpu.memory_space<vmem>>) target(%dma_start3A_51 : memref<3136xf32, #tpu.memory_space<hbm>>) target_semaphore(%run_scoped3A_47 : memref<!tpu.dma_semaphore, #tpu.memory_space<semaphore_mem>>)
      %dma_wait3A = arith.constant 0 : i32
      %dma_wait3A_55 = tpu.memref_slice %arg22[%run_scoped3A_35, %dma_wait3A] : memref<14x3136xf32, #tpu.memory_space<vmem>> -> memref<1x3136xf32, #tpu.memory_space<vmem>>
      %dma_wait3A_56 = tpu.memref_squeeze %dma_wait3A_55 : memref<1x3136xf32, #tpu.memory_space<vmem>> -> memref<3136xf32, #tpu.memory_space<vmem>>
      %dma_wait3A_57 = tpu.memref_slice %arg7[%mul3A_2] : memref<100352xf32, #tpu.memory_space<hbm>> -> memref<3136xf32, #tpu.memory_space<hbm>>
      %dma_wait3A_58 = tpu.memref_slice %arg7[%mul3A_2] : memref<100352xf32, #tpu.memory_space<hbm>> -> memref<3136xf32, #tpu.memory_space<hbm>>
      %dma_wait3A_59 = arith.constant 0 : i32
      %dma_wait3A_60 = tpu.memref_slice %arg22[%run_scoped3A_35, %dma_wait3A_59] : memref<14x3136xf32, #tpu.memory_space<vmem>> -> memref<1x3136xf32, #tpu.memory_space<vmem>>
      %dma_wait3A_61 = tpu.memref_squeeze %dma_wait3A_60 : memref<1x3136xf32, #tpu.memory_space<vmem>> -> memref<3136xf32, #tpu.memory_space<vmem>>
      tpu.wait_dma2 semaphore(%run_scoped3A_47 : memref<!tpu.dma_semaphore, #tpu.memory_space<semaphore_mem>>) src(%dma_wait3A_61 : memref<3136xf32, #tpu.memory_space<vmem>>) dst(%dma_wait3A_58 : memref<3136xf32, #tpu.memory_space<hbm>>)
      tpu.yield
    }) : () -> ()
    %run_scoped3A_36 = arith.constant 3 : i32
    "tpu.region"() ({
      %run_scoped3A_47 = tpu.sem_alloc : memref<!tpu.dma_semaphore, #tpu.memory_space<semaphore_mem>>
      %dma_start3A = arith.constant 0 : i32
      %dma_start3A_48 = tpu.memref_slice %arg22[%run_scoped3A_36, %dma_start3A] : memref<14x3136xf32, #tpu.memory_space<vmem>> -> memref<1x3136xf32, #tpu.memory_space<vmem>>
      %dma_start3A_49 = tpu.memref_squeeze %dma_start3A_48 : memref<1x3136xf32, #tpu.memory_space<vmem>> -> memref<3136xf32, #tpu.memory_space<vmem>>
      %dma_start3A_50 = tpu.memref_slice %arg8[%mul3A_2] : memref<100352xf32, #tpu.memory_space<hbm>> -> memref<3136xf32, #tpu.memory_space<hbm>>
      %dma_start3A_51 = tpu.memref_slice %arg8[%mul3A_2] : memref<100352xf32, #tpu.memory_space<hbm>> -> memref<3136xf32, #tpu.memory_space<hbm>>
      %dma_start3A_52 = arith.constant 0 : i32
      %dma_start3A_53 = tpu.memref_slice %arg22[%run_scoped3A_36, %dma_start3A_52] : memref<14x3136xf32, #tpu.memory_space<vmem>> -> memref<1x3136xf32, #tpu.memory_space<vmem>>
      %dma_start3A_54 = tpu.memref_squeeze %dma_start3A_53 : memref<1x3136xf32, #tpu.memory_space<vmem>> -> memref<3136xf32, #tpu.memory_space<vmem>>
      tpu.enqueue_dma source(%dma_start3A_54 : memref<3136xf32, #tpu.memory_space<vmem>>) target(%dma_start3A_51 : memref<3136xf32, #tpu.memory_space<hbm>>) target_semaphore(%run_scoped3A_47 : memref<!tpu.dma_semaphore, #tpu.memory_space<semaphore_mem>>)
      %dma_wait3A = arith.constant 0 : i32
      %dma_wait3A_55 = tpu.memref_slice %arg22[%run_scoped3A_36, %dma_wait3A] : memref<14x3136xf32, #tpu.memory_space<vmem>> -> memref<1x3136xf32, #tpu.memory_space<vmem>>
      %dma_wait3A_56 = tpu.memref_squeeze %dma_wait3A_55 : memref<1x3136xf32, #tpu.memory_space<vmem>> -> memref<3136xf32, #tpu.memory_space<vmem>>
      %dma_wait3A_57 = tpu.memref_slice %arg8[%mul3A_2] : memref<100352xf32, #tpu.memory_space<hbm>> -> memref<3136xf32, #tpu.memory_space<hbm>>
      %dma_wait3A_58 = tpu.memref_slice %arg8[%mul3A_2] : memref<100352xf32, #tpu.memory_space<hbm>> -> memref<3136xf32, #tpu.memory_space<hbm>>
      %dma_wait3A_59 = arith.constant 0 : i32
      %dma_wait3A_60 = tpu.memref_slice %arg22[%run_scoped3A_36, %dma_wait3A_59] : memref<14x3136xf32, #tpu.memory_space<vmem>> -> memref<1x3136xf32, #tpu.memory_space<vmem>>
      %dma_wait3A_61 = tpu.memref_squeeze %dma_wait3A_60 : memref<1x3136xf32, #tpu.memory_space<vmem>> -> memref<3136xf32, #tpu.memory_space<vmem>>
      tpu.wait_dma2 semaphore(%run_scoped3A_47 : memref<!tpu.dma_semaphore, #tpu.memory_space<semaphore_mem>>) src(%dma_wait3A_61 : memref<3136xf32, #tpu.memory_space<vmem>>) dst(%dma_wait3A_58 : memref<3136xf32, #tpu.memory_space<hbm>>)
      tpu.yield
    }) : () -> ()
    %run_scoped3A_37 = arith.constant 4 : i32
    "tpu.region"() ({
      %run_scoped3A_47 = tpu.sem_alloc : memref<!tpu.dma_semaphore, #tpu.memory_space<semaphore_mem>>
      %dma_start3A = arith.constant 0 : i32
      %dma_start3A_48 = tpu.memref_slice %arg22[%run_scoped3A_37, %dma_start3A] : memref<14x3136xf32, #tpu.memory_space<vmem>> -> memref<1x3136xf32, #tpu.memory_space<vmem>>
      %dma_start3A_49 = tpu.memref_squeeze %dma_start3A_48 : memref<1x3136xf32, #tpu.memory_space<vmem>> -> memref<3136xf32, #tpu.memory_space<vmem>>
      %dma_start3A_50 = tpu.memref_slice %arg9[%mul3A_2] : memref<100352xf32, #tpu.memory_space<hbm>> -> memref<3136xf32, #tpu.memory_space<hbm>>
      %dma_start3A_51 = tpu.memref_slice %arg9[%mul3A_2] : memref<100352xf32, #tpu.memory_space<hbm>> -> memref<3136xf32, #tpu.memory_space<hbm>>
      %dma_start3A_52 = arith.constant 0 : i32
      %dma_start3A_53 = tpu.memref_slice %arg22[%run_scoped3A_37, %dma_start3A_52] : memref<14x3136xf32, #tpu.memory_space<vmem>> -> memref<1x3136xf32, #tpu.memory_space<vmem>>
      %dma_start3A_54 = tpu.memref_squeeze %dma_start3A_53 : memref<1x3136xf32, #tpu.memory_space<vmem>> -> memref<3136xf32, #tpu.memory_space<vmem>>
      tpu.enqueue_dma source(%dma_start3A_54 : memref<3136xf32, #tpu.memory_space<vmem>>) target(%dma_start3A_51 : memref<3136xf32, #tpu.memory_space<hbm>>) target_semaphore(%run_scoped3A_47 : memref<!tpu.dma_semaphore, #tpu.memory_space<semaphore_mem>>)
      %dma_wait3A = arith.constant 0 : i32
      %dma_wait3A_55 = tpu.memref_slice %arg22[%run_scoped3A_37, %dma_wait3A] : memref<14x3136xf32, #tpu.memory_space<vmem>> -> memref<1x3136xf32, #tpu.memory_space<vmem>>
      %dma_wait3A_56 = tpu.memref_squeeze %dma_wait3A_55 : memref<1x3136xf32, #tpu.memory_space<vmem>> -> memref<3136xf32, #tpu.memory_space<vmem>>
      %dma_wait3A_57 = tpu.memref_slice %arg9[%mul3A_2] : memref<100352xf32, #tpu.memory_space<hbm>> -> memref<3136xf32, #tpu.memory_space<hbm>>
      %dma_wait3A_58 = tpu.memref_slice %arg9[%mul3A_2] : memref<100352xf32, #tpu.memory_space<hbm>> -> memref<3136xf32, #tpu.memory_space<hbm>>
      %dma_wait3A_59 = arith.constant 0 : i32
      %dma_wait3A_60 = tpu.memref_slice %arg22[%run_scoped3A_37, %dma_wait3A_59] : memref<14x3136xf32, #tpu.memory_space<vmem>> -> memref<1x3136xf32, #tpu.memory_space<vmem>>
      %dma_wait3A_61 = tpu.memref_squeeze %dma_wait3A_60 : memref<1x3136xf32, #tpu.memory_space<vmem>> -> memref<3136xf32, #tpu.memory_space<vmem>>
      tpu.wait_dma2 semaphore(%run_scoped3A_47 : memref<!tpu.dma_semaphore, #tpu.memory_space<semaphore_mem>>) src(%dma_wait3A_61 : memref<3136xf32, #tpu.memory_space<vmem>>) dst(%dma_wait3A_58 : memref<3136xf32, #tpu.memory_space<hbm>>)
      tpu.yield
    }) : () -> ()
    %run_scoped3A_38 = arith.constant 5 : i32
    "tpu.region"() ({
      %run_scoped3A_47 = tpu.sem_alloc : memref<!tpu.dma_semaphore, #tpu.memory_space<semaphore_mem>>
      %dma_start3A = arith.constant 0 : i32
      %dma_start3A_48 = tpu.memref_slice %arg22[%run_scoped3A_38, %dma_start3A] : memref<14x3136xf32, #tpu.memory_space<vmem>> -> memref<1x3136xf32, #tpu.memory_space<vmem>>
      %dma_start3A_49 = tpu.memref_squeeze %dma_start3A_48 : memref<1x3136xf32, #tpu.memory_space<vmem>> -> memref<3136xf32, #tpu.memory_space<vmem>>
      %dma_start3A_50 = tpu.memref_slice %arg10[%mul3A_2] : memref<100352xf32, #tpu.memory_space<hbm>> -> memref<3136xf32, #tpu.memory_space<hbm>>
      %dma_start3A_51 = tpu.memref_slice %arg10[%mul3A_2] : memref<100352xf32, #tpu.memory_space<hbm>> -> memref<3136xf32, #tpu.memory_space<hbm>>
      %dma_start3A_52 = arith.constant 0 : i32
      %dma_start3A_53 = tpu.memref_slice %arg22[%run_scoped3A_38, %dma_start3A_52] : memref<14x3136xf32, #tpu.memory_space<vmem>> -> memref<1x3136xf32, #tpu.memory_space<vmem>>
      %dma_start3A_54 = tpu.memref_squeeze %dma_start3A_53 : memref<1x3136xf32, #tpu.memory_space<vmem>> -> memref<3136xf32, #tpu.memory_space<vmem>>
      tpu.enqueue_dma source(%dma_start3A_54 : memref<3136xf32, #tpu.memory_space<vmem>>) target(%dma_start3A_51 : memref<3136xf32, #tpu.memory_space<hbm>>) target_semaphore(%run_scoped3A_47 : memref<!tpu.dma_semaphore, #tpu.memory_space<semaphore_mem>>)
      %dma_wait3A = arith.constant 0 : i32
      %dma_wait3A_55 = tpu.memref_slice %arg22[%run_scoped3A_38, %dma_wait3A] : memref<14x3136xf32, #tpu.memory_space<vmem>> -> memref<1x3136xf32, #tpu.memory_space<vmem>>
      %dma_wait3A_56 = tpu.memref_squeeze %dma_wait3A_55 : memref<1x3136xf32, #tpu.memory_space<vmem>> -> memref<3136xf32, #tpu.memory_space<vmem>>
      %dma_wait3A_57 = tpu.memref_slice %arg10[%mul3A_2] : memref<100352xf32, #tpu.memory_space<hbm>> -> memref<3136xf32, #tpu.memory_space<hbm>>
      %dma_wait3A_58 = tpu.memref_slice %arg10[%mul3A_2] : memref<100352xf32, #tpu.memory_space<hbm>> -> memref<3136xf32, #tpu.memory_space<hbm>>
      %dma_wait3A_59 = arith.constant 0 : i32
      %dma_wait3A_60 = tpu.memref_slice %arg22[%run_scoped3A_38, %dma_wait3A_59] : memref<14x3136xf32, #tpu.memory_space<vmem>> -> memref<1x3136xf32, #tpu.memory_space<vmem>>
      %dma_wait3A_61 = tpu.memref_squeeze %dma_wait3A_60 : memref<1x3136xf32, #tpu.memory_space<vmem>> -> memref<3136xf32, #tpu.memory_space<vmem>>
      tpu.wait_dma2 semaphore(%run_scoped3A_47 : memref<!tpu.dma_semaphore, #tpu.memory_space<semaphore_mem>>) src(%dma_wait3A_61 : memref<3136xf32, #tpu.memory_space<vmem>>) dst(%dma_wait3A_58 : memref<3136xf32, #tpu.memory_space<hbm>>)
      tpu.yield
    }) : () -> ()
    %run_scoped3A_39 = arith.constant 6 : i32
    "tpu.region"() ({
      %run_scoped3A_47 = tpu.sem_alloc : memref<!tpu.dma_semaphore, #tpu.memory_space<semaphore_mem>>
      %dma_start3A = arith.constant 0 : i32
      %dma_start3A_48 = tpu.memref_slice %arg22[%run_scoped3A_39, %dma_start3A] : memref<14x3136xf32, #tpu.memory_space<vmem>> -> memref<1x3136xf32, #tpu.memory_space<vmem>>
      %dma_start3A_49 = tpu.memref_squeeze %dma_start3A_48 : memref<1x3136xf32, #tpu.memory_space<vmem>> -> memref<3136xf32, #tpu.memory_space<vmem>>
      %dma_start3A_50 = tpu.memref_slice %arg11[%mul3A_2] : memref<100352xf32, #tpu.memory_space<hbm>> -> memref<3136xf32, #tpu.memory_space<hbm>>
      %dma_start3A_51 = tpu.memref_slice %arg11[%mul3A_2] : memref<100352xf32, #tpu.memory_space<hbm>> -> memref<3136xf32, #tpu.memory_space<hbm>>
      %dma_start3A_52 = arith.constant 0 : i32
      %dma_start3A_53 = tpu.memref_slice %arg22[%run_scoped3A_39, %dma_start3A_52] : memref<14x3136xf32, #tpu.memory_space<vmem>> -> memref<1x3136xf32, #tpu.memory_space<vmem>>
      %dma_start3A_54 = tpu.memref_squeeze %dma_start3A_53 : memref<1x3136xf32, #tpu.memory_space<vmem>> -> memref<3136xf32, #tpu.memory_space<vmem>>
      tpu.enqueue_dma source(%dma_start3A_54 : memref<3136xf32, #tpu.memory_space<vmem>>) target(%dma_start3A_51 : memref<3136xf32, #tpu.memory_space<hbm>>) target_semaphore(%run_scoped3A_47 : memref<!tpu.dma_semaphore, #tpu.memory_space<semaphore_mem>>)
      %dma_wait3A = arith.constant 0 : i32
      %dma_wait3A_55 = tpu.memref_slice %arg22[%run_scoped3A_39, %dma_wait3A] : memref<14x3136xf32, #tpu.memory_space<vmem>> -> memref<1x3136xf32, #tpu.memory_space<vmem>>
      %dma_wait3A_56 = tpu.memref_squeeze %dma_wait3A_55 : memref<1x3136xf32, #tpu.memory_space<vmem>> -> memref<3136xf32, #tpu.memory_space<vmem>>
      %dma_wait3A_57 = tpu.memref_slice %arg11[%mul3A_2] : memref<100352xf32, #tpu.memory_space<hbm>> -> memref<3136xf32, #tpu.memory_space<hbm>>
      %dma_wait3A_58 = tpu.memref_slice %arg11[%mul3A_2] : memref<100352xf32, #tpu.memory_space<hbm>> -> memref<3136xf32, #tpu.memory_space<hbm>>
      %dma_wait3A_59 = arith.constant 0 : i32
      %dma_wait3A_60 = tpu.memref_slice %arg22[%run_scoped3A_39, %dma_wait3A_59] : memref<14x3136xf32, #tpu.memory_space<vmem>> -> memref<1x3136xf32, #tpu.memory_space<vmem>>
      %dma_wait3A_61 = tpu.memref_squeeze %dma_wait3A_60 : memref<1x3136xf32, #tpu.memory_space<vmem>> -> memref<3136xf32, #tpu.memory_space<vmem>>
      tpu.wait_dma2 semaphore(%run_scoped3A_47 : memref<!tpu.dma_semaphore, #tpu.memory_space<semaphore_mem>>) src(%dma_wait3A_61 : memref<3136xf32, #tpu.memory_space<vmem>>) dst(%dma_wait3A_58 : memref<3136xf32, #tpu.memory_space<hbm>>)
      tpu.yield
    }) : () -> ()
    %run_scoped3A_40 = arith.constant 7 : i32
    "tpu.region"() ({
      %run_scoped3A_47 = tpu.sem_alloc : memref<!tpu.dma_semaphore, #tpu.memory_space<semaphore_mem>>
      %dma_start3A = arith.constant 0 : i32
      %dma_start3A_48 = tpu.memref_slice %arg22[%run_scoped3A_40, %dma_start3A] : memref<14x3136xf32, #tpu.memory_space<vmem>> -> memref<1x3136xf32, #tpu.memory_space<vmem>>
      %dma_start3A_49 = tpu.memref_squeeze %dma_start3A_48 : memref<1x3136xf32, #tpu.memory_space<vmem>> -> memref<3136xf32, #tpu.memory_space<vmem>>
      %dma_start3A_50 = tpu.memref_slice %arg12[%mul3A_2] : memref<100352xf32, #tpu.memory_space<hbm>> -> memref<3136xf32, #tpu.memory_space<hbm>>
      %dma_start3A_51 = tpu.memref_slice %arg12[%mul3A_2] : memref<100352xf32, #tpu.memory_space<hbm>> -> memref<3136xf32, #tpu.memory_space<hbm>>
      %dma_start3A_52 = arith.constant 0 : i32
      %dma_start3A_53 = tpu.memref_slice %arg22[%run_scoped3A_40, %dma_start3A_52] : memref<14x3136xf32, #tpu.memory_space<vmem>> -> memref<1x3136xf32, #tpu.memory_space<vmem>>
      %dma_start3A_54 = tpu.memref_squeeze %dma_start3A_53 : memref<1x3136xf32, #tpu.memory_space<vmem>> -> memref<3136xf32, #tpu.memory_space<vmem>>
      tpu.enqueue_dma source(%dma_start3A_54 : memref<3136xf32, #tpu.memory_space<vmem>>) target(%dma_start3A_51 : memref<3136xf32, #tpu.memory_space<hbm>>) target_semaphore(%run_scoped3A_47 : memref<!tpu.dma_semaphore, #tpu.memory_space<semaphore_mem>>)
      %dma_wait3A = arith.constant 0 : i32
      %dma_wait3A_55 = tpu.memref_slice %arg22[%run_scoped3A_40, %dma_wait3A] : memref<14x3136xf32, #tpu.memory_space<vmem>> -> memref<1x3136xf32, #tpu.memory_space<vmem>>
      %dma_wait3A_56 = tpu.memref_squeeze %dma_wait3A_55 : memref<1x3136xf32, #tpu.memory_space<vmem>> -> memref<3136xf32, #tpu.memory_space<vmem>>
      %dma_wait3A_57 = tpu.memref_slice %arg12[%mul3A_2] : memref<100352xf32, #tpu.memory_space<hbm>> -> memref<3136xf32, #tpu.memory_space<hbm>>
      %dma_wait3A_58 = tpu.memref_slice %arg12[%mul3A_2] : memref<100352xf32, #tpu.memory_space<hbm>> -> memref<3136xf32, #tpu.memory_space<hbm>>
      %dma_wait3A_59 = arith.constant 0 : i32
      %dma_wait3A_60 = tpu.memref_slice %arg22[%run_scoped3A_40, %dma_wait3A_59] : memref<14x3136xf32, #tpu.memory_space<vmem>> -> memref<1x3136xf32, #tpu.memory_space<vmem>>
      %dma_wait3A_61 = tpu.memref_squeeze %dma_wait3A_60 : memref<1x3136xf32, #tpu.memory_space<vmem>> -> memref<3136xf32, #tpu.memory_space<vmem>>
      tpu.wait_dma2 semaphore(%run_scoped3A_47 : memref<!tpu.dma_semaphore, #tpu.memory_space<semaphore_mem>>) src(%dma_wait3A_61 : memref<3136xf32, #tpu.memory_space<vmem>>) dst(%dma_wait3A_58 : memref<3136xf32, #tpu.memory_space<hbm>>)
      tpu.yield
    }) : () -> ()
    %run_scoped3A_41 = arith.constant 8 : i32
    "tpu.region"() ({
      %run_scoped3A_47 = tpu.sem_alloc : memref<!tpu.dma_semaphore, #tpu.memory_space<semaphore_mem>>
      %dma_start3A = arith.constant 0 : i32
      %dma_start3A_48 = tpu.memref_slice %arg22[%run_scoped3A_41, %dma_start3A] : memref<14x3136xf32, #tpu.memory_space<vmem>> -> memref<1x3136xf32, #tpu.memory_space<vmem>>
      %dma_start3A_49 = tpu.memref_squeeze %dma_start3A_48 : memref<1x3136xf32, #tpu.memory_space<vmem>> -> memref<3136xf32, #tpu.memory_space<vmem>>
      %dma_start3A_50 = tpu.memref_slice %arg13[%mul3A_2] : memref<100352xf32, #tpu.memory_space<hbm>> -> memref<3136xf32, #tpu.memory_space<hbm>>
      %dma_start3A_51 = tpu.memref_slice %arg13[%mul3A_2] : memref<100352xf32, #tpu.memory_space<hbm>> -> memref<3136xf32, #tpu.memory_space<hbm>>
      %dma_start3A_52 = arith.constant 0 : i32
      %dma_start3A_53 = tpu.memref_slice %arg22[%run_scoped3A_41, %dma_start3A_52] : memref<14x3136xf32, #tpu.memory_space<vmem>> -> memref<1x3136xf32, #tpu.memory_space<vmem>>
      %dma_start3A_54 = tpu.memref_squeeze %dma_start3A_53 : memref<1x3136xf32, #tpu.memory_space<vmem>> -> memref<3136xf32, #tpu.memory_space<vmem>>
      tpu.enqueue_dma source(%dma_start3A_54 : memref<3136xf32, #tpu.memory_space<vmem>>) target(%dma_start3A_51 : memref<3136xf32, #tpu.memory_space<hbm>>) target_semaphore(%run_scoped3A_47 : memref<!tpu.dma_semaphore, #tpu.memory_space<semaphore_mem>>)
      %dma_wait3A = arith.constant 0 : i32
      %dma_wait3A_55 = tpu.memref_slice %arg22[%run_scoped3A_41, %dma_wait3A] : memref<14x3136xf32, #tpu.memory_space<vmem>> -> memref<1x3136xf32, #tpu.memory_space<vmem>>
      %dma_wait3A_56 = tpu.memref_squeeze %dma_wait3A_55 : memref<1x3136xf32, #tpu.memory_space<vmem>> -> memref<3136xf32, #tpu.memory_space<vmem>>
      %dma_wait3A_57 = tpu.memref_slice %arg13[%mul3A_2] : memref<100352xf32, #tpu.memory_space<hbm>> -> memref<3136xf32, #tpu.memory_space<hbm>>
      %dma_wait3A_58 = tpu.memref_slice %arg13[%mul3A_2] : memref<100352xf32, #tpu.memory_space<hbm>> -> memref<3136xf32, #tpu.memory_space<hbm>>
      %dma_wait3A_59 = arith.constant 0 : i32
      %dma_wait3A_60 = tpu.memref_slice %arg22[%run_scoped3A_41, %dma_wait3A_59] : memref<14x3136xf32, #tpu.memory_space<vmem>> -> memref<1x3136xf32, #tpu.memory_space<vmem>>
      %dma_wait3A_61 = tpu.memref_squeeze %dma_wait3A_60 : memref<1x3136xf32, #tpu.memory_space<vmem>> -> memref<3136xf32, #tpu.memory_space<vmem>>
      tpu.wait_dma2 semaphore(%run_scoped3A_47 : memref<!tpu.dma_semaphore, #tpu.memory_space<semaphore_mem>>) src(%dma_wait3A_61 : memref<3136xf32, #tpu.memory_space<vmem>>) dst(%dma_wait3A_58 : memref<3136xf32, #tpu.memory_space<hbm>>)
      tpu.yield
    }) : () -> ()
    %run_scoped3A_42 = arith.constant 9 : i32
    "tpu.region"() ({
      %run_scoped3A_47 = tpu.sem_alloc : memref<!tpu.dma_semaphore, #tpu.memory_space<semaphore_mem>>
      %dma_start3A = arith.constant 0 : i32
      %dma_start3A_48 = tpu.memref_slice %arg22[%run_scoped3A_42, %dma_start3A] : memref<14x3136xf32, #tpu.memory_space<vmem>> -> memref<1x3136xf32, #tpu.memory_space<vmem>>
      %dma_start3A_49 = tpu.memref_squeeze %dma_start3A_48 : memref<1x3136xf32, #tpu.memory_space<vmem>> -> memref<3136xf32, #tpu.memory_space<vmem>>
      %dma_start3A_50 = tpu.memref_slice %arg14[%mul3A_2] : memref<100352xf32, #tpu.memory_space<hbm>> -> memref<3136xf32, #tpu.memory_space<hbm>>
      %dma_start3A_51 = tpu.memref_slice %arg14[%mul3A_2] : memref<100352xf32, #tpu.memory_space<hbm>> -> memref<3136xf32, #tpu.memory_space<hbm>>
      %dma_start3A_52 = arith.constant 0 : i32
      %dma_start3A_53 = tpu.memref_slice %arg22[%run_scoped3A_42, %dma_start3A_52] : memref<14x3136xf32, #tpu.memory_space<vmem>> -> memref<1x3136xf32, #tpu.memory_space<vmem>>
      %dma_start3A_54 = tpu.memref_squeeze %dma_start3A_53 : memref<1x3136xf32, #tpu.memory_space<vmem>> -> memref<3136xf32, #tpu.memory_space<vmem>>
      tpu.enqueue_dma source(%dma_start3A_54 : memref<3136xf32, #tpu.memory_space<vmem>>) target(%dma_start3A_51 : memref<3136xf32, #tpu.memory_space<hbm>>) target_semaphore(%run_scoped3A_47 : memref<!tpu.dma_semaphore, #tpu.memory_space<semaphore_mem>>)
      %dma_wait3A = arith.constant 0 : i32
      %dma_wait3A_55 = tpu.memref_slice %arg22[%run_scoped3A_42, %dma_wait3A] : memref<14x3136xf32, #tpu.memory_space<vmem>> -> memref<1x3136xf32, #tpu.memory_space<vmem>>
      %dma_wait3A_56 = tpu.memref_squeeze %dma_wait3A_55 : memref<1x3136xf32, #tpu.memory_space<vmem>> -> memref<3136xf32, #tpu.memory_space<vmem>>
      %dma_wait3A_57 = tpu.memref_slice %arg14[%mul3A_2] : memref<100352xf32, #tpu.memory_space<hbm>> -> memref<3136xf32, #tpu.memory_space<hbm>>
      %dma_wait3A_58 = tpu.memref_slice %arg14[%mul3A_2] : memref<100352xf32, #tpu.memory_space<hbm>> -> memref<3136xf32, #tpu.memory_space<hbm>>
      %dma_wait3A_59 = arith.constant 0 : i32
      %dma_wait3A_60 = tpu.memref_slice %arg22[%run_scoped3A_42, %dma_wait3A_59] : memref<14x3136xf32, #tpu.memory_space<vmem>> -> memref<1x3136xf32, #tpu.memory_space<vmem>>
      %dma_wait3A_61 = tpu.memref_squeeze %dma_wait3A_60 : memref<1x3136xf32, #tpu.memory_space<vmem>> -> memref<3136xf32, #tpu.memory_space<vmem>>
      tpu.wait_dma2 semaphore(%run_scoped3A_47 : memref<!tpu.dma_semaphore, #tpu.memory_space<semaphore_mem>>) src(%dma_wait3A_61 : memref<3136xf32, #tpu.memory_space<vmem>>) dst(%dma_wait3A_58 : memref<3136xf32, #tpu.memory_space<hbm>>)
      tpu.yield
    }) : () -> ()
    %run_scoped3A_43 = arith.constant 10 : i32
    "tpu.region"() ({
      %run_scoped3A_47 = tpu.sem_alloc : memref<!tpu.dma_semaphore, #tpu.memory_space<semaphore_mem>>
      %dma_start3A = arith.constant 0 : i32
      %dma_start3A_48 = tpu.memref_slice %arg22[%run_scoped3A_43, %dma_start3A] : memref<14x3136xf32, #tpu.memory_space<vmem>> -> memref<1x3136xf32, #tpu.memory_space<vmem>>
      %dma_start3A_49 = tpu.memref_squeeze %dma_start3A_48 : memref<1x3136xf32, #tpu.memory_space<vmem>> -> memref<3136xf32, #tpu.memory_space<vmem>>
      %dma_start3A_50 = tpu.memref_slice %arg15[%mul3A_2] : memref<100352xf32, #tpu.memory_space<hbm>> -> memref<3136xf32, #tpu.memory_space<hbm>>
      %dma_start3A_51 = tpu.memref_slice %arg15[%mul3A_2] : memref<100352xf32, #tpu.memory_space<hbm>> -> memref<3136xf32, #tpu.memory_space<hbm>>
      %dma_start3A_52 = arith.constant 0 : i32
      %dma_start3A_53 = tpu.memref_slice %arg22[%run_scoped3A_43, %dma_start3A_52] : memref<14x3136xf32, #tpu.memory_space<vmem>> -> memref<1x3136xf32, #tpu.memory_space<vmem>>
      %dma_start3A_54 = tpu.memref_squeeze %dma_start3A_53 : memref<1x3136xf32, #tpu.memory_space<vmem>> -> memref<3136xf32, #tpu.memory_space<vmem>>
      tpu.enqueue_dma source(%dma_start3A_54 : memref<3136xf32, #tpu.memory_space<vmem>>) target(%dma_start3A_51 : memref<3136xf32, #tpu.memory_space<hbm>>) target_semaphore(%run_scoped3A_47 : memref<!tpu.dma_semaphore, #tpu.memory_space<semaphore_mem>>)
      %dma_wait3A = arith.constant 0 : i32
      %dma_wait3A_55 = tpu.memref_slice %arg22[%run_scoped3A_43, %dma_wait3A] : memref<14x3136xf32, #tpu.memory_space<vmem>> -> memref<1x3136xf32, #tpu.memory_space<vmem>>
      %dma_wait3A_56 = tpu.memref_squeeze %dma_wait3A_55 : memref<1x3136xf32, #tpu.memory_space<vmem>> -> memref<3136xf32, #tpu.memory_space<vmem>>
      %dma_wait3A_57 = tpu.memref_slice %arg15[%mul3A_2] : memref<100352xf32, #tpu.memory_space<hbm>> -> memref<3136xf32, #tpu.memory_space<hbm>>
      %dma_wait3A_58 = tpu.memref_slice %arg15[%mul3A_2] : memref<100352xf32, #tpu.memory_space<hbm>> -> memref<3136xf32, #tpu.memory_space<hbm>>
      %dma_wait3A_59 = arith.constant 0 : i32
      %dma_wait3A_60 = tpu.memref_slice %arg22[%run_scoped3A_43, %dma_wait3A_59] : memref<14x3136xf32, #tpu.memory_space<vmem>> -> memref<1x3136xf32, #tpu.memory_space<vmem>>
      %dma_wait3A_61 = tpu.memref_squeeze %dma_wait3A_60 : memref<1x3136xf32, #tpu.memory_space<vmem>> -> memref<3136xf32, #tpu.memory_space<vmem>>
      tpu.wait_dma2 semaphore(%run_scoped3A_47 : memref<!tpu.dma_semaphore, #tpu.memory_space<semaphore_mem>>) src(%dma_wait3A_61 : memref<3136xf32, #tpu.memory_space<vmem>>) dst(%dma_wait3A_58 : memref<3136xf32, #tpu.memory_space<hbm>>)
      tpu.yield
    }) : () -> ()
    %run_scoped3A_44 = arith.constant 11 : i32
    "tpu.region"() ({
      %run_scoped3A_47 = tpu.sem_alloc : memref<!tpu.dma_semaphore, #tpu.memory_space<semaphore_mem>>
      %dma_start3A = arith.constant 0 : i32
      %dma_start3A_48 = tpu.memref_slice %arg22[%run_scoped3A_44, %dma_start3A] : memref<14x3136xf32, #tpu.memory_space<vmem>> -> memref<1x3136xf32, #tpu.memory_space<vmem>>
      %dma_start3A_49 = tpu.memref_squeeze %dma_start3A_48 : memref<1x3136xf32, #tpu.memory_space<vmem>> -> memref<3136xf32, #tpu.memory_space<vmem>>
      %dma_start3A_50 = tpu.memref_slice %arg16[%mul3A_2] : memref<100352xf32, #tpu.memory_space<hbm>> -> memref<3136xf32, #tpu.memory_space<hbm>>
      %dma_start3A_51 = tpu.memref_slice %arg16[%mul3A_2] : memref<100352xf32, #tpu.memory_space<hbm>> -> memref<3136xf32, #tpu.memory_space<hbm>>
      %dma_start3A_52 = arith.constant 0 : i32
      %dma_start3A_53 = tpu.memref_slice %arg22[%run_scoped3A_44, %dma_start3A_52] : memref<14x3136xf32, #tpu.memory_space<vmem>> -> memref<1x3136xf32, #tpu.memory_space<vmem>>
      %dma_start3A_54 = tpu.memref_squeeze %dma_start3A_53 : memref<1x3136xf32, #tpu.memory_space<vmem>> -> memref<3136xf32, #tpu.memory_space<vmem>>
      tpu.enqueue_dma source(%dma_start3A_54 : memref<3136xf32, #tpu.memory_space<vmem>>) target(%dma_start3A_51 : memref<3136xf32, #tpu.memory_space<hbm>>) target_semaphore(%run_scoped3A_47 : memref<!tpu.dma_semaphore, #tpu.memory_space<semaphore_mem>>)
      %dma_wait3A = arith.constant 0 : i32
      %dma_wait3A_55 = tpu.memref_slice %arg22[%run_scoped3A_44, %dma_wait3A] : memref<14x3136xf32, #tpu.memory_space<vmem>> -> memref<1x3136xf32, #tpu.memory_space<vmem>>
      %dma_wait3A_56 = tpu.memref_squeeze %dma_wait3A_55 : memref<1x3136xf32, #tpu.memory_space<vmem>> -> memref<3136xf32, #tpu.memory_space<vmem>>
      %dma_wait3A_57 = tpu.memref_slice %arg16[%mul3A_2] : memref<100352xf32, #tpu.memory_space<hbm>> -> memref<3136xf32, #tpu.memory_space<hbm>>
      %dma_wait3A_58 = tpu.memref_slice %arg16[%mul3A_2] : memref<100352xf32, #tpu.memory_space<hbm>> -> memref<3136xf32, #tpu.memory_space<hbm>>
      %dma_wait3A_59 = arith.constant 0 : i32
      %dma_wait3A_60 = tpu.memref_slice %arg22[%run_scoped3A_44, %dma_wait3A_59] : memref<14x3136xf32, #tpu.memory_space<vmem>> -> memref<1x3136xf32, #tpu.memory_space<vmem>>
      %dma_wait3A_61 = tpu.memref_squeeze %dma_wait3A_60 : memref<1x3136xf32, #tpu.memory_space<vmem>> -> memref<3136xf32, #tpu.memory_space<vmem>>
      tpu.wait_dma2 semaphore(%run_scoped3A_47 : memref<!tpu.dma_semaphore, #tpu.memory_space<semaphore_mem>>) src(%dma_wait3A_61 : memref<3136xf32, #tpu.memory_space<vmem>>) dst(%dma_wait3A_58 : memref<3136xf32, #tpu.memory_space<hbm>>)
      tpu.yield
    }) : () -> ()
    %run_scoped3A_45 = arith.constant 12 : i32
    "tpu.region"() ({
      %run_scoped3A_47 = tpu.sem_alloc : memref<!tpu.dma_semaphore, #tpu.memory_space<semaphore_mem>>
      %dma_start3A = arith.constant 0 : i32
      %dma_start3A_48 = tpu.memref_slice %arg22[%run_scoped3A_45, %dma_start3A] : memref<14x3136xf32, #tpu.memory_space<vmem>> -> memref<1x3136xf32, #tpu.memory_space<vmem>>
      %dma_start3A_49 = tpu.memref_squeeze %dma_start3A_48 : memref<1x3136xf32, #tpu.memory_space<vmem>> -> memref<3136xf32, #tpu.memory_space<vmem>>
      %dma_start3A_50 = tpu.memref_slice %arg17[%mul3A_2] : memref<100352xf32, #tpu.memory_space<hbm>> -> memref<3136xf32, #tpu.memory_space<hbm>>
      %dma_start3A_51 = tpu.memref_slice %arg17[%mul3A_2] : memref<100352xf32, #tpu.memory_space<hbm>> -> memref<3136xf32, #tpu.memory_space<hbm>>
      %dma_start3A_52 = arith.constant 0 : i32
      %dma_start3A_53 = tpu.memref_slice %arg22[%run_scoped3A_45, %dma_start3A_52] : memref<14x3136xf32, #tpu.memory_space<vmem>> -> memref<1x3136xf32, #tpu.memory_space<vmem>>
      %dma_start3A_54 = tpu.memref_squeeze %dma_start3A_53 : memref<1x3136xf32, #tpu.memory_space<vmem>> -> memref<3136xf32, #tpu.memory_space<vmem>>
      tpu.enqueue_dma source(%dma_start3A_54 : memref<3136xf32, #tpu.memory_space<vmem>>) target(%dma_start3A_51 : memref<3136xf32, #tpu.memory_space<hbm>>) target_semaphore(%run_scoped3A_47 : memref<!tpu.dma_semaphore, #tpu.memory_space<semaphore_mem>>)
      %dma_wait3A = arith.constant 0 : i32
      %dma_wait3A_55 = tpu.memref_slice %arg22[%run_scoped3A_45, %dma_wait3A] : memref<14x3136xf32, #tpu.memory_space<vmem>> -> memref<1x3136xf32, #tpu.memory_space<vmem>>
      %dma_wait3A_56 = tpu.memref_squeeze %dma_wait3A_55 : memref<1x3136xf32, #tpu.memory_space<vmem>> -> memref<3136xf32, #tpu.memory_space<vmem>>
      %dma_wait3A_57 = tpu.memref_slice %arg17[%mul3A_2] : memref<100352xf32, #tpu.memory_space<hbm>> -> memref<3136xf32, #tpu.memory_space<hbm>>
      %dma_wait3A_58 = tpu.memref_slice %arg17[%mul3A_2] : memref<100352xf32, #tpu.memory_space<hbm>> -> memref<3136xf32, #tpu.memory_space<hbm>>
      %dma_wait3A_59 = arith.constant 0 : i32
      %dma_wait3A_60 = tpu.memref_slice %arg22[%run_scoped3A_45, %dma_wait3A_59] : memref<14x3136xf32, #tpu.memory_space<vmem>> -> memref<1x3136xf32, #tpu.memory_space<vmem>>
      %dma_wait3A_61 = tpu.memref_squeeze %dma_wait3A_60 : memref<1x3136xf32, #tpu.memory_space<vmem>> -> memref<3136xf32, #tpu.memory_space<vmem>>
      tpu.wait_dma2 semaphore(%run_scoped3A_47 : memref<!tpu.dma_semaphore, #tpu.memory_space<semaphore_mem>>) src(%dma_wait3A_61 : memref<3136xf32, #tpu.memory_space<vmem>>) dst(%dma_wait3A_58 : memref<3136xf32, #tpu.memory_space<hbm>>)
      tpu.yield
    }) : () -> ()
    %run_scoped3A_46 = arith.constant 13 : i32
    "tpu.region"() ({
      %run_scoped3A_47 = tpu.sem_alloc : memref<!tpu.dma_semaphore, #tpu.memory_space<semaphore_mem>>
      %dma_start3A = arith.constant 0 : i32
      %dma_start3A_48 = tpu.memref_slice %arg22[%run_scoped3A_46, %dma_start3A] : memref<14x3136xf32, #tpu.memory_space<vmem>> -> memref<1x3136xf32, #tpu.memory_space<vmem>>
      %dma_start3A_49 = tpu.memref_squeeze %dma_start3A_48 : memref<1x3136xf32, #tpu.memory_space<vmem>> -> memref<3136xf32, #tpu.memory_space<vmem>>
      %dma_start3A_50 = tpu.memref_slice %arg18[%mul3A_2] : memref<100352xf32, #tpu.memory_space<hbm>> -> memref<3136xf32, #tpu.memory_space<hbm>>
      %dma_start3A_51 = tpu.memref_slice %arg18[%mul3A_2] : memref<100352xf32, #tpu.memory_space<hbm>> -> memref<3136xf32, #tpu.memory_space<hbm>>
      %dma_start3A_52 = arith.constant 0 : i32
      %dma_start3A_53 = tpu.memref_slice %arg22[%run_scoped3A_46, %dma_start3A_52] : memref<14x3136xf32, #tpu.memory_space<vmem>> -> memref<1x3136xf32, #tpu.memory_space<vmem>>
      %dma_start3A_54 = tpu.memref_squeeze %dma_start3A_53 : memref<1x3136xf32, #tpu.memory_space<vmem>> -> memref<3136xf32, #tpu.memory_space<vmem>>
      tpu.enqueue_dma source(%dma_start3A_54 : memref<3136xf32, #tpu.memory_space<vmem>>) target(%dma_start3A_51 : memref<3136xf32, #tpu.memory_space<hbm>>) target_semaphore(%run_scoped3A_47 : memref<!tpu.dma_semaphore, #tpu.memory_space<semaphore_mem>>)
      %dma_wait3A = arith.constant 0 : i32
      %dma_wait3A_55 = tpu.memref_slice %arg22[%run_scoped3A_46, %dma_wait3A] : memref<14x3136xf32, #tpu.memory_space<vmem>> -> memref<1x3136xf32, #tpu.memory_space<vmem>>
      %dma_wait3A_56 = tpu.memref_squeeze %dma_wait3A_55 : memref<1x3136xf32, #tpu.memory_space<vmem>> -> memref<3136xf32, #tpu.memory_space<vmem>>
      %dma_wait3A_57 = tpu.memref_slice %arg18[%mul3A_2] : memref<100352xf32, #tpu.memory_space<hbm>> -> memref<3136xf32, #tpu.memory_space<hbm>>
      %dma_wait3A_58 = tpu.memref_slice %arg18[%mul3A_2] : memref<100352xf32, #tpu.memory_space<hbm>> -> memref<3136xf32, #tpu.memory_space<hbm>>
      %dma_wait3A_59 = arith.constant 0 : i32
      %dma_wait3A_60 = tpu.memref_slice %arg22[%run_scoped3A_46, %dma_wait3A_59] : memref<14x3136xf32, #tpu.memory_space<vmem>> -> memref<1x3136xf32, #tpu.memory_space<vmem>>
      %dma_wait3A_61 = tpu.memref_squeeze %dma_wait3A_60 : memref<1x3136xf32, #tpu.memory_space<vmem>> -> memref<3136xf32, #tpu.memory_space<vmem>>
      tpu.wait_dma2 semaphore(%run_scoped3A_47 : memref<!tpu.dma_semaphore, #tpu.memory_space<semaphore_mem>>) src(%dma_wait3A_61 : memref<3136xf32, #tpu.memory_space<vmem>>) dst(%dma_wait3A_58 : memref<3136xf32, #tpu.memory_space<hbm>>)
      tpu.yield
    }) : () -> ()
    return
  }
}

#map = affine_map<(d0, d1) -> (0)>
#map1 = affine_map<(d0, d1) -> (0, 0)>
module attributes {stable_mosaic.version = 14 : i64} {
  func.func @_edge_body(%arg0: i32, %arg1: i32, %arg2: memref<100352xi32, #tpu.memory_space<hbm>>, %arg3: memref<6400000xi32, #tpu.memory_space<hbm>>, %arg4: memref<6400000xi32, #tpu.memory_space<hbm>>, %arg5: memref<6400000xf32, #tpu.memory_space<hbm>>, %arg6: memref<16xf32, #tpu.memory_space<hbm>>, %arg7: memref<6400000xf32, #tpu.memory_space<hbm>>, %arg8: memref<6400000xf32, #tpu.memory_space<hbm>>, %arg9: memref<6400000xf32, #tpu.memory_space<hbm>>, %arg10: memref<6400000xf32, #tpu.memory_space<hbm>>, %arg11: memref<6400000xf32, #tpu.memory_space<hbm>>, %arg12: memref<6400000xf32, #tpu.memory_space<hbm>>, %arg13: memref<6400000x8xf32, #tpu.memory_space<hbm>>, %arg14: memref<100352xi32, #tpu.memory_space<vmem>>, %arg15: memref<1600xi32, #tpu.memory_space<vmem>>, %arg16: memref<1600xi32, #tpu.memory_space<vmem>>, %arg17: memref<1600xf32, #tpu.memory_space<vmem>>, %arg18: memref<6x1600xf32, #tpu.memory_space<vmem>>, %arg19: memref<1600x8xf32, #tpu.memory_space<vmem>>, %arg20: memref<16xf32, #tpu.memory_space<vmem>>) attributes {dimension_semantics = [#tpu.dimension_semantics<core_parallel>, #tpu.dimension_semantics<subcore_parallel>], iteration_bounds = array<i64: 2, 16>, scalar_prefetch = 0 : i64, scratch_operands = 7 : i64, tpu.core_type = #tpu.core_type<sc_vector_subcore>, window_params = [{transform_indices = #map}, {transform_indices = #map}, {transform_indices = #map}, {transform_indices = #map}, {transform_indices = #map}, {transform_indices = #map}, {transform_indices = #map}, {transform_indices = #map}, {transform_indices = #map}, {transform_indices = #map}, {transform_indices = #map}, {transform_indices = #map1}]} {
    %mul3A = arith.constant 16 : i32
    %mul3A_0 = arith.muli %arg0, %mul3A : i32
    %add3A = arith.addi %mul3A_0, %arg1 : i32
    "tpu.region"() ({
      %run_scoped3A = tpu.sem_alloc : memref<!tpu.dma_semaphore, #tpu.memory_space<semaphore_mem>>
      tpu.enqueue_dma source(%arg2 : memref<100352xi32, #tpu.memory_space<hbm>>) target(%arg14 : memref<100352xi32, #tpu.memory_space<vmem>>) target_semaphore(%run_scoped3A : memref<!tpu.dma_semaphore, #tpu.memory_space<semaphore_mem>>)
      tpu.wait_dma2 semaphore(%run_scoped3A : memref<!tpu.dma_semaphore, #tpu.memory_space<semaphore_mem>>) src(%arg2 : memref<100352xi32, #tpu.memory_space<hbm>>) dst(%arg14 : memref<100352xi32, #tpu.memory_space<vmem>>)
      tpu.yield
    }) : () -> ()
    "tpu.region"() ({
      %run_scoped3A = tpu.sem_alloc : memref<!tpu.dma_semaphore, #tpu.memory_space<semaphore_mem>>
      tpu.enqueue_dma source(%arg6 : memref<16xf32, #tpu.memory_space<hbm>>) target(%arg20 : memref<16xf32, #tpu.memory_space<vmem>>) target_semaphore(%run_scoped3A : memref<!tpu.dma_semaphore, #tpu.memory_space<semaphore_mem>>)
      tpu.wait_dma2 semaphore(%run_scoped3A : memref<!tpu.dma_semaphore, #tpu.memory_space<semaphore_mem>>) src(%arg6 : memref<16xf32, #tpu.memory_space<hbm>>) dst(%arg20 : memref<16xf32, #tpu.memory_space<vmem>>)
      tpu.yield
    }) : () -> ()
    %iota3A = tpu.iota {dimensions = array<i32: 0>} : vector<16xi32>
    %broadcast_in_dim3A = arith.constant 0.000000e+00 : f32
    %broadcast_in_dim3A_1 = vector.broadcast %broadcast_in_dim3A : f32 to vector<16xf32>
    %broadcast_in_dim3A_2 = arith.constant 0 : i32
    %broadcast_in_dim3A_3 = vector.broadcast %broadcast_in_dim3A_2 : i32 to vector<16xi32>
    %broadcast_in_dim3A_4 = arith.constant 1 : i32
    %broadcast_in_dim3A_5 = vector.broadcast %broadcast_in_dim3A_4 : i32 to vector<16xi32>
    %broadcast_in_dim3A_6 = arith.constant 2 : i32
    %broadcast_in_dim3A_7 = vector.broadcast %broadcast_in_dim3A_6 : i32 to vector<16xi32>
    %broadcast_in_dim3A_8 = arith.constant 3 : i32
    %broadcast_in_dim3A_9 = vector.broadcast %broadcast_in_dim3A_8 : i32 to vector<16xi32>
    %broadcast_in_dim3A_10 = arith.constant 4 : i32
    %broadcast_in_dim3A_11 = vector.broadcast %broadcast_in_dim3A_10 : i32 to vector<16xi32>
    %broadcast_in_dim3A_12 = arith.constant 5 : i32
    %broadcast_in_dim3A_13 = vector.broadcast %broadcast_in_dim3A_12 : i32 to vector<16xi32>
    %broadcast_in_dim3A_14 = arith.constant 6 : i32
    %broadcast_in_dim3A_15 = vector.broadcast %broadcast_in_dim3A_14 : i32 to vector<16xi32>
    %broadcast_in_dim3A_16 = arith.constant 7 : i32
    %broadcast_in_dim3A_17 = vector.broadcast %broadcast_in_dim3A_16 : i32 to vector<16xi32>
    %scan3A = arith.constant 0 : i32
    %scan3A_18 = arith.constant 0 : i32
    %scan3A_19 = arith.constant 100 : i32
    %scan3A_20 = arith.addi %scan3A_18, %scan3A_19 : i32
    %scan3A_21 = arith.constant 1 : i32
    %scan3A_22 = scf.for %scan3A_63 = %scan3A_18 to %scan3A_20 step %scan3A_21 iter_args(%scan3A_64 = %scan3A) -> (i32)  : i32 {
      %mul3A_65 = arith.constant 16 : i32
      %mul3A_66 = arith.muli %scan3A_63, %mul3A_65 : i32
      %add3A_67 = vector.broadcast %mul3A_66 : i32 to vector<16xi32>
      %add3A_68 = arith.addi %iota3A, %add3A_67 : vector<16xi32>
      tpu.vector_store_idx %arg19[%add3A_68, %broadcast_in_dim3A_15], %broadcast_in_dim3A_1 : memref<1600x8xf32, #tpu.memory_space<vmem>>[vector<16xi32>, vector<16xi32>], vector<16xf32>,
      tpu.vector_store_idx %arg19[%add3A_68, %broadcast_in_dim3A_17], %broadcast_in_dim3A_1 : memref<1600x8xf32, #tpu.memory_space<vmem>>[vector<16xi32>, vector<16xi32>], vector<16xf32>,
      %scan3A_69 = arith.constant 0 : i32
      scf.yield %scan3A_69 : i32
    }
    %scan3A_23 = arith.constant 100 : i32
    %get3A = arith.constant 0 : index
    %get3A_24 = tpu.vector_load %arg20[%get3A] {strides = array<i32>} : memref<16xf32, #tpu.memory_space<vmem>>, vector<16xf32>,
    %slice3A = vector.extract_strided_slice %get3A_24 {offsets = [0], sizes = [1], strides = [1]} : vector<16xf32> to vector<1xf32>
    %squeeze3A = vector.extract %slice3A[0] : f32 from vector<1xf32>
    %slice3A_25 = vector.extract_strided_slice %get3A_24 {offsets = [1], sizes = [1], strides = [1]} : vector<16xf32> to vector<1xf32>
    %squeeze3A_26 = vector.extract %slice3A_25[0] : f32 from vector<1xf32>
    %slice3A_27 = vector.extract_strided_slice %get3A_24 {offsets = [2], sizes = [1], strides = [1]} : vector<16xf32> to vector<1xf32>
    %squeeze3A_28 = vector.extract %slice3A_27[0] : f32 from vector<1xf32>
    %slice3A_29 = vector.extract_strided_slice %get3A_24 {offsets = [3], sizes = [1], strides = [1]} : vector<16xf32> to vector<1xf32>
    %squeeze3A_30 = vector.extract %slice3A_29[0] : f32 from vector<1xf32>
    %slice3A_31 = vector.extract_strided_slice %get3A_24 {offsets = [4], sizes = [1], strides = [1]} : vector<16xf32> to vector<1xf32>
    %squeeze3A_32 = vector.extract %slice3A_31[0] : f32 from vector<1xf32>
    %slice3A_33 = vector.extract_strided_slice %get3A_24 {offsets = [5], sizes = [1], strides = [1]} : vector<16xf32> to vector<1xf32>
    %squeeze3A_34 = vector.extract %slice3A_33[0] : f32 from vector<1xf32>
    %slice3A_35 = vector.extract_strided_slice %get3A_24 {offsets = [6], sizes = [1], strides = [1]} : vector<16xf32> to vector<1xf32>
    %squeeze3A_36 = vector.extract %slice3A_35[0] : f32 from vector<1xf32>
    %slice3A_37 = vector.extract_strided_slice %get3A_24 {offsets = [7], sizes = [1], strides = [1]} : vector<16xf32> to vector<1xf32>
    %squeeze3A_38 = vector.extract %slice3A_37[0] : f32 from vector<1xf32>
    %slice3A_39 = vector.extract_strided_slice %get3A_24 {offsets = [8], sizes = [1], strides = [1]} : vector<16xf32> to vector<1xf32>
    %squeeze3A_40 = vector.extract %slice3A_39[0] : f32 from vector<1xf32>
    %slice3A_41 = vector.extract_strided_slice %get3A_24 {offsets = [9], sizes = [1], strides = [1]} : vector<16xf32> to vector<1xf32>
    %squeeze3A_42 = vector.extract %slice3A_41[0] : f32 from vector<1xf32>
    %slice3A_43 = vector.extract_strided_slice %get3A_24 {offsets = [10], sizes = [1], strides = [1]} : vector<16xf32> to vector<1xf32>
    %squeeze3A_44 = vector.extract %slice3A_43[0] : f32 from vector<1xf32>
    %slice3A_45 = vector.extract_strided_slice %get3A_24 {offsets = [11], sizes = [1], strides = [1]} : vector<16xf32> to vector<1xf32>
    %squeeze3A_46 = vector.extract %slice3A_45[0] : f32 from vector<1xf32>
    %slice3A_47 = vector.extract_strided_slice %get3A_24 {offsets = [12], sizes = [1], strides = [1]} : vector<16xf32> to vector<1xf32>
    %squeeze3A_48 = vector.extract %slice3A_47[0] : f32 from vector<1xf32>
    %slice3A_49 = vector.extract_strided_slice %get3A_24 {offsets = [13], sizes = [1], strides = [1]} : vector<16xf32> to vector<1xf32>
    %squeeze3A_50 = vector.extract %slice3A_49[0] : f32 from vector<1xf32>
    %slice3A_51 = vector.extract_strided_slice %get3A_24 {offsets = [14], sizes = [1], strides = [1]} : vector<16xf32> to vector<1xf32>
    %squeeze3A_52 = vector.extract %slice3A_51[0] : f32 from vector<1xf32>
    %slice3A_53 = vector.extract_strided_slice %get3A_24 {offsets = [15], sizes = [1], strides = [1]} : vector<16xf32> to vector<1xf32>
    %squeeze3A_54 = vector.extract %slice3A_53[0] : f32 from vector<1xf32>
    %scan3A_55 = arith.constant 0.000000e+00 : f32
    %scan3A_56 = arith.constant 0 : i32
    %scan3A_57 = arith.constant 0 : i32
    %scan3A_58 = arith.constant 125 : i32
    %scan3A_59 = arith.addi %scan3A_57, %scan3A_58 : i32
    %scan3A_60 = arith.constant 1 : i32
    %scan3A_61 = scf.for %scan3A_63 = %scan3A_57 to %scan3A_59 step %scan3A_60 iter_args(%scan3A_64 = %scan3A_56) -> (i32)  : i32 {
      %mul3A_65 = arith.constant 200000 : i32
      %mul3A_66 = arith.muli %add3A, %mul3A_65 : i32
      %mul3A_67 = arith.constant 1600 : i32
      %mul3A_68 = arith.muli %scan3A_63, %mul3A_67 : i32
      %add3A_69 = arith.addi %mul3A_66, %mul3A_68 : i32
      "tpu.region"() ({
        %run_scoped3A_83 = tpu.sem_alloc : memref<!tpu.dma_semaphore, #tpu.memory_space<semaphore_mem>>
        %dma_start3A = tpu.memref_slice %arg3[%add3A_69] : memref<6400000xi32, #tpu.memory_space<hbm>> -> memref<1600xi32, #tpu.memory_space<hbm>>
        %dma_start3A_84 = tpu.memref_slice %arg3[%add3A_69] : memref<6400000xi32, #tpu.memory_space<hbm>> -> memref<1600xi32, #tpu.memory_space<hbm>>
        tpu.enqueue_dma source(%dma_start3A_84 : memref<1600xi32, #tpu.memory_space<hbm>>) target(%arg15 : memref<1600xi32, #tpu.memory_space<vmem>>) target_semaphore(%run_scoped3A_83 : memref<!tpu.dma_semaphore, #tpu.memory_space<semaphore_mem>>)
        %dma_wait3A = tpu.memref_slice %arg3[%add3A_69] : memref<6400000xi32, #tpu.memory_space<hbm>> -> memref<1600xi32, #tpu.memory_space<hbm>>
        %dma_wait3A_85 = tpu.memref_slice %arg3[%add3A_69] : memref<6400000xi32, #tpu.memory_space<hbm>> -> memref<1600xi32, #tpu.memory_space<hbm>>
        tpu.wait_dma2 semaphore(%run_scoped3A_83 : memref<!tpu.dma_semaphore, #tpu.memory_space<semaphore_mem>>) src(%dma_wait3A_85 : memref<1600xi32, #tpu.memory_space<hbm>>) dst(%arg15 : memref<1600xi32, #tpu.memory_space<vmem>>)
        tpu.yield
      }) : () -> ()
      "tpu.region"() ({
        %run_scoped3A_83 = tpu.sem_alloc : memref<!tpu.dma_semaphore, #tpu.memory_space<semaphore_mem>>
        %dma_start3A = tpu.memref_slice %arg4[%add3A_69] : memref<6400000xi32, #tpu.memory_space<hbm>> -> memref<1600xi32, #tpu.memory_space<hbm>>
        %dma_start3A_84 = tpu.memref_slice %arg4[%add3A_69] : memref<6400000xi32, #tpu.memory_space<hbm>> -> memref<1600xi32, #tpu.memory_space<hbm>>
        tpu.enqueue_dma source(%dma_start3A_84 : memref<1600xi32, #tpu.memory_space<hbm>>) target(%arg16 : memref<1600xi32, #tpu.memory_space<vmem>>) target_semaphore(%run_scoped3A_83 : memref<!tpu.dma_semaphore, #tpu.memory_space<semaphore_mem>>)
        %dma_wait3A = tpu.memref_slice %arg4[%add3A_69] : memref<6400000xi32, #tpu.memory_space<hbm>> -> memref<1600xi32, #tpu.memory_space<hbm>>
        %dma_wait3A_85 = tpu.memref_slice %arg4[%add3A_69] : memref<6400000xi32, #tpu.memory_space<hbm>> -> memref<1600xi32, #tpu.memory_space<hbm>>
        tpu.wait_dma2 semaphore(%run_scoped3A_83 : memref<!tpu.dma_semaphore, #tpu.memory_space<semaphore_mem>>) src(%dma_wait3A_85 : memref<1600xi32, #tpu.memory_space<hbm>>) dst(%arg16 : memref<1600xi32, #tpu.memory_space<vmem>>)
        tpu.yield
      }) : () -> ()
      "tpu.region"() ({
        %run_scoped3A_83 = tpu.sem_alloc : memref<!tpu.dma_semaphore, #tpu.memory_space<semaphore_mem>>
        %dma_start3A = tpu.memref_slice %arg5[%add3A_69] : memref<6400000xf32, #tpu.memory_space<hbm>> -> memref<1600xf32, #tpu.memory_space<hbm>>
        %dma_start3A_84 = tpu.memref_slice %arg5[%add3A_69] : memref<6400000xf32, #tpu.memory_space<hbm>> -> memref<1600xf32, #tpu.memory_space<hbm>>
        tpu.enqueue_dma source(%dma_start3A_84 : memref<1600xf32, #tpu.memory_space<hbm>>) target(%arg17 : memref<1600xf32, #tpu.memory_space<vmem>>) target_semaphore(%run_scoped3A_83 : memref<!tpu.dma_semaphore, #tpu.memory_space<semaphore_mem>>)
        %dma_wait3A = tpu.memref_slice %arg5[%add3A_69] : memref<6400000xf32, #tpu.memory_space<hbm>> -> memref<1600xf32, #tpu.memory_space<hbm>>
        %dma_wait3A_85 = tpu.memref_slice %arg5[%add3A_69] : memref<6400000xf32, #tpu.memory_space<hbm>> -> memref<1600xf32, #tpu.memory_space<hbm>>
        tpu.wait_dma2 semaphore(%run_scoped3A_83 : memref<!tpu.dma_semaphore, #tpu.memory_space<semaphore_mem>>) src(%dma_wait3A_85 : memref<1600xf32, #tpu.memory_space<hbm>>) dst(%arg17 : memref<1600xf32, #tpu.memory_space<vmem>>)
        tpu.yield
      }) : () -> ()
      %scan3A_70 = arith.constant 0 : i32
      %scan3A_71 = arith.constant 0 : i32
      %scan3A_72 = arith.constant 100 : i32
      %scan3A_73 = arith.addi %scan3A_71, %scan3A_72 : i32
      %scan3A_74 = arith.constant 1 : i32
      %scan3A_75 = scf.for %scan3A_83 = %scan3A_71 to %scan3A_73 step %scan3A_74 iter_args(%scan3A_84 = %scan3A_70) -> (i32)  : i32 {
        %mul3A_85 = arith.constant 16 : i32
        %mul3A_86 = arith.muli %scan3A_83, %mul3A_85 : i32
        %get3A_87 = arith.index_cast %mul3A_86 : i32 to index
        %get3A_88 = tpu.vector_load %arg15[%get3A_87] {strides = array<i32>} : memref<1600xi32, #tpu.memory_space<vmem>>, vector<16xi32>,
        %get3A_89 = arith.index_cast %mul3A_86 : i32 to index
        %get3A_90 = tpu.vector_load %arg16[%get3A_89] {strides = array<i32>} : memref<1600xi32, #tpu.memory_space<vmem>>, vector<16xi32>,
        %get3A_91 = arith.index_cast %mul3A_86 : i32 to index
        %get3A_92 = tpu.vector_load %arg17[%get3A_91] {strides = array<i32>} : memref<1600xf32, #tpu.memory_space<vmem>>, vector<16xf32>,
        %gather3A = tpu.vector_load_idx %arg14[%get3A_88] : memref<100352xi32, #tpu.memory_space<vmem>>[vector<16xi32>], vector<16xi32>,
        %gather3A_93 = tpu.vector_load_idx %arg14[%get3A_90] : memref<100352xi32, #tpu.memory_space<vmem>>[vector<16xi32>], vector<16xi32>,
        %shift_left3A = arith.constant 16 : i32
        %shift_left3A_94 = vector.broadcast %shift_left3A : i32 to vector<16xi32>
        %shift_left3A_95 = arith.shli %gather3A, %shift_left3A_94 : vector<16xi32>
        %bitcast3A = vector.bitcast %shift_left3A_95 : vector<16xi32> to vector<16xf32>
        %shift_left3A_96 = arith.constant 16 : i32
        %shift_left3A_97 = vector.broadcast %shift_left3A_96 : i32 to vector<16xi32>
        %shift_left3A_98 = arith.shli %gather3A_93, %shift_left3A_97 : vector<16xi32>
        %bitcast3A_99 = vector.bitcast %shift_left3A_98 : vector<16xi32> to vector<16xf32>
        %add3A_100 = arith.addf %bitcast3A, %bitcast3A_99 : vector<16xf32>
        %and3A = arith.constant -65536 : i32
        %and3A_101 = vector.broadcast %and3A : i32 to vector<16xi32>
        %and3A_102 = arith.andi %gather3A, %and3A_101 : vector<16xi32>
        %bitcast3A_103 = vector.bitcast %and3A_102 : vector<16xi32> to vector<16xf32>
        %and3A_104 = arith.constant -65536 : i32
        %and3A_105 = vector.broadcast %and3A_104 : i32 to vector<16xi32>
        %and3A_106 = arith.andi %gather3A_93, %and3A_105 : vector<16xi32>
        %bitcast3A_107 = vector.bitcast %and3A_106 : vector<16xi32> to vector<16xf32>
        %add3A_108 = arith.addf %bitcast3A_103, %bitcast3A_107 : vector<16xf32>
        %mul3A_109 = vector.broadcast %squeeze3A : f32 to vector<16xf32>
        %mul3A_110 = arith.mulf %get3A_92, %mul3A_109 : vector<16xf32>
        %add3A_111 = vector.broadcast %squeeze3A_28 : f32 to vector<16xf32>
        %add3A_112 = arith.addf %mul3A_110, %add3A_111 : vector<16xf32>
        %max3A = vector.broadcast %scan3A_55 : f32 to vector<16xf32>
        %max3A_113 = arith.maximumf %add3A_112, %max3A : vector<16xf32>
        %mul3A_114 = vector.broadcast %squeeze3A_26 : f32 to vector<16xf32>
        %mul3A_115 = arith.mulf %get3A_92, %mul3A_114 : vector<16xf32>
        %add3A_116 = vector.broadcast %squeeze3A_30 : f32 to vector<16xf32>
        %add3A_117 = arith.addf %mul3A_115, %add3A_116 : vector<16xf32>
        %max3A_118 = vector.broadcast %scan3A_55 : f32 to vector<16xf32>
        %max3A_119 = arith.maximumf %add3A_117, %max3A_118 : vector<16xf32>
        %mul3A_120 = vector.broadcast %squeeze3A_32 : f32 to vector<16xf32>
        %mul3A_121 = arith.mulf %add3A_100, %mul3A_120 : vector<16xf32>
        %mul3A_122 = vector.broadcast %squeeze3A_34 : f32 to vector<16xf32>
        %mul3A_123 = arith.mulf %add3A_108, %mul3A_122 : vector<16xf32>
        %add3A_124 = arith.addf %mul3A_121, %mul3A_123 : vector<16xf32>
        %add3A_125 = vector.broadcast %squeeze3A_48 : f32 to vector<16xf32>
        %add3A_126 = arith.addf %add3A_124, %add3A_125 : vector<16xf32>
        %max3A_127 = vector.broadcast %scan3A_55 : f32 to vector<16xf32>
        %max3A_128 = arith.maximumf %add3A_126, %max3A_127 : vector<16xf32>
        %mul3A_129 = vector.broadcast %squeeze3A_36 : f32 to vector<16xf32>
        %mul3A_130 = arith.mulf %add3A_100, %mul3A_129 : vector<16xf32>
        %mul3A_131 = vector.broadcast %squeeze3A_38 : f32 to vector<16xf32>
        %mul3A_132 = arith.mulf %add3A_108, %mul3A_131 : vector<16xf32>
        %add3A_133 = arith.addf %mul3A_130, %mul3A_132 : vector<16xf32>
        %add3A_134 = vector.broadcast %squeeze3A_50 : f32 to vector<16xf32>
        %add3A_135 = arith.addf %add3A_133, %add3A_134 : vector<16xf32>
        %max3A_136 = vector.broadcast %scan3A_55 : f32 to vector<16xf32>
        %max3A_137 = arith.maximumf %add3A_135, %max3A_136 : vector<16xf32>
        %mul3A_138 = vector.broadcast %squeeze3A_40 : f32 to vector<16xf32>
        %mul3A_139 = arith.mulf %add3A_100, %mul3A_138 : vector<16xf32>
        %mul3A_140 = vector.broadcast %squeeze3A_42 : f32 to vector<16xf32>
        %mul3A_141 = arith.mulf %add3A_108, %mul3A_140 : vector<16xf32>
        %add3A_142 = arith.addf %mul3A_139, %mul3A_141 : vector<16xf32>
        %add3A_143 = vector.broadcast %squeeze3A_52 : f32 to vector<16xf32>
        %add3A_144 = arith.addf %add3A_142, %add3A_143 : vector<16xf32>
        %max3A_145 = vector.broadcast %scan3A_55 : f32 to vector<16xf32>
        %max3A_146 = arith.maximumf %add3A_144, %max3A_145 : vector<16xf32>
        %mul3A_147 = vector.broadcast %squeeze3A_44 : f32 to vector<16xf32>
        %mul3A_148 = arith.mulf %add3A_100, %mul3A_147 : vector<16xf32>
        %mul3A_149 = vector.broadcast %squeeze3A_46 : f32 to vector<16xf32>
        %mul3A_150 = arith.mulf %add3A_108, %mul3A_149 : vector<16xf32>
        %add3A_151 = arith.addf %mul3A_148, %mul3A_150 : vector<16xf32>
        %add3A_152 = vector.broadcast %squeeze3A_54 : f32 to vector<16xf32>
        %add3A_153 = arith.addf %add3A_151, %add3A_152 : vector<16xf32>
        %max3A_154 = vector.broadcast %scan3A_55 : f32 to vector<16xf32>
        %max3A_155 = arith.maximumf %add3A_153, %max3A_154 : vector<16xf32>
        %swap3A = arith.constant 0 : i32
        %swap3A_156 = arith.index_cast %swap3A : i32 to index
        %swap3A_157 = arith.index_cast %mul3A_86 : i32 to index
        %swap3A_158 = tpu.vector_load %arg18[%swap3A_156, %swap3A_157] {strides = array<i32>} : memref<6x1600xf32, #tpu.memory_space<vmem>>, vector<16xf32>,
        tpu.vector_store %arg18[%swap3A_156, %swap3A_157], %max3A_113 {strides = array<i32>} : memref<6x1600xf32, #tpu.memory_space<vmem>>, vector<16xf32>,
        %swap3A_159 = arith.constant 1 : i32
        %swap3A_160 = arith.index_cast %swap3A_159 : i32 to index
        %swap3A_161 = arith.index_cast %mul3A_86 : i32 to index
        %swap3A_162 = tpu.vector_load %arg18[%swap3A_160, %swap3A_161] {strides = array<i32>} : memref<6x1600xf32, #tpu.memory_space<vmem>>, vector<16xf32>,
        tpu.vector_store %arg18[%swap3A_160, %swap3A_161], %max3A_119 {strides = array<i32>} : memref<6x1600xf32, #tpu.memory_space<vmem>>, vector<16xf32>,
        %swap3A_163 = arith.constant 2 : i32
        %swap3A_164 = arith.index_cast %swap3A_163 : i32 to index
        %swap3A_165 = arith.index_cast %mul3A_86 : i32 to index
        %swap3A_166 = tpu.vector_load %arg18[%swap3A_164, %swap3A_165] {strides = array<i32>} : memref<6x1600xf32, #tpu.memory_space<vmem>>, vector<16xf32>,
        tpu.vector_store %arg18[%swap3A_164, %swap3A_165], %max3A_128 {strides = array<i32>} : memref<6x1600xf32, #tpu.memory_space<vmem>>, vector<16xf32>,
        %swap3A_167 = arith.constant 3 : i32
        %swap3A_168 = arith.index_cast %swap3A_167 : i32 to index
        %swap3A_169 = arith.index_cast %mul3A_86 : i32 to index
        %swap3A_170 = tpu.vector_load %arg18[%swap3A_168, %swap3A_169] {strides = array<i32>} : memref<6x1600xf32, #tpu.memory_space<vmem>>, vector<16xf32>,
        tpu.vector_store %arg18[%swap3A_168, %swap3A_169], %max3A_137 {strides = array<i32>} : memref<6x1600xf32, #tpu.memory_space<vmem>>, vector<16xf32>,
        %swap3A_171 = arith.constant 4 : i32
        %swap3A_172 = arith.index_cast %swap3A_171 : i32 to index
        %swap3A_173 = arith.index_cast %mul3A_86 : i32 to index
        %swap3A_174 = tpu.vector_load %arg18[%swap3A_172, %swap3A_173] {strides = array<i32>} : memref<6x1600xf32, #tpu.memory_space<vmem>>, vector<16xf32>,
        tpu.vector_store %arg18[%swap3A_172, %swap3A_173], %max3A_146 {strides = array<i32>} : memref<6x1600xf32, #tpu.memory_space<vmem>>, vector<16xf32>,
        %swap3A_175 = arith.constant 5 : i32
        %swap3A_176 = arith.index_cast %swap3A_175 : i32 to index
        %swap3A_177 = arith.index_cast %mul3A_86 : i32 to index
        %swap3A_178 = tpu.vector_load %arg18[%swap3A_176, %swap3A_177] {strides = array<i32>} : memref<6x1600xf32, #tpu.memory_space<vmem>>, vector<16xf32>,
        tpu.vector_store %arg18[%swap3A_176, %swap3A_177], %max3A_155 {strides = array<i32>} : memref<6x1600xf32, #tpu.memory_space<vmem>>, vector<16xf32>,
        %mul3A_179 = arith.constant 16 : i32
        %mul3A_180 = arith.muli %scan3A_83, %mul3A_179 : i32
        %add3A_181 = vector.broadcast %mul3A_180 : i32 to vector<16xi32>
        %add3A_182 = arith.addi %iota3A, %add3A_181 : vector<16xi32>
        tpu.vector_store_idx %arg19[%add3A_182, %broadcast_in_dim3A_3], %max3A_113 : memref<1600x8xf32, #tpu.memory_space<vmem>>[vector<16xi32>, vector<16xi32>], vector<16xf32>,
        tpu.vector_store_idx %arg19[%add3A_182, %broadcast_in_dim3A_5], %max3A_119 : memref<1600x8xf32, #tpu.memory_space<vmem>>[vector<16xi32>, vector<16xi32>], vector<16xf32>,
        tpu.vector_store_idx %arg19[%add3A_182, %broadcast_in_dim3A_7], %max3A_128 : memref<1600x8xf32, #tpu.memory_space<vmem>>[vector<16xi32>, vector<16xi32>], vector<16xf32>,
        tpu.vector_store_idx %arg19[%add3A_182, %broadcast_in_dim3A_9], %max3A_137 : memref<1600x8xf32, #tpu.memory_space<vmem>>[vector<16xi32>, vector<16xi32>], vector<16xf32>,
        tpu.vector_store_idx %arg19[%add3A_182, %broadcast_in_dim3A_11], %max3A_146 : memref<1600x8xf32, #tpu.memory_space<vmem>>[vector<16xi32>, vector<16xi32>], vector<16xf32>,
        tpu.vector_store_idx %arg19[%add3A_182, %broadcast_in_dim3A_13], %max3A_155 : memref<1600x8xf32, #tpu.memory_space<vmem>>[vector<16xi32>, vector<16xi32>], vector<16xf32>,
        %scan3A_183 = arith.constant 0 : i32
        scf.yield %scan3A_183 : i32
      }
      %scan3A_76 = arith.constant 100 : i32
      %run_scoped3A = arith.constant 0 : i32
      "tpu.region"() ({
        %run_scoped3A_83 = tpu.sem_alloc : memref<!tpu.dma_semaphore, #tpu.memory_space<semaphore_mem>>
        %dma_start3A = arith.constant 0 : i32
        %dma_start3A_84 = tpu.memref_slice %arg18[%run_scoped3A, %dma_start3A] : memref<6x1600xf32, #tpu.memory_space<vmem>> -> memref<1x1600xf32, #tpu.memory_space<vmem>>
        %dma_start3A_85 = tpu.memref_squeeze %dma_start3A_84 : memref<1x1600xf32, #tpu.memory_space<vmem>> -> memref<1600xf32, #tpu.memory_space<vmem>>
        %dma_start3A_86 = tpu.memref_slice %arg7[%add3A_69] : memref<6400000xf32, #tpu.memory_space<hbm>> -> memref<1600xf32, #tpu.memory_space<hbm>>
        %dma_start3A_87 = tpu.memref_slice %arg7[%add3A_69] : memref<6400000xf32, #tpu.memory_space<hbm>> -> memref<1600xf32, #tpu.memory_space<hbm>>
        %dma_start3A_88 = arith.constant 0 : i32
        %dma_start3A_89 = tpu.memref_slice %arg18[%run_scoped3A, %dma_start3A_88] : memref<6x1600xf32, #tpu.memory_space<vmem>> -> memref<1x1600xf32, #tpu.memory_space<vmem>>
        %dma_start3A_90 = tpu.memref_squeeze %dma_start3A_89 : memref<1x1600xf32, #tpu.memory_space<vmem>> -> memref<1600xf32, #tpu.memory_space<vmem>>
        tpu.enqueue_dma source(%dma_start3A_90 : memref<1600xf32, #tpu.memory_space<vmem>>) target(%dma_start3A_87 : memref<1600xf32, #tpu.memory_space<hbm>>) target_semaphore(%run_scoped3A_83 : memref<!tpu.dma_semaphore, #tpu.memory_space<semaphore_mem>>)
        %dma_wait3A = arith.constant 0 : i32
        %dma_wait3A_91 = tpu.memref_slice %arg18[%run_scoped3A, %dma_wait3A] : memref<6x1600xf32, #tpu.memory_space<vmem>> -> memref<1x1600xf32, #tpu.memory_space<vmem>>
        %dma_wait3A_92 = tpu.memref_squeeze %dma_wait3A_91 : memref<1x1600xf32, #tpu.memory_space<vmem>> -> memref<1600xf32, #tpu.memory_space<vmem>>
        %dma_wait3A_93 = tpu.memref_slice %arg7[%add3A_69] : memref<6400000xf32, #tpu.memory_space<hbm>> -> memref<1600xf32, #tpu.memory_space<hbm>>
        %dma_wait3A_94 = tpu.memref_slice %arg7[%add3A_69] : memref<6400000xf32, #tpu.memory_space<hbm>> -> memref<1600xf32, #tpu.memory_space<hbm>>
        %dma_wait3A_95 = arith.constant 0 : i32
        %dma_wait3A_96 = tpu.memref_slice %arg18[%run_scoped3A, %dma_wait3A_95] : memref<6x1600xf32, #tpu.memory_space<vmem>> -> memref<1x1600xf32, #tpu.memory_space<vmem>>
        %dma_wait3A_97 = tpu.memref_squeeze %dma_wait3A_96 : memref<1x1600xf32, #tpu.memory_space<vmem>> -> memref<1600xf32, #tpu.memory_space<vmem>>
        tpu.wait_dma2 semaphore(%run_scoped3A_83 : memref<!tpu.dma_semaphore, #tpu.memory_space<semaphore_mem>>) src(%dma_wait3A_97 : memref<1600xf32, #tpu.memory_space<vmem>>) dst(%dma_wait3A_94 : memref<1600xf32, #tpu.memory_space<hbm>>)
        tpu.yield
      }) : () -> ()
      %run_scoped3A_77 = arith.constant 1 : i32
      "tpu.region"() ({
        %run_scoped3A_83 = tpu.sem_alloc : memref<!tpu.dma_semaphore, #tpu.memory_space<semaphore_mem>>
        %dma_start3A = arith.constant 0 : i32
        %dma_start3A_84 = tpu.memref_slice %arg18[%run_scoped3A_77, %dma_start3A] : memref<6x1600xf32, #tpu.memory_space<vmem>> -> memref<1x1600xf32, #tpu.memory_space<vmem>>
        %dma_start3A_85 = tpu.memref_squeeze %dma_start3A_84 : memref<1x1600xf32, #tpu.memory_space<vmem>> -> memref<1600xf32, #tpu.memory_space<vmem>>
        %dma_start3A_86 = tpu.memref_slice %arg8[%add3A_69] : memref<6400000xf32, #tpu.memory_space<hbm>> -> memref<1600xf32, #tpu.memory_space<hbm>>
        %dma_start3A_87 = tpu.memref_slice %arg8[%add3A_69] : memref<6400000xf32, #tpu.memory_space<hbm>> -> memref<1600xf32, #tpu.memory_space<hbm>>
        %dma_start3A_88 = arith.constant 0 : i32
        %dma_start3A_89 = tpu.memref_slice %arg18[%run_scoped3A_77, %dma_start3A_88] : memref<6x1600xf32, #tpu.memory_space<vmem>> -> memref<1x1600xf32, #tpu.memory_space<vmem>>
        %dma_start3A_90 = tpu.memref_squeeze %dma_start3A_89 : memref<1x1600xf32, #tpu.memory_space<vmem>> -> memref<1600xf32, #tpu.memory_space<vmem>>
        tpu.enqueue_dma source(%dma_start3A_90 : memref<1600xf32, #tpu.memory_space<vmem>>) target(%dma_start3A_87 : memref<1600xf32, #tpu.memory_space<hbm>>) target_semaphore(%run_scoped3A_83 : memref<!tpu.dma_semaphore, #tpu.memory_space<semaphore_mem>>)
        %dma_wait3A = arith.constant 0 : i32
        %dma_wait3A_91 = tpu.memref_slice %arg18[%run_scoped3A_77, %dma_wait3A] : memref<6x1600xf32, #tpu.memory_space<vmem>> -> memref<1x1600xf32, #tpu.memory_space<vmem>>
        %dma_wait3A_92 = tpu.memref_squeeze %dma_wait3A_91 : memref<1x1600xf32, #tpu.memory_space<vmem>> -> memref<1600xf32, #tpu.memory_space<vmem>>
        %dma_wait3A_93 = tpu.memref_slice %arg8[%add3A_69] : memref<6400000xf32, #tpu.memory_space<hbm>> -> memref<1600xf32, #tpu.memory_space<hbm>>
        %dma_wait3A_94 = tpu.memref_slice %arg8[%add3A_69] : memref<6400000xf32, #tpu.memory_space<hbm>> -> memref<1600xf32, #tpu.memory_space<hbm>>
        %dma_wait3A_95 = arith.constant 0 : i32
        %dma_wait3A_96 = tpu.memref_slice %arg18[%run_scoped3A_77, %dma_wait3A_95] : memref<6x1600xf32, #tpu.memory_space<vmem>> -> memref<1x1600xf32, #tpu.memory_space<vmem>>
        %dma_wait3A_97 = tpu.memref_squeeze %dma_wait3A_96 : memref<1x1600xf32, #tpu.memory_space<vmem>> -> memref<1600xf32, #tpu.memory_space<vmem>>
        tpu.wait_dma2 semaphore(%run_scoped3A_83 : memref<!tpu.dma_semaphore, #tpu.memory_space<semaphore_mem>>) src(%dma_wait3A_97 : memref<1600xf32, #tpu.memory_space<vmem>>) dst(%dma_wait3A_94 : memref<1600xf32, #tpu.memory_space<hbm>>)
        tpu.yield
      }) : () -> ()
      %run_scoped3A_78 = arith.constant 2 : i32
      "tpu.region"() ({
        %run_scoped3A_83 = tpu.sem_alloc : memref<!tpu.dma_semaphore, #tpu.memory_space<semaphore_mem>>
        %dma_start3A = arith.constant 0 : i32
        %dma_start3A_84 = tpu.memref_slice %arg18[%run_scoped3A_78, %dma_start3A] : memref<6x1600xf32, #tpu.memory_space<vmem>> -> memref<1x1600xf32, #tpu.memory_space<vmem>>
        %dma_start3A_85 = tpu.memref_squeeze %dma_start3A_84 : memref<1x1600xf32, #tpu.memory_space<vmem>> -> memref<1600xf32, #tpu.memory_space<vmem>>
        %dma_start3A_86 = tpu.memref_slice %arg9[%add3A_69] : memref<6400000xf32, #tpu.memory_space<hbm>> -> memref<1600xf32, #tpu.memory_space<hbm>>
        %dma_start3A_87 = tpu.memref_slice %arg9[%add3A_69] : memref<6400000xf32, #tpu.memory_space<hbm>> -> memref<1600xf32, #tpu.memory_space<hbm>>
        %dma_start3A_88 = arith.constant 0 : i32
        %dma_start3A_89 = tpu.memref_slice %arg18[%run_scoped3A_78, %dma_start3A_88] : memref<6x1600xf32, #tpu.memory_space<vmem>> -> memref<1x1600xf32, #tpu.memory_space<vmem>>
        %dma_start3A_90 = tpu.memref_squeeze %dma_start3A_89 : memref<1x1600xf32, #tpu.memory_space<vmem>> -> memref<1600xf32, #tpu.memory_space<vmem>>
        tpu.enqueue_dma source(%dma_start3A_90 : memref<1600xf32, #tpu.memory_space<vmem>>) target(%dma_start3A_87 : memref<1600xf32, #tpu.memory_space<hbm>>) target_semaphore(%run_scoped3A_83 : memref<!tpu.dma_semaphore, #tpu.memory_space<semaphore_mem>>)
        %dma_wait3A = arith.constant 0 : i32
        %dma_wait3A_91 = tpu.memref_slice %arg18[%run_scoped3A_78, %dma_wait3A] : memref<6x1600xf32, #tpu.memory_space<vmem>> -> memref<1x1600xf32, #tpu.memory_space<vmem>>
        %dma_wait3A_92 = tpu.memref_squeeze %dma_wait3A_91 : memref<1x1600xf32, #tpu.memory_space<vmem>> -> memref<1600xf32, #tpu.memory_space<vmem>>
        %dma_wait3A_93 = tpu.memref_slice %arg9[%add3A_69] : memref<6400000xf32, #tpu.memory_space<hbm>> -> memref<1600xf32, #tpu.memory_space<hbm>>
        %dma_wait3A_94 = tpu.memref_slice %arg9[%add3A_69] : memref<6400000xf32, #tpu.memory_space<hbm>> -> memref<1600xf32, #tpu.memory_space<hbm>>
        %dma_wait3A_95 = arith.constant 0 : i32
        %dma_wait3A_96 = tpu.memref_slice %arg18[%run_scoped3A_78, %dma_wait3A_95] : memref<6x1600xf32, #tpu.memory_space<vmem>> -> memref<1x1600xf32, #tpu.memory_space<vmem>>
        %dma_wait3A_97 = tpu.memref_squeeze %dma_wait3A_96 : memref<1x1600xf32, #tpu.memory_space<vmem>> -> memref<1600xf32, #tpu.memory_space<vmem>>
        tpu.wait_dma2 semaphore(%run_scoped3A_83 : memref<!tpu.dma_semaphore, #tpu.memory_space<semaphore_mem>>) src(%dma_wait3A_97 : memref<1600xf32, #tpu.memory_space<vmem>>) dst(%dma_wait3A_94 : memref<1600xf32, #tpu.memory_space<hbm>>)
        tpu.yield
      }) : () -> ()
      %run_scoped3A_79 = arith.constant 3 : i32
      "tpu.region"() ({
        %run_scoped3A_83 = tpu.sem_alloc : memref<!tpu.dma_semaphore, #tpu.memory_space<semaphore_mem>>
        %dma_start3A = arith.constant 0 : i32
        %dma_start3A_84 = tpu.memref_slice %arg18[%run_scoped3A_79, %dma_start3A] : memref<6x1600xf32, #tpu.memory_space<vmem>> -> memref<1x1600xf32, #tpu.memory_space<vmem>>
        %dma_start3A_85 = tpu.memref_squeeze %dma_start3A_84 : memref<1x1600xf32, #tpu.memory_space<vmem>> -> memref<1600xf32, #tpu.memory_space<vmem>>
        %dma_start3A_86 = tpu.memref_slice %arg10[%add3A_69] : memref<6400000xf32, #tpu.memory_space<hbm>> -> memref<1600xf32, #tpu.memory_space<hbm>>
        %dma_start3A_87 = tpu.memref_slice %arg10[%add3A_69] : memref<6400000xf32, #tpu.memory_space<hbm>> -> memref<1600xf32, #tpu.memory_space<hbm>>
        %dma_start3A_88 = arith.constant 0 : i32
        %dma_start3A_89 = tpu.memref_slice %arg18[%run_scoped3A_79, %dma_start3A_88] : memref<6x1600xf32, #tpu.memory_space<vmem>> -> memref<1x1600xf32, #tpu.memory_space<vmem>>
        %dma_start3A_90 = tpu.memref_squeeze %dma_start3A_89 : memref<1x1600xf32, #tpu.memory_space<vmem>> -> memref<1600xf32, #tpu.memory_space<vmem>>
        tpu.enqueue_dma source(%dma_start3A_90 : memref<1600xf32, #tpu.memory_space<vmem>>) target(%dma_start3A_87 : memref<1600xf32, #tpu.memory_space<hbm>>) target_semaphore(%run_scoped3A_83 : memref<!tpu.dma_semaphore, #tpu.memory_space<semaphore_mem>>)
        %dma_wait3A = arith.constant 0 : i32
        %dma_wait3A_91 = tpu.memref_slice %arg18[%run_scoped3A_79, %dma_wait3A] : memref<6x1600xf32, #tpu.memory_space<vmem>> -> memref<1x1600xf32, #tpu.memory_space<vmem>>
        %dma_wait3A_92 = tpu.memref_squeeze %dma_wait3A_91 : memref<1x1600xf32, #tpu.memory_space<vmem>> -> memref<1600xf32, #tpu.memory_space<vmem>>
        %dma_wait3A_93 = tpu.memref_slice %arg10[%add3A_69] : memref<6400000xf32, #tpu.memory_space<hbm>> -> memref<1600xf32, #tpu.memory_space<hbm>>
        %dma_wait3A_94 = tpu.memref_slice %arg10[%add3A_69] : memref<6400000xf32, #tpu.memory_space<hbm>> -> memref<1600xf32, #tpu.memory_space<hbm>>
        %dma_wait3A_95 = arith.constant 0 : i32
        %dma_wait3A_96 = tpu.memref_slice %arg18[%run_scoped3A_79, %dma_wait3A_95] : memref<6x1600xf32, #tpu.memory_space<vmem>> -> memref<1x1600xf32, #tpu.memory_space<vmem>>
        %dma_wait3A_97 = tpu.memref_squeeze %dma_wait3A_96 : memref<1x1600xf32, #tpu.memory_space<vmem>> -> memref<1600xf32, #tpu.memory_space<vmem>>
        tpu.wait_dma2 semaphore(%run_scoped3A_83 : memref<!tpu.dma_semaphore, #tpu.memory_space<semaphore_mem>>) src(%dma_wait3A_97 : memref<1600xf32, #tpu.memory_space<vmem>>) dst(%dma_wait3A_94 : memref<1600xf32, #tpu.memory_space<hbm>>)
        tpu.yield
      }) : () -> ()
      %run_scoped3A_80 = arith.constant 4 : i32
      "tpu.region"() ({
        %run_scoped3A_83 = tpu.sem_alloc : memref<!tpu.dma_semaphore, #tpu.memory_space<semaphore_mem>>
        %dma_start3A = arith.constant 0 : i32
        %dma_start3A_84 = tpu.memref_slice %arg18[%run_scoped3A_80, %dma_start3A] : memref<6x1600xf32, #tpu.memory_space<vmem>> -> memref<1x1600xf32, #tpu.memory_space<vmem>>
        %dma_start3A_85 = tpu.memref_squeeze %dma_start3A_84 : memref<1x1600xf32, #tpu.memory_space<vmem>> -> memref<1600xf32, #tpu.memory_space<vmem>>
        %dma_start3A_86 = tpu.memref_slice %arg11[%add3A_69] : memref<6400000xf32, #tpu.memory_space<hbm>> -> memref<1600xf32, #tpu.memory_space<hbm>>
        %dma_start3A_87 = tpu.memref_slice %arg11[%add3A_69] : memref<6400000xf32, #tpu.memory_space<hbm>> -> memref<1600xf32, #tpu.memory_space<hbm>>
        %dma_start3A_88 = arith.constant 0 : i32
        %dma_start3A_89 = tpu.memref_slice %arg18[%run_scoped3A_80, %dma_start3A_88] : memref<6x1600xf32, #tpu.memory_space<vmem>> -> memref<1x1600xf32, #tpu.memory_space<vmem>>
        %dma_start3A_90 = tpu.memref_squeeze %dma_start3A_89 : memref<1x1600xf32, #tpu.memory_space<vmem>> -> memref<1600xf32, #tpu.memory_space<vmem>>
        tpu.enqueue_dma source(%dma_start3A_90 : memref<1600xf32, #tpu.memory_space<vmem>>) target(%dma_start3A_87 : memref<1600xf32, #tpu.memory_space<hbm>>) target_semaphore(%run_scoped3A_83 : memref<!tpu.dma_semaphore, #tpu.memory_space<semaphore_mem>>)
        %dma_wait3A = arith.constant 0 : i32
        %dma_wait3A_91 = tpu.memref_slice %arg18[%run_scoped3A_80, %dma_wait3A] : memref<6x1600xf32, #tpu.memory_space<vmem>> -> memref<1x1600xf32, #tpu.memory_space<vmem>>
        %dma_wait3A_92 = tpu.memref_squeeze %dma_wait3A_91 : memref<1x1600xf32, #tpu.memory_space<vmem>> -> memref<1600xf32, #tpu.memory_space<vmem>>
        %dma_wait3A_93 = tpu.memref_slice %arg11[%add3A_69] : memref<6400000xf32, #tpu.memory_space<hbm>> -> memref<1600xf32, #tpu.memory_space<hbm>>
        %dma_wait3A_94 = tpu.memref_slice %arg11[%add3A_69] : memref<6400000xf32, #tpu.memory_space<hbm>> -> memref<1600xf32, #tpu.memory_space<hbm>>
        %dma_wait3A_95 = arith.constant 0 : i32
        %dma_wait3A_96 = tpu.memref_slice %arg18[%run_scoped3A_80, %dma_wait3A_95] : memref<6x1600xf32, #tpu.memory_space<vmem>> -> memref<1x1600xf32, #tpu.memory_space<vmem>>
        %dma_wait3A_97 = tpu.memref_squeeze %dma_wait3A_96 : memref<1x1600xf32, #tpu.memory_space<vmem>> -> memref<1600xf32, #tpu.memory_space<vmem>>
        tpu.wait_dma2 semaphore(%run_scoped3A_83 : memref<!tpu.dma_semaphore, #tpu.memory_space<semaphore_mem>>) src(%dma_wait3A_97 : memref<1600xf32, #tpu.memory_space<vmem>>) dst(%dma_wait3A_94 : memref<1600xf32, #tpu.memory_space<hbm>>)
        tpu.yield
      }) : () -> ()
      %run_scoped3A_81 = arith.constant 5 : i32
      "tpu.region"() ({
        %run_scoped3A_83 = tpu.sem_alloc : memref<!tpu.dma_semaphore, #tpu.memory_space<semaphore_mem>>
        %dma_start3A = arith.constant 0 : i32
        %dma_start3A_84 = tpu.memref_slice %arg18[%run_scoped3A_81, %dma_start3A] : memref<6x1600xf32, #tpu.memory_space<vmem>> -> memref<1x1600xf32, #tpu.memory_space<vmem>>
        %dma_start3A_85 = tpu.memref_squeeze %dma_start3A_84 : memref<1x1600xf32, #tpu.memory_space<vmem>> -> memref<1600xf32, #tpu.memory_space<vmem>>
        %dma_start3A_86 = tpu.memref_slice %arg12[%add3A_69] : memref<6400000xf32, #tpu.memory_space<hbm>> -> memref<1600xf32, #tpu.memory_space<hbm>>
        %dma_start3A_87 = tpu.memref_slice %arg12[%add3A_69] : memref<6400000xf32, #tpu.memory_space<hbm>> -> memref<1600xf32, #tpu.memory_space<hbm>>
        %dma_start3A_88 = arith.constant 0 : i32
        %dma_start3A_89 = tpu.memref_slice %arg18[%run_scoped3A_81, %dma_start3A_88] : memref<6x1600xf32, #tpu.memory_space<vmem>> -> memref<1x1600xf32, #tpu.memory_space<vmem>>
        %dma_start3A_90 = tpu.memref_squeeze %dma_start3A_89 : memref<1x1600xf32, #tpu.memory_space<vmem>> -> memref<1600xf32, #tpu.memory_space<vmem>>
        tpu.enqueue_dma source(%dma_start3A_90 : memref<1600xf32, #tpu.memory_space<vmem>>) target(%dma_start3A_87 : memref<1600xf32, #tpu.memory_space<hbm>>) target_semaphore(%run_scoped3A_83 : memref<!tpu.dma_semaphore, #tpu.memory_space<semaphore_mem>>)
        %dma_wait3A = arith.constant 0 : i32
        %dma_wait3A_91 = tpu.memref_slice %arg18[%run_scoped3A_81, %dma_wait3A] : memref<6x1600xf32, #tpu.memory_space<vmem>> -> memref<1x1600xf32, #tpu.memory_space<vmem>>
        %dma_wait3A_92 = tpu.memref_squeeze %dma_wait3A_91 : memref<1x1600xf32, #tpu.memory_space<vmem>> -> memref<1600xf32, #tpu.memory_space<vmem>>
        %dma_wait3A_93 = tpu.memref_slice %arg12[%add3A_69] : memref<6400000xf32, #tpu.memory_space<hbm>> -> memref<1600xf32, #tpu.memory_space<hbm>>
        %dma_wait3A_94 = tpu.memref_slice %arg12[%add3A_69] : memref<6400000xf32, #tpu.memory_space<hbm>> -> memref<1600xf32, #tpu.memory_space<hbm>>
        %dma_wait3A_95 = arith.constant 0 : i32
        %dma_wait3A_96 = tpu.memref_slice %arg18[%run_scoped3A_81, %dma_wait3A_95] : memref<6x1600xf32, #tpu.memory_space<vmem>> -> memref<1x1600xf32, #tpu.memory_space<vmem>>
        %dma_wait3A_97 = tpu.memref_squeeze %dma_wait3A_96 : memref<1x1600xf32, #tpu.memory_space<vmem>> -> memref<1600xf32, #tpu.memory_space<vmem>>
        tpu.wait_dma2 semaphore(%run_scoped3A_83 : memref<!tpu.dma_semaphore, #tpu.memory_space<semaphore_mem>>) src(%dma_wait3A_97 : memref<1600xf32, #tpu.memory_space<vmem>>) dst(%dma_wait3A_94 : memref<1600xf32, #tpu.memory_space<hbm>>)
        tpu.yield
      }) : () -> ()
      "tpu.region"() ({
        %run_scoped3A_83 = tpu.sem_alloc : memref<!tpu.dma_semaphore, #tpu.memory_space<semaphore_mem>>
        %dma_start3A = arith.constant 0 : i32
        %dma_start3A_84 = tpu.memref_slice %arg13[%add3A_69, %dma_start3A] : memref<6400000x8xf32, #tpu.memory_space<hbm>> -> memref<1600x8xf32, #tpu.memory_space<hbm>>
        %dma_start3A_85 = arith.constant 0 : i32
        %dma_start3A_86 = tpu.memref_slice %arg13[%add3A_69, %dma_start3A_85] : memref<6400000x8xf32, #tpu.memory_space<hbm>> -> memref<1600x8xf32, #tpu.memory_space<hbm>>
        tpu.enqueue_dma source(%arg19 : memref<1600x8xf32, #tpu.memory_space<vmem>>) target(%dma_start3A_86 : memref<1600x8xf32, #tpu.memory_space<hbm>>) target_semaphore(%run_scoped3A_83 : memref<!tpu.dma_semaphore, #tpu.memory_space<semaphore_mem>>)
        %dma_wait3A = arith.constant 0 : i32
        %dma_wait3A_87 = tpu.memref_slice %arg13[%add3A_69, %dma_wait3A] : memref<6400000x8xf32, #tpu.memory_space<hbm>> -> memref<1600x8xf32, #tpu.memory_space<hbm>>
        %dma_wait3A_88 = arith.constant 0 : i32
        %dma_wait3A_89 = tpu.memref_slice %arg13[%add3A_69, %dma_wait3A_88] : memref<6400000x8xf32, #tpu.memory_space<hbm>> -> memref<1600x8xf32, #tpu.memory_space<hbm>>
        tpu.wait_dma2 semaphore(%run_scoped3A_83 : memref<!tpu.dma_semaphore, #tpu.memory_space<semaphore_mem>>) src(%arg19 : memref<1600x8xf32, #tpu.memory_space<vmem>>) dst(%dma_wait3A_89 : memref<1600x8xf32, #tpu.memory_space<hbm>>)
        tpu.yield
      }) : () -> ()
      %scan3A_82 = arith.constant 0 : i32
      scf.yield %scan3A_82 : i32
    }
    %scan3A_62 = arith.constant 125 : i32
    return
  }
}

</mosaic_0001>

<sc_bundles>
// kernel: kernel.11.cloned.1.call-start
scs
__scs_entry_jumppad:
0x0: {  	(pc) =	sbr.rel $0x88, $3  }
0x1: {  	(tag) =	ssettag $0x0;
	lr =	simm.s32 $0x1  }
0x2: {  	[smem:$0x3F96] =	sst lr;
	_ =	strace $0xD0000000  }
0x3: {  	_ = 	snop  }
0x4: {  	_ = 	snop  }
0x5: {  	_ = 	snop  }
0x6: {  	_ = 	snop  }
0x7: {  	_ = 	snop  }
__scs_overlays_trampoline_lowered:
0x8: {  	[smem:$0x3FA5] =	sst s0  }
0x9: {  	[smem:$0x3FA6] =	sst s1  }
0xa: {  	[smem:$0x3FA7] =	sst s2  }
0xb: {  	[smem:$0x3FA8] =	sst s3  }
0xc: {  	[smem:$0x3FA9] =	sst s4  }
0xd: {  	[smem:$0x3FAA] =	sst s5  }
0xe: {  	[smem:$0x3FAB] =	sst s6  }
0xf: {  	[smem:$0x3FAC] =	sst s7  }
0x10: {  	[smem:$0x3FAD] =	sst s8  }
0x11: {  	[smem:$0x3FAE] =	sst s9;
	s0 =	simm.s32 @!p0 $0x0  }
0x12: {  	s1 =	sld [smem:$0x3F94];
	s0 =	simm.s32 @p0 $0x1  }
0x13: {  	[smem:$0x3FAF] =	sst s0;
	s0 =	simm.s32 @!p1 $0x0  }
0x14: {  	s2 =	sld [smem:$0x3F93];
	s0 =	simm.s32 @p1 $0x1  }
0x15: {  	[smem:$0x3FB0] =	sst s0;
	s0 =	simm.s32 @!p2 $0x0  }
0x16: {  	s3 =	sld [smem:$0x3FDB];
	s0 =	simm.s32 @p2 $0x1  }
0x17: {  	s4 =	simm.s32 $0x1BF5;
	[smem:$0x3FB2] =	sst s0  }
0x18: {  	s0 =	sld [smem:$0x3F95];
	_ =	swait.ge [sflag:s4], $0x0  }
0x19: {  	s7 =	sld [smem:$0x3F96]  }
0x1a: {  	s8 =	sadd.s32 $0xFFFFE003, lr  }
0x1b: {  	s9 =	sadd.s32 $0xFFFFFEF7, lr;
	s5 =	simm.s32 $0xFFFFFFFF;
	p2 =	slt.u32 s8, $0xFFFFF086  }
0x1c: {  	p1 =	slt.u32 s9, $0xF7A;
	s5 =	simm.s32 @!p2 $0x0  }
0x1d: {  	s5 =	simm.s32 @p1 $0x1;
	p0 =	seq.s32 s7, s2  }
0x1e: {  	s7 =	smul.u32 @!p0 $0xF7A, s2;
	p2 =	seq.s32 @!p0 s5, $0x0  }
0x1f: {  	s9 =	smul.u32 $0xF7A, s1;
	s8 =	simm.s32 @!p0 $0x1BF5;
	p2 =	por !p2, p0  }
0x20: {  	[sflag:s8] =	ssyncset.s32 @!p0 $0xFFFFF086;
	s6 =	sadd.s32 @!p0 s3, s7;
	s7 =	simm.s32 @!p0 $0x108  }
0x21: {  	s3 =	sadd.s32 s3, s9;
	s6 =	sadd.s32 @!p0 $0x88, s6;
	s7 =	simm.s32 @p2 $0x1082  }
0x22: {  	[simem:s7], [sflag:s8] =	dma.local @!p0 [hbm:s6], $0xF7A  }
0x23: {  	s9 =	sor.u32 $0xD0000000, s2;
	s6 =	simm.s32 $0x108;
	_ =	swait.ge @!p0 [sflag:s8], $0x0  }
0x24: {  	s3 =	sadd.s32 $0x88, s3;
	s6 =	simm.s32 @!p1 $0x1082;
	[sflag:s4] =	ssyncset.s32 $0xFFFFF086  }
0x25: {  	[simem:s6], [sflag:s4] =	dma.local [hbm:s3], $0xF7A  }
0x26: {  	[smem:$0x3F96] =	sst s1;
	(tag) =	ssettag s2;
	_ =	strace s9  }
0x27: {  	s1 =	sld [smem:$0x3FA6]  }
0x28: {  	s2 =	sld [smem:$0x3FA7]  }
0x29: {  	s4 =	sld [smem:$0x3FA9]  }
0x2a: {  	p0 =	seq.s32 s5, $0x0;
	s5 =	sld [smem:$0x3FAA]  }
0x2b: {  	s6 =	sld [smem:$0x3FAB]  }
0x2c: {  	s7 =	sld [smem:$0x3FAC]  }
0x2d: {  	s3 =	simm.s32 $0x108;
	s8 =	sld [smem:$0x3FAD]  }
0x2e: {  	s3 =	simm.s32 @!p0 $0x1082;
	s9 =	sld [smem:$0x3FAE]  }
0x2f: {  	lr =	sadd.s32 s0, s3;
	s0 =	sld [smem:$0x3FA5]  }
0x30: {  	s3 =	sld [smem:$0x3FA8]  }
0x31: {  	[smem:$0x3FB1] =	sst s10  }
0x32: {  	s10 =	sld [smem:$0x3FAF];
	_ =	sdelay $0x3  }
0x33: {  	p0 =	seq.s32 s10, $0x1;
	s10 =	sld [smem:$0x3FB1];
	_ =	sdelay $0x3  }
0x34: {  	[smem:$0x3FB1] =	sst s10  }
0x35: {  	s10 =	sld [smem:$0x3FB0];
	_ =	sdelay $0x3  }
0x36: {  	p1 =	seq.s32 s10, $0x1;
	s10 =	sld [smem:$0x3FB1];
	_ =	sdelay $0x3  }
0x37: {  	[smem:$0x3FB1] =	sst s10  }
0x38: {  	s10 =	sld [smem:$0x3FB2]  }
0x39: {  	_ = 	snop;
	(pc) =	sbr.ind lr, $3  }
0x3a: {  	_ = 	snop  }
0x3b: {  	_ = 	snop  }
0x3c: {  	p2 =	seq.s32 s10, $0x1;
	s10 =	sld [smem:$0x3FB1]  }
0x3d: {  	_ =	shalt  }
0x3e: {  	_ =	shalt  }
0x3f: {  	_ =	shalt  }
0x40: {  	_ =	shalt  }
0x41: {  	_ =	shalt  }
0x42: {  	_ =	shalt  }
0x43: {  	_ =	shalt  }
0x44: {  	_ =	shalt  }
0x45: {  	_ =	shalt  }
0x46: {  	_ =	shalt  }
0x47: {  	_ =	shalt  }
0x48: {  	_ =	shalt  }
0x49: {  	_ =	shalt  }
0x4a: {  	_ =	shalt  }
0x4b: {  	_ =	shalt  }
0x4c: {  	_ =	shalt  }
0x4d: {  	_ =	shalt  }
0x4e: {  	_ =	shalt  }
0x4f: {  	_ =	shalt  }
0x50: {  	_ =	shalt  }
0x51: {  	_ =	shalt  }
0x52: {  	_ =	shalt  }
0x53: {  	_ =	shalt  }
0x54: {  	_ =	shalt  }
0x55: {  	_ =	shalt  }
0x56: {  	_ =	shalt  }
0x57: {  	_ =	shalt  }
0x58: {  	_ =	shalt  }
0x59: {  	_ =	shalt  }
0x5a: {  	_ =	shalt  }
0x5b: {  	_ =	shalt  }
0x5c: {  	_ =	shalt  }
0x5d: {  	_ =	shalt  }
0x5e: {  	_ =	shalt  }
0x5f: {  	_ =	shalt  }
0x60: {  	_ =	shalt  }
0x61: {  	_ =	shalt  }
0x62: {  	_ =	shalt  }
0x63: {  	_ =	shalt  }
0x64: {  	_ =	shalt  }
0x65: {  	_ =	shalt  }
0x66: {  	_ =	shalt  }
0x67: {  	_ =	shalt  }
0x68: {  	_ =	shalt  }
0x69: {  	_ =	shalt  }
0x6a: {  	_ =	shalt  }
0x6b: {  	_ =	shalt  }
0x6c: {  	_ =	shalt  }
0x6d: {  	_ =	shalt  }
0x6e: {  	_ =	shalt  }
0x6f: {  	_ =	shalt  }
0x70: {  	_ =	shalt  }
0x71: {  	_ =	shalt  }
0x72: {  	_ =	shalt  }
0x73: {  	_ =	shalt  }
0x74: {  	_ =	shalt  }
0x75: {  	_ =	shalt  }
0x76: {  	_ =	shalt  }
0x77: {  	_ =	shalt  }
0x78: {  	_ =	shalt  }
0x79: {  	_ =	shalt  }
0x7a: {  	_ =	shalt  }
0x7b: {  	_ =	shalt  }
0x7c: {  	_ =	shalt  }
0x7d: {  	_ =	shalt  }
0x7e: {  	_ =	shalt  }
0x7f: {  	_ =	shalt  }
0x80: {  	_ =	shalt  }
0x81: {  	_ =	shalt  }
0x82: {  	_ =	shalt  }
0x83: {  	_ =	shalt  }
0x84: {  	_ =	shalt  }
0x85: {  	_ =	shalt  }
0x86: {  	_ =	shalt  }
0x87: {  	_ =	shalt  }
.Lfunc_end0:
.L_simem_size_0:
called_computation.2_lowered:
.L_overlay_start_0:
0x88: {  	s2 =	sld [smem:$0x3FD9]  }
0x89: {  	s3 =	sld [smem:$0x3FFE];
	_ =	sdelay $0x1  }
0x8a: {  	s1 =	srdreg.scid  }
0x8b: {  	s0 =	sand.u32 $0x1, s1  }
0x8c: {  	s14 =	sshll.u32 s0, $0xA;
	s2 =	sadd.s32 s3, s2  }
0x8d: {  	s2 =	sadd.s32 s2, s14  }
0x8e: {  	[smem:$0x3FBD] =	sst s2  }
0x8f: {  	_ = 	snop  }
0x90: {  	s2 =	sld [smem:$0x3FD0];
	_ =	sdelay $0x2  }
0x91: {  	s15 =	simm.s32 $0xA;
	s4 =	simm.s32 $0x10  }
0x92: {  	[smem:s4], [sflag:s15] =	dma.local [hbm:s2], $0x1  }
0x93: {  	_ =	swait.eq [sflag:s15], $0x1  }
0x94: {  	[sflag:s15] =	ssyncset.done $0x0  }
0x95: {  	[sflag:s15] =	ssyncadd.s32 $0xFFFFFFFF  }
0x96: {  	s16 =	sld [smem:$0x10];
	(tm) =	ssettm $0x1  }
0x97: {  	s17 =	sld [smem:$0x3FFB];
	_ =	sdelay $0x3  }
0x98: {  	_ =	strace s17  }
0x99: {  	s3 =	sld [smem:$0x3FFC];
	_ =	sdelay $0x3  }
0x9a: {  	_ =	strace s3  }
0x9b: {  	s3 =	sld [smem:$0x3FFD];
	_ =	sdelay $0x3  }
0x9c: {  	_ =	strace s3  }
0x9d: {  	_ =	strace $0x8FFFFFFF  }
0x9e: {  	s18 =	sld [smem:$0x3FDB];
	_ =	sdelay $0x1  }
0x9f: {  	s19 =	simm.s32 $_scs_section_size  }
0xa0: {  	s5 =	simm.s32 $_size__tile_overlayer_lowered;
	s6 =	simm.s32 $_tile_overlayer_lowered  }
0xa1: {  	s22 =	simm.s32 $0x1BFF;
	s21 =	sshll.u32 s6, $0x1;
	s3 =	sadd.s32 s19, s18  }
0xa2: {  	s7 =	simm.s32 $0x0;
	s20 =	sshll.u32 s5, $0x1;
	s5 =	sadd.s32 s21, s3  }
0xa3: {  	[timem:s7], [sflag:s22] =	dma.local [hbm:s5], s20  }
0xa4: {  	_ =	swait.ge [sflag:s22], s20  }
0xa5: {  	s4 =	ssub.s32 $0x0, s20;
	[sflag:s22] =	ssyncset.done $0x0  }
0xa6: {  	[sflag:s22] =	ssyncadd.s32 s4;
	_ =	sdelay $0x1  }
0xa7: {  	s23 =	simm.s32 $0x1B8B  }
0xa8: {  	_ =	swait.ge [sflag:s23], $0x1  }
0xa9: {  	[sflag:s23] =	ssyncset.done $0x0  }
0xaa: {  	s25 =	simm.s32 $0x1B8E;
	s24 =	sld [smem:$0x3FFE];
	[sflag:s23] =	ssyncadd.s32 $0xFFFFFFFF  }
0xab: {  	s26 =	simm.s32 $execute0_lowered;
	[smem:$0x3FD2] =	sst s25  }
0xac: {  	s5 =	sshll.u32 s26, $0x1;
	_ =	strace $0x8000004C;
	[dreg:$0x1] =	wrdreg $0xFFFFFFFF  }
0xad: {  	s28 =	simm.s32 $_size_execute0_lowered;
	s3 =	sadd.s32 s3, s5;
	[dreg:$0x0] =	wrdreg $0x0  }
0xae: {  	s5 =	sshll.u32 s28, $0x1;
	[dreg:$0x2] =	wrdreg s3  }
0xaf: {  	[dreg:$0x3] =	wrdreg s5  }
0xb0: {  	[dreg:$0x4] =	wrdreg $0xC0  }
0xb1: {  	_ =	task [dreg:s7], $0x5FFFF  }
0xb2: {  	[dreg:$0x1] =	wrdreg $0xFFFFFFFF  }
0xb3: {  	[dreg:$0x0] =	wrdreg $0x60  }
0xb4: {  	[dreg:$0x2] =	wrdreg s16  }
0xb5: {  	[dreg:$0x3] =	wrdreg s24  }
0xb6: {  	[dreg:$0x4] =	wrdreg $0x9  }
0xb7: {  	_ =	task.clear_ibuf [dreg:s7], $0x5FFFF;
	_ =	strace $0x9000004C  }
0xb8: {  	s29 =	simm.s32 $0x9;
	_ =	strace $0x8000004E  }
0xb9: {  	_ =	swait.ge [sflag:s29], $0x1  }
0xba: {  	[sflag:s29] =	ssyncadd.s32 $0xFFFFFFFF  }
0xbb: {  	_ =	strace $0x9000004E  }
0xbc: {  	_ =	sfence  }
0xbd: {  	s30 =	sld [smem:$0x0];
	_ =	sdelay $0x2  }
0xbe: {  	s31 =	sshll.u32 s1, $0xD;
	s1 =	sshrl.u32 s1, $0x2  }
0xbf: {  	s3 =	sand.u32 $0x4000, s31;
	s1 =	sadd.s32 s1, s30  }
0xc0: {  	s0 =	sor.u32 s3, s0;
	s1 =	sshll.u32 s1, $0x11  }
0xc1: {  	s0 =	sor.u32 s1, s0  }
0xc2: {  	s0 =	sadd.s32 $0x8F2B, s0  }
0xc3: {  	[sflag:s0] =	ssyncadd.remote.s32 $0x1  }
0xc4: {  	_ =	sfence.sel $0xFFFF  }
0xc5: {  	[dreg:$0x0] =	wrdreg $0xFFFFFFFF;
	(pc) =	sbr.abs _section_cstart, $3  }
0xc6: {  	[dreg:$0x1] =	wrdreg $0xFFFFFFFF  }
0xc7: {  	_ =	task.clear_ibuf [dreg:s7], $0x2FFFF;
	_ =	strace $0x9FFFFFFF  }
0xc8: {  	(tm) =	ssettm $0x7FFFFFFF  }
0xc9: {  	_ =	shalt  }
tec
execute0_lowered:
.L_overlay_start_1:
0x0: {  	(tag) =	ssettag $0x1  }
0x1: {  	s0 =	rddreg [dreg:$0x0]  }
0x2: {  	s1 =	rddreg [dreg:$0x1];
	s2 =	srdreg.scid  }
0x3: {  	s5 =	stileid.u32;
	s23 =	simm.s32 $0x1;
	s4 =	sand.u32 $0x1, s2  }
0x4: {  	s24 =	simm.s32 $0xC40;
	s25 =	simm.s32 $0x6E40;
	s3 =	sshll.u32 s4, $0x4  }
0x5: {  	s31 =	simm.s32 $0x16340;
	s2 =	simm.s32 $0x0;
	s5 =	sor.u32 s5, s3  }
0x6: {  	s7 =	sadd.s32 $0x61D600, s1;
	s4 =	ssub.s32 $0x2, s4;
	s6 =	smul.u32 $0x188, s5  }
0x7: {  	[smem:$0x7FF] =	sst s2;
	s9 =	sshrl.u32 s4, $0x1;
	s8 =	smul.u32 $0x6200, s5  }
0x8: {  	_ =	strace $0x8000004D;
	s5 =	smul.u32 $0xC40, s5;
	s21 =	ssub.s32 s4, s9  }
0x9: {  	s3 =	sadd.s32 $0x189000, s1;
	s21 =	smax.u32 s21, $0x1;
	s1 =	sadd.s32 s6, s1  }
0xa: {  	s8 =	sshrl.u32 s8, $0x3;
	s4 =	sadd.s32 s0, s6;
	s5 =	sadd.s32 s7, s5  }
0xb: {  	s0 =	simm.s32 $0x16F80;
	s30 =	sadd.s32 s7, s8;
	s7 =	sadd.s32 $0x2400, s1  }
0xc: {  	s8 =	sadd.s32 $0x5600, s1;
	s9 =	sadd.s32 $0x8800, s1;
	s10 =	sadd.s32 $0xBA00, s1  }
0xd: {  	s11 =	sadd.s32 $0xEC00, s1;
	s12 =	sadd.s32 $0x11E00, s1;
	s13 =	sadd.s32 $0x15000, s1  }
0xe: {  	s14 =	sadd.s32 $0x18200, s1;
	s15 =	sadd.s32 $0x1B400, s1;
	s16 =	sadd.s32 $0x1E600, s1  }
0xf: {  	v0 =	vlaneseq.u32;
	s17 =	sadd.s32 $0x21800, s1;
	s18 =	sadd.s32 $0x24A00, s1;
	s19 =	sadd.s32 $0x27C00, s1  }
0x10: {  	v61 =	vmul.u32 $0x8, v0;
	s20 =	sadd.s32 $0x2AE00, s1;
	s1 =	simm.s32 $0x0;
	s6 =	sadd.s32 $0x18800, s30  }
.LBB2_1:
0x11: {  	s22 =	simm.s32 $0x17BC0  }
0x12: {  	[tilespmem:s22], [sflag:$0x1] =	stream.linear.gather [hbm4b:s3+s2], $0x60, $0x38;
	[tilespmem:$0x17C20] =	vst v63  }
0x13: {  	_ =	swait.ge [sflag:s23], $0x60  }
0x14: {  	[sflag:s23] =	ssyncset.done $0x0  }
0x15: {  	[sflag:s23] =	ssyncadd.s32 $0xFFFFFFA0  }
0x16: {  	[tilespmem:s2], [sflag:$0x1] =	stream.linear.gather [hbm4b:s4+s2], $0xC40, $0x38;
	[tilespmem:$0x17C20] =	vst v63  }
0x17: {  	_ =	swait.ge [sflag:s23], $0xC40  }
0x18: {  	[sflag:s23] =	ssyncset.done $0x0  }
0x19: {  	[sflag:s23] =	ssyncadd.s32 $0xFFFFF3C0  }
0x1a: {  	[tilespmem:s24], [sflag:$0x1] =	stream.linear.gather [hbm4b:s5+s2], $0x6200, $0x38;
	[tilespmem:$0x17C20] =	vst v63  }
0x1b: {  	_ =	swait.ge [sflag:s23], $0x6200  }
0x1c: {  	[sflag:s23] =	ssyncset.done $0x0  }
0x1d: {  	[sflag:s23] =	ssyncadd.s32 $0xFFFF9E00  }
0x1e: {  	[tilespmem:s25], [sflag:$0x1] =	stream.linear.gather [hbm4b:s6+s2], $0x6200, $0x38;
	[tilespmem:$0x17C20] =	vst v63  }
0x1f: {  	_ =	swait.ge [sflag:s23], $0x6200  }
0x20: {  	[sflag:s23] =	ssyncset.done $0x0  }
0x21: {  	[sflag:s23] =	ssyncadd.s32 $0xFFFF9E00  }
0x22: {  	v0 =	vld [tilespmem:$0x17BC0];
	_ =	sdelay $0x4  }
0x23: {  	v23 =	vbroadcast v0, $0x0;
	v24 =	vbroadcast v0, $0x1  }
0x24: {  	v35 =	vbroadcast v0, $0x8;
	v17 =	vbroadcast v0, $0x2  }
0x25: {  	v27 =	vbroadcast v0, $0x3;
	v39 =	vbroadcast v0, $0x9  }
0x26: {  	v18 =	vbroadcast v0, $0x4;
	v28 =	vbroadcast v0, $0x5  }
0x27: {  	v1 =	vld [tilespmem:$0x17BD0];
	v42 =	vbroadcast v0, $0xA;
	v5 =	vbroadcast v0, $0x6  }
0x28: {  	v25 =	vbroadcast v0, $0x7;
	v40 =	vbroadcast v0, $0xB  }
0x29: {  	v41 =	vbroadcast v0, $0xC;
	v2 =	vbroadcast v0, $0xD  }
0x2a: {  	v8 =	vld [tilespmem:$0x17BF0];
	v44 =	vbroadcast v0, $0xE;
	v0 =	vbroadcast v0, $0xF;
	_ =	sdelay $0x1  }
0x2b: {  	[tilespmem:$0x1FC40] =	vst v0;
	v0 =	vbroadcast v1, $0x0;
	_ =	sdelay $0x1  }
0x2c: {  	[tilespmem:$0x1FC50] =	vst v0;
	v0 =	vbroadcast v1, $0x1  }
0x2d: {  	v9 =	vbroadcast v8, $0x9;
	[tilespmem:$0x1FC30] =	vst v2  }
0x2e: {  	[tilespmem:$0x1FC60] =	vst v0;
	v0 =	vbroadcast v1, $0x3  }
0x2f: {  	[tilespmem:$0x1FE00] =	vst v9  }
0x30: {  	[tilespmem:$0x1FC70] =	vst v0;
	v0 =	vbroadcast v1, $0x4  }
0x31: {  	[tilespmem:$0x1FE40] =	vst v17  }
0x32: {  	[tilespmem:$0x1FC80] =	vst v0;
	v0 =	vbroadcast v1, $0x5  }
0x33: {  	[tilespmem:$0x1FE50] =	vst v18  }
0x34: {  	[tilespmem:$0x1FC90] =	vst v0;
	v0 =	vbroadcast v1, $0x6  }
0x35: {  	[tilespmem:$0x1FE60] =	vst v5  }
0x36: {  	[tilespmem:$0x1FCA0] =	vst v0;
	v0 =	vbroadcast v1, $0x7  }
0x37: {  	[tilespmem:$0x1FE70] =	vst v23  }
0x38: {  	[tilespmem:$0x1FCB0] =	vst v0;
	v0 =	vbroadcast v1, $0x9  }
0x39: {  	[tilespmem:$0x1FE80] =	vst v24  }
0x3a: {  	[tilespmem:$0x1FCC0] =	vst v0;
	v0 =	vbroadcast v1, $0xB  }
0x3b: {  	[tilespmem:$0x1FE90] =	vst v25  }
0x3c: {  	[tilespmem:$0x1FCD0] =	vst v0;
	v0 =	vbroadcast v1, $0xC  }
0x3d: {  	v2 =	vld [tilespmem:$0x17BE0];
	[tilespmem:$0x1FEA0] =	vst v27  }
0x3e: {  	[tilespmem:$0x1FCE0] =	vst v0;
	v0 =	vbroadcast v1, $0xD  }
0x3f: {  	v11 =	vbroadcast v1, $0x8;
	[tilespmem:$0x1FEB0] =	vst v28  }
0x40: {  	[tilespmem:$0x1FCF0] =	vst v0;
	v0 =	vbroadcast v1, $0xF  }
0x41: {  	v10 =	vbroadcast v1, $0x2;
	[tilespmem:$0x1FF90] =	vst v11  }
0x42: {  	s22 =	simm.s32 $0x0;
	[tilespmem:$0x1FD00] =	vst v0;
	v0 =	vbroadcast v2, $0x2  }
0x43: {  	v13 =	vld [tilespmem:s22+$0x0];
	[tilespmem:$0x1FFB0] =	vst v10  }
0x44: {  	v46 =	vbroadcast v1, $0xA;
	[tilespmem:$0x1FD10] =	vst v0;
	v0 =	vbroadcast v2, $0x3  }
0x45: {  	v43 =	vbroadcast v1, $0xE;
	v7 =	vbroadcast v8, $0x0;
	[tilespmem:$0x1FFD0] =	vst v41  }
0x46: {  	v53 =	vbroadcast v8, $0x8;
	[tilespmem:$0x1FD20] =	vst v0;
	v0 =	vbroadcast v2, $0x5  }
0x47: {  	v3 =	vmov s2;
	v54 =	vbroadcast v8, $0xE;
	[tilespmem:$0x1FFE0] =	vst v7;
	v4 =	vbroadcast v2, $0xE  }
0x48: {  	v15 =	vshll.u32 v13, $0x10;
	v9 =	vbroadcast v8, $0xA;
	[tilespmem:$0x1FD30] =	vst v0;
	v0 =	vbroadcast v2, $0x6  }
0x49: {  	v13 =	vand.u32 $0xFFFF0000, v13;
	v17 =	vmul.f32 v15, v17;
	v18 =	vmul.f32 v15, v18;
	[tilespmem:$0x1FD90] =	vst v4  }
0x4a: {  	v22 =	vmul.f32 v15, v5;
	v4 =	vshll.u32 v3, $0x3;
	[tilespmem:$0x1FD40] =	vst v0;
	v0 =	vbroadcast v2, $0x7  }
0x4b: {  	v15 =	vmul.f32 v15, v23;
	[tilespmem:$0x1FE10] =	vst v9;
	v9 =	vbroadcast v8, $0xB;
	v12 =	vor.u32 v61, v4  }
0x4c: {  	v27 =	vmul.f32 v13, v27;
	v6 =	vor.u32 $0x2, v12;
	[tilespmem:$0x1FD50] =	vst v0;
	v0 =	vbroadcast v2, $0x8  }
0x4d: {  	[tilespmem:$0x1FE20] =	vst v9;
	v9 =	vbroadcast v8, $0xC;
	v47 =	vbroadcast v2, $0x0  }
0x4e: {  	v49 =	vbroadcast v2, $0x1;
	v3 =	vld [tilespmem:$0x17C00];
	v14 =	vor.u32 $0x5, v12;
	[tilespmem:$0x1FD60] =	vst v0;
	v0 =	vbroadcast v2, $0x9  }
0x4f: {  	[tilespmem:$0x1FFF0] =	vst v35;
	v45 =	vbroadcast v2, $0x4;
	v4 =	vbroadcast v8, $0x2  }
0x50: {  	v50 =	vbroadcast v2, $0xA;
	[tilespmem:$0x1FD70] =	vst v0;
	v0 =	vbroadcast v2, $0xC  }
0x51: {  	v51 =	vbroadcast v2, $0xB;
	[tilespmem:$0x1FDB0] =	vst v4;
	v4 =	vbroadcast v8, $0x3;
	v19 =	vld.idx.msk [tilespmem:v6+s24+$0x0], $0xffff  }
0x52: {  	v52 =	vbroadcast v2, $0xD;
	v16 =	vor.u32 $0x1, v12;
	v20 =	vld.idx.msk [tilespmem:v6+s25+$0x0], $0xffff;
	[tilespmem:$0x1FD80] =	vst v0;
	v0 =	vbroadcast v8, $0x1  }
0x53: {  	[tilespmem:$0x1FDC0] =	vst v4;
	v4 =	vbroadcast v8, $0x4;
	v29 =	vbroadcast v3, $0x9;
	v21 =	vld.idx.msk [tilespmem:v14+s24+$0x0], $0xffff  }
0x54: {  	v5 =	vbroadcast v3, $0x2;
	v23 =	vld.idx.msk [tilespmem:v14+s25+$0x0], $0xffff;
	[tilespmem:$0x1FDA0] =	vst v0;
	v0 =	vbroadcast v8, $0x7  }
0x55: {  	v26 =	vor.u32 $0x3, v12;
	[tilespmem:$0x1FDD0] =	vst v4;
	v14 =	vmul.f32 v13, v24;
	v24 =	vmul.f32 v13, v25;
	v25 =	vld.idx.msk [tilespmem:v12+s24+$0x0], $0xffff  }
0x56: {  	v13 =	vmul.f32 v13, v28;
	v28 =	vld.idx.msk [tilespmem:v12+s25+$0x0], $0xffff;
	[tilespmem:$0x1FDF0] =	vst v0;
	v0 =	vbroadcast v8, $0xD  }
0x57: {  	v55 =	vbroadcast v3, $0x3;
	v4 =	vbroadcast v8, $0x5;
	[tilespmem:$0x1FED0] =	vst v29;
	v29 =	vld.idx.msk [tilespmem:v16+s24+$0x0], $0xffff  }
0x58: {  	v34 =	vadd.f32 v27, v17;
	v56 =	vbroadcast v3, $0x5;
	v30 =	vld.idx.msk [tilespmem:v16+s25+$0x0], $0xffff;
	[tilespmem:$0x1FE30] =	vst v0;
	v0 =	vbroadcast v3, $0x8  }
0x59: {  	v16 =	vbroadcast v3, $0x4;
	[tilespmem:$0x1FDE0] =	vst v4;
	v33 =	vadd.f32 v14, v15;
	v14 =	vbroadcast v3, $0xC  }
0x5a: {  	v12 =	vor.u32 $0x4, v12;
	v27 =	vld.idx.msk [tilespmem:v26+s25+$0x0], $0xffff;
	v4 =	vbroadcast v8, $0x6;
	[tilespmem:$0x1FEC0] =	vst v0;
	v0 =	vbroadcast v3, $0xA  }
0x5b: {  	v26 =	vld.idx.msk [tilespmem:v26+s24+$0x0], $0xffff;
	v38 =	vadd.f32 v13, v18;
	v13 =	vbroadcast v3, $0x0;
	[tilespmem:$0x1FF00] =	vst v14;
	v25 =	vadd.f32 v28, v25  }
0x5c: {  	v14 =	vbroadcast v3, $0xF;
	v20 =	vadd.f32 v20, v19;
	[tilespmem:$0x1FEE0] =	vst v0;
	v0 =	vbroadcast v3, $0xB  }
0x5d: {  	[tilespmem:$0x1FFA0] =	vst v5;
	v19 =	vadd.f32 v23, v21;
	v23 =	vadd.f32 v30, v29;
	v30 =	vmul.f32 v25, v11  }
0x5e: {  	v22 =	vadd.f32 v24, v22;
	v36 =	vmul.f32 v25, v5;
	[tilespmem:$0x1FEF0] =	vst v0;
	v0 =	vbroadcast v3, $0xD  }
0x5f: {  	v38 =	vadd.f32 v38, v42;
	v24 =	vld.idx.msk [tilespmem:v12+s24+$0x0], $0xffff;
	v32 =	vmul.f32 v25, v10;
	v37 =	vmul.f32 v25, v4  }
0x60: {  	v28 =	vld.idx.msk [tilespmem:v12+s25+$0x0], $0xffff;
	v27 =	vadd.f32 v27, v26;
	v26 =	vmul.f32 v25, v7;
	[tilespmem:$0x1FF10] =	vst v0;
	v0 =	vbroadcast v3, $0xE  }
0x61: {  	v6 =	vmov v42;
	[tilespmem:$0x1FFC0] =	vst v4;
	v29 =	vmul.f32 v20, v44;
	v42 =	vmul.f32 v20, v16  }
0x62: {  	v38 =	vmax.f32 v38, $0.0e+00;
	v11 =	vmovc v44;
	v44 =	vmul.f32 v20, v47;
	[tilespmem:$0x1FF20] =	vst v0;
	v0 =	vbroadcast v3, $0x1  }
0x63: {  	v31 =	vld [tilespmem:$0x17C10];
	v62 =	vmov v47;
	[tilespmem:s22+$0xE8C0] =	vst v38;
	v38 =	vmul.f32 v27, v56;
	v47 =	vmul.f32 v23, v51  }
0x64: {  	v1 =	vbroadcast v8, $0xF;
	[tilespmem:$0x1FF40] =	vst v0;
	v0 =	vbroadcast v3, $0x6  }
0x65: {  	[tilespmem:$0x1FF30] =	vst v14;
	v21 =	vadd.f32 v28, v24;
	v24 =	vadd.f32 v33, v35;
	v35 =	vmul.f32 v25, v9  }
0x66: {  	v18 =	vmovc v9;
	v59 =	vadd.f32 v22, v40;
	v33 =	vmul.f32 v25, v45;
	[tilespmem:$0x1FF50] =	vst v0;
	v0 =	vbroadcast v3, $0x7  }
0x67: {  	v28 =	vadd.f32 v34, v39;
	v9 =	vmovc v40;
	v40 =	vmul.f32 v20, v53;
	v34 =	vmul.f32 v20, v46  }
0x68: {  	v17 =	vmovc v53;
	v63 =	vmovc v45;
	v45 =	vmax.f32 v59, $0.0e+00;
	v2 =	vbroadcast v2, $0xF;
	[tilespmem:$0x1FF60] =	vst v0;
	v0 =	vbroadcast v31, $0x0  }
0x69: {  	v15 =	vmovc v16;
	v4 =	vmov v46;
	v46 =	vmul.f32 v23, v55;
	[tilespmem:s22+$0xF500] =	vst v45;
	v45 =	vmul.f32 v27, v49  }
0x6a: {  	v7 =	vmovc v43;
	v5 =	vmovc v52;
	v16 =	vmov v13;
	[tilespmem:$0x1FF70] =	vst v0;
	v0 =	vbroadcast v31, $0x1;
	v31 =	vmul.f32 v25, v41  }
0x6b: {  	v10 =	vmovc v55;
	v12 =	vmovc v1;
	v41 =	vmul.f32 v25, v43;
	v43 =	vmul.f32 v25, v50;
	v25 =	vmax.f32 v24, $0.0e+00  }
0x6c: {  	v14 =	vmovc v2;
	v22 =	vmul.f32 v19, v2;
	v2 =	vmovc v51;
	v8 =	vmov v50;
	v3 =	vmov v39;
	[tilespmem:s22+$0xD040] =	vst v25  }
0x6d: {  	v39 =	vmul.f32 v20, v54;
	v24 =	vmul.f32 v27, v1;
	v1 =	vmovc v54;
	v25 =	vmax.f32 v28, $0.0e+00;
	[tilespmem:$0x1FF80] =	vst v0  }
0x6e: {  	s28 =	simm.s32 $0x40;
	s26 =	simm.s32 $0x0;
	v28 =	vmul.f32 v27, v52;
	[tilespmem:s22+$0xDC80] =	vst v25;
	v25 =	vmul.f32 v21, v13;
	v13 =	vmovc v49;
	v0 =	vmov v56  }
.LBB2_2:
0x6f: {  	v59 =	vld [tilespmem:$0x1FD90];
	_ =	sdelay $0x2  }
0x70: {  	v55 =	vld [tilespmem:$0x1FCC0]  }
0x71: {  	v57 =	vld [tilespmem:$0x1FD80]  }
0x72: {  	v43 =	vadd.f32 v47, v43;
	v47 =	vmul.f32 v21, v59;
	v59 =	vld [tilespmem:$0x1FDF0];
	_ =	sdelay $0x1  }
0x73: {  	v49 =	vld [tilespmem:$0x1FD00];
	_ =	sdelay $0x1  }
0x74: {  	v51 =	vld [tilespmem:$0x1FCD0];
	v57 =	vmul.f32 v20, v57  }
0x75: {  	v55 =	vmul.f32 v23, v55;
	v59 =	vmul.f32 v23, v59  }
0x76: {  	v43 =	vadd.f32 v57, v43;
	v57 =	vld [tilespmem:$0x1FDD0]  }
0x77: {  	v49 =	vmul.f32 v23, v49;
	v30 =	vadd.f32 v55, v30;
	v37 =	vadd.f32 v59, v37;
	v59 =	vld [tilespmem:$0x1FE30];
	_ =	sdelay $0x1  }
0x78: {  	v51 =	vmul.f32 v27, v51;
	v41 =	vadd.f32 v49, v41;
	v30 =	vadd.f32 v34, v30  }
0x79: {  	v60 =	vld [tilespmem:$0x1FC70]  }
0x7a: {  	v41 =	vadd.f32 v44, v41;
	v30 =	vadd.f32 v51, v30;
	v51 =	vld [tilespmem:$0x1FDA0]  }
0x7b: {  	v44 =	vmul.f32 v21, v57;
	v57 =	vld [tilespmem:$0x1FC30];
	v59 =	vmul.f32 v23, v59  }
0x7c: {  	v37 =	vadd.f32 v40, v37;
	v40 =	vadd.f32 v45, v41;
	v45 =	vld [tilespmem:$0x1FD50]  }
0x7d: {  	v35 =	vadd.f32 v59, v35;
	v59 =	vld [tilespmem:$0x1FD30]  }
0x7e: {  	v52 =	vld [tilespmem:$0x1FC80];
	_ =	sdelay $0x1  }
0x7f: {  	v53 =	vld [tilespmem:$0x1FCE0];
	v36 =	vadd.f32 v46, v36;
	v46 =	vmul.f32 v23, v60  }
0x80: {  	v54 =	vld [tilespmem:$0x1FC40];
	v57 =	vmul.f32 v23, v57;
	v41 =	vmul.f32 v27, v45  }
0x81: {  	v55 =	vld [tilespmem:$0x1FF50];
	v45 =	vmul.f32 v23, v59;
	v23 =	vmul.f32 v23, v51  }
0x82: {  	v52 =	vmul.f32 v20, v52;
	v32 =	vadd.f32 v46, v32;
	v31 =	vadd.f32 v57, v31;
	v57 =	vld [tilespmem:$0x1FD40]  }
0x83: {  	v23 =	vadd.f32 v23, v26;
	v26 =	vld [tilespmem:$0x1FDB0]  }
0x84: {  	v36 =	vadd.f32 v42, v36;
	v32 =	vadd.f32 v52, v32;
	v52 =	vld [tilespmem:$0x1FF60]  }
0x85: {  	v56 =	vld [tilespmem:$0x1FD20]  }
0x86: {  	v58 =	vld [tilespmem:$0x1FC50];
	v36 =	vadd.f32 v38, v36;
	v35 =	vadd.f32 v39, v35  }
0x87: {  	v39 =	vmul.f32 v21, v55;
	v55 =	vld [tilespmem:$0x1FCF0];
	v34 =	vmul.f32 v20, v57;
	v33 =	vadd.f32 v45, v33  }
0x88: {  	v53 =	vmul.f32 v21, v53;
	v20 =	vmul.f32 v20, v26;
	v26 =	vld [tilespmem:$0x1FF80]  }
0x89: {  	s29 =	sshra.s32 s28, $0x2;
	v60 =	vld [tilespmem:$0x1FDC0];
	v36 =	vadd.f32 v39, v36;
	v33 =	vadd.f32 v34, v33;
	v34 =	vmul.f32 v19, v52  }
0x8a: {  	v50 =	vld [tilespmem:s29+$0x0]  }
0x8b: {  	v30 =	vadd.f32 v53, v30;
	v53 =	vld [tilespmem:$0x1FEE0];
	v34 =	vadd.f32 v34, v36  }
0x8c: {  	v46 =	vld [tilespmem:$0x1FCA0];
	v28 =	vadd.f32 v28, v43;
	v38 =	vmul.f32 v19, v55  }
0x8d: {  	v54 =	vmul.f32 v27, v54;
	v59 =	vld [tilespmem:$0x1FD10];
	v26 =	vadd.f32 v34, v26  }
0x8e: {  	v49 =	vmul.f32 v27, v60;
	v60 =	vld [tilespmem:$0x1FD60];
	v28 =	vadd.f32 v47, v28;
	v30 =	vadd.f32 v38, v30  }
0x8f: {  	v29 =	vadd.f32 v29, v31;
	v52 =	vld [tilespmem:$0x1FC60];
	v20 =	vadd.f32 v20, v23;
	v23 =	vmax.f32 v26, $0.0e+00  }
0x90: {  	v30 =	vadd.f32 v30, v53;
	[tilespmem:s22+$0x16F80] =	vst v23;
	v23 =	vld [tilespmem:$0x1FE10]  }
0x91: {  	v58 =	vmul.f32 v21, v58;
	v22 =	vadd.f32 v22, v28;
	v28 =	vld [tilespmem:$0x1FDE0];
	v29 =	vadd.f32 v54, v29  }
0x92: {  	v42 =	vmul.f32 v21, v46;
	v31 =	vld [tilespmem:$0x1FF40];
	v46 =	vmul.f32 v21, v59;
	v30 =	vmax.f32 v30, $0.0e+00  }
0x93: {  	v56 =	vmul.f32 v19, v56;
	v29 =	vadd.f32 v58, v29;
	[tilespmem:s22+$0x119C0] =	vst v30;
	v30 =	vld [tilespmem:$0x1FEF0]  }
0x94: {  	v48 =	vld [tilespmem:$0x1FC90];
	v60 =	vmul.f32 v21, v60;
	v40 =	vadd.f32 v46, v40;
	v20 =	vadd.f32 v49, v20  }
0x95: {  	v36 =	vmul.f32 v19, v52;
	v21 =	vmul.f32 v21, v23;
	v23 =	vadd.f32 v24, v35;
	v24 =	vld [tilespmem:$0x1FEC0]  }
0x96: {  	v28 =	vmul.f32 v19, v28;
	v59 =	vld [tilespmem:$0x1FE00];
	v40 =	vadd.f32 v56, v40;
	v20 =	vadd.f32 v44, v20  }
0x97: {  	v31 =	vmul.f32 v19, v31;
	v26 =	vadd.f32 v36, v29;
	v29 =	vld [tilespmem:$0x1FD70];
	v23 =	vadd.f32 v25, v23  }
0x98: {  	v30 =	vadd.f32 v40, v30;
	v20 =	vadd.f32 v28, v20;
	v28 =	vld [tilespmem:$0x1FE20]  }
0x99: {  	v23 =	vadd.f32 v31, v23;
	v31 =	vld [tilespmem:$0x1FF20]  }
0x9a: {  	v24 =	vadd.f32 v26, v24;
	v26 =	vmax.f32 v30, $0.0e+00;
	v30 =	vld [tilespmem:$0x1FCB0]  }
0x9b: {  	v48 =	vmul.f32 v27, v48;
	v27 =	vmul.f32 v27, v59  }
0x9c: {  	[tilespmem:s22+$0x12600] =	vst v26;
	v24 =	vmax.f32 v24, $0.0e+00  }
0x9d: {  	v26 =	vadd.f32 v27, v37;
	[tilespmem:s22+$0x10140] =	vst v24;
	v24 =	vld [tilespmem:$0x1FF10]  }
0x9e: {  	v29 =	vmul.f32 v19, v29;
	v20 =	vadd.f32 v20, v31;
	v31 =	vld [tilespmem:$0x1FE70]  }
0x9f: {  	v21 =	vadd.f32 v21, v26;
	v30 =	vmul.f32 v19, v30;
	v19 =	vmul.f32 v19, v28;
	v28 =	vld [tilespmem:$0x1FE80];
	_ =	sdelay $0x1  }
0xa0: {  	v32 =	vadd.f32 v48, v32;
	v19 =	vadd.f32 v19, v21;
	v21 =	vld [tilespmem:$0x1FF70]  }
0xa1: {  	v54 =	vld [tilespmem:$0x1FED0];
	v22 =	vadd.f32 v22, v24  }
0xa2: {  	v32 =	vadd.f32 v42, v32;
	v57 =	vshll.u32 v50, $0x10;
	v27 =	vand.u32 $0xFFFF0000, v50  }
0xa3: {  	v26 =	vld [tilespmem:$0x1FE90];
	v31 =	vmul.f32 v57, v31;
	v28 =	vmul.f32 v27, v28;
	v22 =	vmax.f32 v22, $0.0e+00  }
0xa4: {  	v24 =	vadd.f32 v30, v32;
	[tilespmem:s22+$0x13E80] =	vst v22;
	v22 =	vld [tilespmem:$0x1FEB0]  }
0xa5: {  	v20 =	vmax.f32 v20, $0.0e+00;
	v21 =	vadd.f32 v23, v21;
	v23 =	vadd.f32 v28, v31;
	v28 =	vld [tilespmem:$0x1FEA0]  }
0xa6: {  	[tilespmem:s22+$0x14AC0] =	vst v20;
	v20 =	vld [tilespmem:$0x1FF30];
	v24 =	vadd.f32 v24, v54;
	_ =	sdelay $0x1  }
0xa7: {  	v59 =	vld [tilespmem:$0x1FE40];
	v30 =	vadd.f32 v41, v33;
	v24 =	vmax.f32 v24, $0.0e+00  }
0xa8: {  	v26 =	vmul.f32 v27, v26;
	[tilespmem:s22+$0x10D80] =	vst v24;
	v24 =	vld [tilespmem:$0x1FF00]  }
0xa9: {  	s26 =	sadd.s32 $0x10, s26;
	v30 =	vadd.f32 v60, v30;
	v22 =	vmul.f32 v27, v22;
	v28 =	vmul.f32 v27, v28;
	v27 =	vld [tilespmem:$0x1FFF0]  }
0xaa: {  	v19 =	vadd.f32 v19, v20;
	v20 =	vmax.f32 v21, $0.0e+00;
	v21 =	vmov s26  }
0xab: {  	v29 =	vadd.f32 v29, v30;
	v21 =	vshll.u32 v21, $0x3  }
0xac: {  	v45 =	vmul.f32 v57, v59;
	v25 =	vld [tilespmem:$0x1FE60];
	[tilespmem:s22+$0x16340] =	vst v20;
	v20 =	vor.u32 v61, v21  }
0xad: {  	v19 =	vmax.f32 v19, $0.0e+00;
	v24 =	vadd.f32 v29, v24  }
0xae: {  	v23 =	vadd.f32 v23, v27;
	v27 =	vadd.f32 v28, v45;
	v28 =	vor.u32 $0x2, v20  }
0xaf: {  	[tilespmem:s22+$0x15700] =	vst v19;
	v24 =	vmax.f32 v24, $0.0e+00  }
0xb0: {  	v48 =	vld [tilespmem:$0x1FE50];
	v30 =	vor.u32 $0x5, v20;
	[tilespmem:s22+$0x13240] =	vst v24  }
0xb1: {  	v25 =	vmul.f32 v57, v25;
	v29 =	vor.u32 $0x4, v20;
	v24 =	vld.idx.msk [tilespmem:v20+s24+$0x0], $0xffff  }
0xb2: {  	v31 =	vld.idx.msk [tilespmem:v20+s25+$0x0], $0xffff;
	v21 =	vadd.f32 v27, v3;
	v27 =	vor.u32 $0x1, v20;
	v20 =	vor.u32 $0x3, v20  }
0xb3: {  	v19 =	vadd.f32 v26, v25;
	v25 =	vld.idx.msk [tilespmem:v28+s24+$0x0], $0xffff  }
0xb4: {  	v28 =	vld.idx.msk [tilespmem:v28+s25+$0x0], $0xffff  }
0xb5: {  	v46 =	vmul.f32 v57, v48;
	v26 =	vld.idx.msk [tilespmem:v30+s24+$0x0], $0xffff  }
0xb6: {  	v30 =	vld.idx.msk [tilespmem:v30+s25+$0x0], $0xffff  }
0xb7: {  	v22 =	vadd.f32 v22, v46;
	v57 =	vld.idx.msk [tilespmem:v20+s25+$0x0], $0xffff  }
0xb8: {  	v58 =	vadd.f32 v31, v24;
	v24 =	vld.idx.msk [tilespmem:v20+s24+$0x0], $0xffff  }
0xb9: {  	v20 =	vadd.f32 v28, v25;
	v28 =	vadd.f32 v22, v6;
	v22 =	vld [tilespmem:$0x1FF90];
	_ =	sdelay $0x2  }
0xba: {  	v19 =	vadd.f32 v19, v9;
	_ =	sdelay $0x1  }
0xbb: {  	v59 =	vmax.f32 v19, $0.0e+00;
	v19 =	vadd.f32 v30, v26;
	v30 =	vmul.f32 v58, v22;
	v22 =	vld [tilespmem:$0x1FFA0];
	_ =	sdelay $0x4  }
0xbc: {  	v36 =	vmul.f32 v58, v22;
	v22 =	vld [tilespmem:$0x1FFB0];
	_ =	sdelay $0x1  }
0xbd: {  	v55 =	vld.idx.msk [tilespmem:v27+s24+$0x0], $0xffff  }
0xbe: {  	v27 =	vld.idx.msk [tilespmem:v27+s25+$0x0], $0xffff;
	_ =	sdelay $0x1  }
0xbf: {  	v35 =	vmul.f32 v58, v18;
	v32 =	vmul.f32 v58, v22;
	v22 =	vld [tilespmem:$0x1FFC0]  }
0xc0: {  	v56 =	vld.idx.msk [tilespmem:v29+s24+$0x0], $0xffff;
	v41 =	vmul.f32 v58, v7;
	v43 =	vmul.f32 v58, v8  }
0xc1: {  	v60 =	vld.idx.msk [tilespmem:v29+s25+$0x0], $0xffff;
	v33 =	vmul.f32 v58, v63;
	v25 =	vmax.f32 v23, $0.0e+00;
	v29 =	vmul.f32 v20, v11  }
0xc2: {  	s22 =	smov.u32 s29;
	v23 =	vadd.f32 v27, v55;
	v40 =	vmul.f32 v20, v17;
	v34 =	vmul.f32 v20, v4  }
0xc3: {  	[tilespmem:s22+$0xD040] =	vst v25;
	v25 =	vld [tilespmem:$0x1FFE0];
	v27 =	vadd.f32 v57, v24;
	v42 =	vmul.f32 v20, v15;
	v39 =	vmul.f32 v20, v1  }
0xc4: {  	p0 =	sne.s32 s28, $0x30C0;
	v21 =	vmax.f32 v21, $0.0e+00;
	v44 =	vmul.f32 v20, v62;
	v37 =	vmul.f32 v58, v22;
	v22 =	vld [tilespmem:$0x1FFD0]  }
.Ltmp0:
0xc5: {  	[tilespmem:s22+$0xDC80] =	vst v21;
	v21 =	vmax.f32 v28, $0.0e+00;
	v24 =	vmul.f32 v27, v12;
	v28 =	vmul.f32 v27, v5;
	(pc) =	sbr.rel @p0 .LBB2_2-.Ltmp0, $4  }
0xc6: {  	[tilespmem:s22+$0xE8C0] =	vst v21;
	v21 =	vadd.f32 v60, v56;
	v46 =	vmul.f32 v23, v10;
	v38 =	vmul.f32 v27, v0  }
0xc7: {  	s30 =	smov.u32 s28;
	v45 =	vmul.f32 v27, v13;
	v47 =	vmul.f32 v23, v2  }
0xc8: {  	s30 =	sadd.s32 $0x40, s28;
	v26 =	vmul.f32 v58, v25;
	v25 =	vmul.f32 v21, v16  }
0xc9: {  	s28 =	smov.u32 s30;
	[tilespmem:s22+$0xF500] =	vst v59;
	v31 =	vmul.f32 v58, v22;
	v22 =	vmul.f32 v19, v14  }
0xca: {  	v0 =	vld [tilespmem:$0x1FD00]  }
0xcb: {  	v1 =	vld [tilespmem:$0x1FDF0]  }
0xcc: {  	v3 =	vld [tilespmem:$0x1FD80]  }
0xcd: {  	v58 =	vld [tilespmem:$0x1FE30]  }
0xce: {  	v5 =	vld [tilespmem:$0x1FC70]  }
0xcf: {  	v6 =	vld [tilespmem:$0x1FCC0]  }
0xd0: {  	v7 =	vld [tilespmem:$0x1FC80]  }
0xd1: {  	v9 =	vld [tilespmem:$0x1FC30]  }
0xd2: {  	v8 =	vld [tilespmem:$0x1FD30]  }
0xd3: {  	v59 =	vld [tilespmem:$0x1FD10]  }
0xd4: {  	v60 =	vld [tilespmem:$0x1FCD0]  }
0xd5: {  	v11 =	vld [tilespmem:$0x1FD40]  }
0xd6: {  	v14 =	vld [tilespmem:$0x1FD20]  }
0xd7: {  	v4 =	vadd.f32 v46, v36;
	v62 =	vld [tilespmem:$0x1FF50]  }
0xd8: {  	v12 =	vld [tilespmem:$0x1FCE0]  }
0xd9: {  	v15 =	vld [tilespmem:$0x1FCF0];
	v4 =	vadd.f32 v42, v4  }
0xda: {  	v2 =	vadd.f32 v47, v43;
	v16 =	vld [tilespmem:$0x1FC40];
	v0 =	vmul.f32 v23, v0;
	v1 =	vmul.f32 v23, v1  }
0xdb: {  	v17 =	vld [tilespmem:$0x1FF60];
	v4 =	vadd.f32 v38, v4;
	v3 =	vmul.f32 v20, v3;
	v5 =	vmul.f32 v23, v5  }
0xdc: {  	v18 =	vld [tilespmem:$0x1FCA0];
	v6 =	vmul.f32 v23, v6;
	v9 =	vmul.f32 v23, v9;
	v0 =	vadd.f32 v0, v41  }
0xdd: {  	v43 =	vld [tilespmem:$0x1FE00];
	v10 =	vmul.f32 v23, v8;
	v1 =	vadd.f32 v1, v37;
	v2 =	vadd.f32 v3, v2  }
0xde: {  	v46 =	vld [tilespmem:$0x1FCB0];
	v13 =	vmul.f32 v21, v62;
	v5 =	vadd.f32 v5, v32;
	v6 =	vadd.f32 v6, v30  }
0xdf: {  	v48 =	vld [tilespmem:$0x1FD60];
	v7 =	vmul.f32 v20, v7;
	v9 =	vadd.f32 v9, v31;
	v0 =	vadd.f32 v44, v0  }
0xe0: {  	v49 =	vld [tilespmem:$0x1FE10];
	v3 =	vmul.f32 v23, v58;
	v10 =	vadd.f32 v10, v33;
	v4 =	vadd.f32 v13, v4  }
0xe1: {  	v52 =	vld [tilespmem:$0x1FE20];
	v5 =	vadd.f32 v7, v5;
	v7 =	vmul.f32 v21, v59;
	v0 =	vadd.f32 v45, v0  }
0xe2: {  	v11 =	vmul.f32 v20, v11;
	v32 =	vld [tilespmem:$0x1FDB0];
	v1 =	vadd.f32 v40, v1;
	v3 =	vadd.f32 v3, v35  }
0xe3: {  	v14 =	vmul.f32 v19, v14;
	v33 =	vld [tilespmem:$0x1FF80];
	v6 =	vadd.f32 v34, v6;
	v0 =	vadd.f32 v7, v0  }
0xe4: {  	v63 =	vadd.f32 v11, v10;
	v10 =	vmul.f32 v21, v12;
	v9 =	vadd.f32 v29, v9;
	v29 =	vld [tilespmem:$0x1FDA0]  }
0xe5: {  	v12 =	vmul.f32 v19, v17;
	v7 =	vmul.f32 v27, v60;
	v0 =	vadd.f32 v14, v0;
	v14 =	vld [tilespmem:$0x1FC90]  }
0xe6: {  	v13 =	vmul.f32 v27, v16;
	v2 =	vadd.f32 v28, v2;
	v3 =	vadd.f32 v39, v3;
	v39 =	vld [tilespmem:$0x1FEF0]  }
0xe7: {  	v38 =	vld [tilespmem:$0x1FC60];
	v4 =	vadd.f32 v12, v4;
	v6 =	vadd.f32 v7, v6  }
0xe8: {  	v30 =	vld [tilespmem:$0x1FEE0];
	v11 =	vmul.f32 v19, v15;
	v9 =	vadd.f32 v13, v9;
	v3 =	vadd.f32 v24, v3  }
0xe9: {  	v31 =	vld [tilespmem:$0x1FC50];
	v13 =	vmul.f32 v19, v46;
	v12 =	vmul.f32 v20, v32;
	v6 =	vadd.f32 v10, v6  }
0xea: {  	v37 =	vld [tilespmem:$0x1FDC0];
	v4 =	vadd.f32 v4, v33;
	v3 =	vadd.f32 v25, v3;
	v10 =	vmul.f32 v27, v14  }
0xeb: {  	v35 =	vld [tilespmem:$0x1FD90];
	v0 =	vadd.f32 v0, v39;
	v6 =	vadd.f32 v11, v6;
	v11 =	vmul.f32 v23, v29  }
0xec: {  	v41 =	vld [tilespmem:$0x1FDD0];
	v4 =	vmax.f32 v4, $0.0e+00;
	v5 =	vadd.f32 v10, v5;
	v10 =	vmul.f32 v21, v18  }
0xed: {  	v42 =	vld [tilespmem:$0x1FD50];
	v0 =	vmax.f32 v0, $0.0e+00;
	v14 =	vmul.f32 v21, v49;
	v11 =	vadd.f32 v11, v26  }
0xee: {  	v45 =	vld [tilespmem:$0x1FDE0];
	v6 =	vadd.f32 v6, v30;
	v5 =	vadd.f32 v10, v5;
	v10 =	vmul.f32 v21, v31  }
0xef: {  	v57 =	vld [tilespmem:$0x1FED0];
	v36 =	vadd.f32 v12, v11;
	v11 =	vmul.f32 v27, v37;
	v12 =	vmul.f32 v19, v38  }
0xf0: {  	v50 =	vld [tilespmem:$0x1FF40];
	v6 =	vmax.f32 v6, $0.0e+00;
	v34 =	vadd.f32 v10, v9;
	v9 =	vmul.f32 v21, v35  }
0xf1: {  	v44 =	vld [tilespmem:$0x1FEC0];
	v40 =	vadd.f32 v11, v36;
	v10 =	vmul.f32 v21, v41;
	v5 =	vadd.f32 v13, v5  }
0xf2: {  	v51 =	vld [tilespmem:$0x1FD70];
	v11 =	vmul.f32 v27, v42;
	v2 =	vadd.f32 v9, v2;
	v8 =	vadd.f32 v12, v34  }
0xf3: {  	v53 =	vld [tilespmem:$0x1FF20];
	v12 =	vmul.f32 v27, v43;
	v9 =	vadd.f32 v10, v40;
	v10 =	vmul.f32 v19, v45  }
0xf4: {  	v47 =	vld [tilespmem:$0x1FF10];
	[tilespmem:s22+$0x119C0] =	vst v6;
	v6 =	vmul.f32 v19, v52;
	v7 =	vadd.f32 v11, v63;
	v5 =	vadd.f32 v5, v57  }
0xf5: {  	v56 =	vld [tilespmem:$0x1FF70];
	v1 =	vadd.f32 v12, v1;
	v9 =	vadd.f32 v10, v9;
	v10 =	vmul.f32 v19, v50  }
0xf6: {  	v58 =	vld [tilespmem:$0x1FF30];
	v2 =	vadd.f32 v22, v2;
	v8 =	vadd.f32 v8, v44;
	v12 =	vmul.f32 v21, v48  }
0xf7: {  	v60 =	vld [tilespmem:$0x1FF00];
	[tilespmem:s22+$0x16F80] =	vst v4;
	v13 =	vmul.f32 v19, v51;
	v3 =	vadd.f32 v10, v3;
	v1 =	vadd.f32 v14, v1  }
0xf8: {  	[tilespmem:s22+$0x12600] =	vst v0;
	v62 =	vmax.f32 v5, $0.0e+00;
	v0 =	vadd.f32 v9, v53;
	v54 =	vadd.f32 v12, v7  }
0xf9: {  	[tilespmem:s22+$0x10D80] =	vst v62;
	v2 =	vadd.f32 v2, v47;
	v55 =	vmax.f32 v8, $0.0e+00;
	v1 =	vadd.f32 v6, v1  }
0xfa: {  	[tilespmem:s22+$0x10140] =	vst v55;
	v3 =	vadd.f32 v3, v56;
	v4 =	vadd.f32 v13, v54;
	v0 =	vmax.f32 v0, $0.0e+00  }
0xfb: {  	v2 =	vmax.f32 v2, $0.0e+00;
	[tilespmem:s22+$0x14AC0] =	vst v0;
	v0 =	vadd.f32 v1, v58  }
0xfc: {  	[tilespmem:s22+$0x13E80] =	vst v2;
	v59 =	vmax.f32 v3, $0.0e+00;
	v1 =	vadd.f32 v4, v60  }
0xfd: {  	[tilespmem:s22+$0x16340] =	vst v59;
	v0 =	vmax.f32 v0, $0.0e+00  }
0xfe: {  	v63 =	vmax.f32 v1, $0.0e+00;
	[tilespmem:s22+$0x15700] =	vst v0  }
0xff: {  	s26 =	simm.s32 $0xD040;
	[tilespmem:s22+$0x13240] =	vst v63  }
0x100: {  	[hbm4b:s7+s2] =	stream.linear.scatter [tilespmem:s26], [sflag:$0x1], $0xC40, $0x38;
	[tilespmem:$0x17C20] =	vst v63  }
0x101: {  	_ =	swait.ge [sflag:s23], $0xC40  }
0x102: {  	[sflag:s23] =	ssyncset.done $0x0  }
0x103: {  	s28 =	simm.s32 $0xDC80;
	[sflag:s23] =	ssyncadd.s32 $0xFFFFF3C0  }
0x104: {  	[hbm4b:s8+s2] =	stream.linear.scatter [tilespmem:s28], [sflag:$0x1], $0xC40, $0x38;
	[tilespmem:$0x17C20] =	vst v63  }
0x105: {  	_ =	swait.ge [sflag:s23], $0xC40  }
0x106: {  	[sflag:s23] =	ssyncset.done $0x0  }
0x107: {  	s29 =	simm.s32 $0xE8C0;
	[sflag:s23] =	ssyncadd.s32 $0xFFFFF3C0  }
0x108: {  	[hbm4b:s9+s2] =	stream.linear.scatter [tilespmem:s29], [sflag:$0x1], $0xC40, $0x38;
	[tilespmem:$0x17C20] =	vst v63  }
0x109: {  	_ =	swait.ge [sflag:s23], $0xC40  }
0x10a: {  	[sflag:s23] =	ssyncset.done $0x0  }
0x10b: {  	s30 =	simm.s32 $0xF500;
	[sflag:s23] =	ssyncadd.s32 $0xFFFFF3C0  }
0x10c: {  	[hbm4b:s10+s2] =	stream.linear.scatter [tilespmem:s30], [sflag:$0x1], $0xC40, $0x38;
	[tilespmem:$0x17C20] =	vst v63  }
0x10d: {  	_ =	swait.ge [sflag:s23], $0xC40  }
0x10e: {  	[sflag:s23] =	ssyncset.done $0x0  }
0x10f: {  	s26 =	simm.s32 $0x10140;
	[sflag:s23] =	ssyncadd.s32 $0xFFFFF3C0  }
0x110: {  	[hbm4b:s11+s2] =	stream.linear.scatter [tilespmem:s26], [sflag:$0x1], $0xC40, $0x38;
	[tilespmem:$0x17C20] =	vst v63  }
0x111: {  	_ =	swait.ge [sflag:s23], $0xC40  }
0x112: {  	[sflag:s23] =	ssyncset.done $0x0  }
0x113: {  	s28 =	simm.s32 $0x10D80;
	[sflag:s23] =	ssyncadd.s32 $0xFFFFF3C0  }
0x114: {  	[hbm4b:s12+s2] =	stream.linear.scatter [tilespmem:s28], [sflag:$0x1], $0xC40, $0x38;
	[tilespmem:$0x17C20] =	vst v63  }
0x115: {  	_ =	swait.ge [sflag:s23], $0xC40  }
0x116: {  	[sflag:s23] =	ssyncset.done $0x0  }
0x117: {  	s29 =	simm.s32 $0x119C0;
	[sflag:s23] =	ssyncadd.s32 $0xFFFFF3C0  }
0x118: {  	[hbm4b:s13+s2] =	stream.linear.scatter [tilespmem:s29], [sflag:$0x1], $0xC40, $0x38;
	[tilespmem:$0x17C20] =	vst v63  }
0x119: {  	_ =	swait.ge [sflag:s23], $0xC40  }
0x11a: {  	[sflag:s23] =	ssyncset.done $0x0  }
0x11b: {  	s30 =	simm.s32 $0x12600;
	[sflag:s23] =	ssyncadd.s32 $0xFFFFF3C0  }
0x11c: {  	[hbm4b:s14+s2] =	stream.linear.scatter [tilespmem:s30], [sflag:$0x1], $0xC40, $0x38;
	[tilespmem:$0x17C20] =	vst v63  }
0x11d: {  	_ =	swait.ge [sflag:s23], $0xC40  }
0x11e: {  	[sflag:s23] =	ssyncset.done $0x0  }
0x11f: {  	s26 =	simm.s32 $0x13240;
	[sflag:s23] =	ssyncadd.s32 $0xFFFFF3C0  }
0x120: {  	[hbm4b:s15+s2] =	stream.linear.scatter [tilespmem:s26], [sflag:$0x1], $0xC40, $0x38;
	[tilespmem:$0x17C20] =	vst v63  }
0x121: {  	_ =	swait.ge [sflag:s23], $0xC40  }
0x122: {  	[sflag:s23] =	ssyncset.done $0x0  }
0x123: {  	s28 =	simm.s32 $0x13E80;
	[sflag:s23] =	ssyncadd.s32 $0xFFFFF3C0  }
0x124: {  	[hbm4b:s16+s2] =	stream.linear.scatter [tilespmem:s28], [sflag:$0x1], $0xC40, $0x38;
	[tilespmem:$0x17C20] =	vst v63  }
0x125: {  	_ =	swait.ge [sflag:s23], $0xC40  }
0x126: {  	[sflag:s23] =	ssyncset.done $0x0  }
0x127: {  	s29 =	simm.s32 $0x14AC0;
	[sflag:s23] =	ssyncadd.s32 $0xFFFFF3C0  }
0x128: {  	[hbm4b:s17+s2] =	stream.linear.scatter [tilespmem:s29], [sflag:$0x1], $0xC40, $0x38;
	[tilespmem:$0x17C20] =	vst v63  }
0x129: {  	_ =	swait.ge [sflag:s23], $0xC40  }
0x12a: {  	[sflag:s23] =	ssyncset.done $0x0  }
0x12b: {  	s30 =	simm.s32 $0x15700;
	[sflag:s23] =	ssyncadd.s32 $0xFFFFF3C0  }
0x12c: {  	[hbm4b:s18+s2] =	stream.linear.scatter [tilespmem:s30], [sflag:$0x1], $0xC40, $0x38;
	[tilespmem:$0x17C20] =	vst v63  }
0x12d: {  	_ =	swait.ge [sflag:s23], $0xC40  }
0x12e: {  	[sflag:s23] =	ssyncset.done $0x0  }
0x12f: {  	[sflag:s23] =	ssyncadd.s32 $0xFFFFF3C0  }
0x130: {  	[hbm4b:s19+s2] =	stream.linear.scatter [tilespmem:s31], [sflag:$0x1], $0xC40, $0x38;
	[tilespmem:$0x17C20] =	vst v63  }
0x131: {  	s1 =	sadd.s32 $0x1, s1;
	_ =	swait.ge [sflag:s23], $0xC40  }
0x132: {  	p0 =	sne.s32 s1, s21;
	[sflag:s23] =	ssyncset.done $0x0  }
.Ltmp1:
0x133: {  	[sflag:s23] =	ssyncadd.s32 $0xFFFFF3C0;
	(pc) =	sbr.rel @p0 .LBB2_1-.Ltmp1, $4  }
0x134: {  	[hbm4b:s20+s2] =	stream.linear.scatter [tilespmem:s0], [sflag:$0x1], $0xC40, $0x38;
	[tilespmem:$0x17C20] =	vst v63  }
0x135: {  	_ =	swait.ge [sflag:s23], $0xC40  }
0x136: {  	[sflag:s23] =	ssyncset.done $0x0  }
0x137: {  	[sflag:s23] =	ssyncadd.s32 $0xFFFFF3C0  }
0x138: {  	_ =	sfence.sel $0x180000  }
0x139: {  	[bflag:$0x0] =	sbarrier.arrive $0xFFFF  }
0x13a: {  	_ =	strace $0x9000004D  }
0x13b: {  	s0 =	stileid.u32;
	[bflag:$0x2] =	sbarrier.arrive $0xFFFF  }
0x13c: {  	p0 =	sne.s32 s0, $0x0;
	s0 =	rddreg [dreg:$0x2]  }
0x13d: {  	s0 =	sadd.s32 @!p0 $0x100000, s0  }
0x13e: {  	[sflag:s0] =	ssyncadd.tile.s32 @!p0 $0x1;
	_ =	shalt  }
.Lfunc_end2:
_tile_overlayer_lowered:
.L_overlay_start_2:
0x13f: {  	(tag) =	ssettag $0x2  }
0x140: {  	s0 =	rddreg [dreg:$0x0];
	s2 =	stileid.u32  }
0x141: {  	s1 =	rddreg [dreg:$0x1];
	p0 =	sne.s32 s2, $0x0  }
0x142: {  	s3 =	rddreg [dreg:$0x2];
	[bflag:$0x3] =	sbarrier.arrive $0xFFFF;
	s2 =	simm.s32 @!p0 $0x1C01  }
0x143: {  	[timem:s3], [sflag:s2] =	dma.local @!p0 [hbm:s0], s1  }
0x144: {  	s0 =	simm.s32 @!p0 $0x1  }
0x145: {  	_ =	swait.ge @!p0 [sflag:s0], s1  }
0x146: {  	s1 =	ssub.s32 @!p0 $0x0, s1;
	[sflag:s0] =	ssyncset.done @!p0 $0x0  }
0x147: {  	[sflag:s0] =	ssyncadd.s32 @!p0 s1  }
0x148: {  	[bflag:$0x3] =	sbarrier.arrive $0xFFFF  }
0x149: {  	_ =	shalt  }

// kernel: kernel.5.cloned.1.call-start
scs
__scs_entry_jumppad:
0x0: {  	(pc) =	sbr.rel $0x88, $3  }
0x1: {  	(tag) =	ssettag $0x0;
	lr =	simm.s32 $0x1  }
0x2: {  	[smem:$0x3F96] =	sst lr;
	_ =	strace $0xD0000000  }
0x3: {  	_ = 	snop  }
0x4: {  	_ = 	snop  }
0x5: {  	_ = 	snop  }
0x6: {  	_ = 	snop  }
0x7: {  	_ = 	snop  }
__scs_overlays_trampoline_lowered:
0x8: {  	[smem:$0x3FA5] =	sst s0  }
0x9: {  	[smem:$0x3FA6] =	sst s1  }
0xa: {  	[smem:$0x3FA7] =	sst s2  }
0xb: {  	[smem:$0x3FA8] =	sst s3  }
0xc: {  	[smem:$0x3FA9] =	sst s4  }
0xd: {  	[smem:$0x3FAA] =	sst s5  }
0xe: {  	[smem:$0x3FAB] =	sst s6  }
0xf: {  	[smem:$0x3FAC] =	sst s7  }
0x10: {  	[smem:$0x3FAD] =	sst s8  }
0x11: {  	[smem:$0x3FAE] =	sst s9;
	s0 =	simm.s32 @!p0 $0x0  }
0x12: {  	s1 =	sld [smem:$0x3F94];
	s0 =	simm.s32 @p0 $0x1  }
0x13: {  	[smem:$0x3FAF] =	sst s0;
	s0 =	simm.s32 @!p1 $0x0  }
0x14: {  	s2 =	sld [smem:$0x3F93];
	s0 =	simm.s32 @p1 $0x1  }
0x15: {  	[smem:$0x3FB0] =	sst s0;
	s0 =	simm.s32 @!p2 $0x0  }
0x16: {  	s3 =	sld [smem:$0x3FDB];
	s0 =	simm.s32 @p2 $0x1  }
0x17: {  	s4 =	simm.s32 $0x1BF5;
	[smem:$0x3FB2] =	sst s0  }
0x18: {  	s0 =	sld [smem:$0x3F95];
	_ =	swait.ge [sflag:s4], $0x0  }
0x19: {  	s7 =	sld [smem:$0x3F96]  }
0x1a: {  	s8 =	sadd.s32 $0xFFFFE003, lr  }
0x1b: {  	s9 =	sadd.s32 $0xFFFFFEF7, lr;
	s5 =	simm.s32 $0xFFFFFFFF;
	p2 =	slt.u32 s8, $0xFFFFF086  }
0x1c: {  	p1 =	slt.u32 s9, $0xF7A;
	s5 =	simm.s32 @!p2 $0x0  }
0x1d: {  	s5 =	simm.s32 @p1 $0x1;
	p0 =	seq.s32 s7, s2  }
0x1e: {  	s7 =	smul.u32 @!p0 $0xF7A, s2;
	p2 =	seq.s32 @!p0 s5, $0x0  }
0x1f: {  	s9 =	smul.u32 $0xF7A, s1;
	s8 =	simm.s32 @!p0 $0x1BF5;
	p2 =	por !p2, p0  }
0x20: {  	[sflag:s8] =	ssyncset.s32 @!p0 $0xFFFFF086;
	s6 =	sadd.s32 @!p0 s3, s7;
	s7 =	simm.s32 @!p0 $0x108  }
0x21: {  	s3 =	sadd.s32 s3, s9;
	s6 =	sadd.s32 @!p0 $0x88, s6;
	s7 =	simm.s32 @p2 $0x1082  }
0x22: {  	[simem:s7], [sflag:s8] =	dma.local @!p0 [hbm:s6], $0xF7A  }
0x23: {  	s9 =	sor.u32 $0xD0000000, s2;
	s6 =	simm.s32 $0x108;
	_ =	swait.ge @!p0 [sflag:s8], $0x0  }
0x24: {  	s3 =	sadd.s32 $0x88, s3;
	s6 =	simm.s32 @!p1 $0x1082;
	[sflag:s4] =	ssyncset.s32 $0xFFFFF086  }
0x25: {  	[simem:s6], [sflag:s4] =	dma.local [hbm:s3], $0xF7A  }
0x26: {  	[smem:$0x3F96] =	sst s1;
	(tag) =	ssettag s2;
	_ =	strace s9  }
0x27: {  	s1 =	sld [smem:$0x3FA6]  }
0x28: {  	s2 =	sld [smem:$0x3FA7]  }
0x29: {  	s4 =	sld [smem:$0x3FA9]  }
0x2a: {  	p0 =	seq.s32 s5, $0x0;
	s5 =	sld [smem:$0x3FAA]  }
0x2b: {  	s6 =	sld [smem:$0x3FAB]  }
0x2c: {  	s7 =	sld [smem:$0x3FAC]  }
0x2d: {  	s3 =	simm.s32 $0x108;
	s8 =	sld [smem:$0x3FAD]  }
0x2e: {  	s3 =	simm.s32 @!p0 $0x1082;
	s9 =	sld [smem:$0x3FAE]  }
0x2f: {  	lr =	sadd.s32 s0, s3;
	s0 =	sld [smem:$0x3FA5]  }
0x30: {  	s3 =	sld [smem:$0x3FA8]  }
0x31: {  	[smem:$0x3FB1] =	sst s10  }
0x32: {  	s10 =	sld [smem:$0x3FAF];
	_ =	sdelay $0x3  }
0x33: {  	p0 =	seq.s32 s10, $0x1;
	s10 =	sld [smem:$0x3FB1];
	_ =	sdelay $0x3  }
0x34: {  	[smem:$0x3FB1] =	sst s10  }
0x35: {  	s10 =	sld [smem:$0x3FB0];
	_ =	sdelay $0x3  }
0x36: {  	p1 =	seq.s32 s10, $0x1;
	s10 =	sld [smem:$0x3FB1];
	_ =	sdelay $0x3  }
0x37: {  	[smem:$0x3FB1] =	sst s10  }
0x38: {  	s10 =	sld [smem:$0x3FB2]  }
0x39: {  	_ = 	snop;
	(pc) =	sbr.ind lr, $3  }
0x3a: {  	_ = 	snop  }
0x3b: {  	_ = 	snop  }
0x3c: {  	p2 =	seq.s32 s10, $0x1;
	s10 =	sld [smem:$0x3FB1]  }
0x3d: {  	_ =	shalt  }
0x3e: {  	_ =	shalt  }
0x3f: {  	_ =	shalt  }
0x40: {  	_ =	shalt  }
0x41: {  	_ =	shalt  }
0x42: {  	_ =	shalt  }
0x43: {  	_ =	shalt  }
0x44: {  	_ =	shalt  }
0x45: {  	_ =	shalt  }
0x46: {  	_ =	shalt  }
0x47: {  	_ =	shalt  }
0x48: {  	_ =	shalt  }
0x49: {  	_ =	shalt  }
0x4a: {  	_ =	shalt  }
0x4b: {  	_ =	shalt  }
0x4c: {  	_ =	shalt  }
0x4d: {  	_ =	shalt  }
0x4e: {  	_ =	shalt  }
0x4f: {  	_ =	shalt  }
0x50: {  	_ =	shalt  }
0x51: {  	_ =	shalt  }
0x52: {  	_ =	shalt  }
0x53: {  	_ =	shalt  }
0x54: {  	_ =	shalt  }
0x55: {  	_ =	shalt  }
0x56: {  	_ =	shalt  }
0x57: {  	_ =	shalt  }
0x58: {  	_ =	shalt  }
0x59: {  	_ =	shalt  }
0x5a: {  	_ =	shalt  }
0x5b: {  	_ =	shalt  }
0x5c: {  	_ =	shalt  }
0x5d: {  	_ =	shalt  }
0x5e: {  	_ =	shalt  }
0x5f: {  	_ =	shalt  }
0x60: {  	_ =	shalt  }
0x61: {  	_ =	shalt  }
0x62: {  	_ =	shalt  }
0x63: {  	_ =	shalt  }
0x64: {  	_ =	shalt  }
0x65: {  	_ =	shalt  }
0x66: {  	_ =	shalt  }
0x67: {  	_ =	shalt  }
0x68: {  	_ =	shalt  }
0x69: {  	_ =	shalt  }
0x6a: {  	_ =	shalt  }
0x6b: {  	_ =	shalt  }
0x6c: {  	_ =	shalt  }
0x6d: {  	_ =	shalt  }
0x6e: {  	_ =	shalt  }
0x6f: {  	_ =	shalt  }
0x70: {  	_ =	shalt  }
0x71: {  	_ =	shalt  }
0x72: {  	_ =	shalt  }
0x73: {  	_ =	shalt  }
0x74: {  	_ =	shalt  }
0x75: {  	_ =	shalt  }
0x76: {  	_ =	shalt  }
0x77: {  	_ =	shalt  }
0x78: {  	_ =	shalt  }
0x79: {  	_ =	shalt  }
0x7a: {  	_ =	shalt  }
0x7b: {  	_ =	shalt  }
0x7c: {  	_ =	shalt  }
0x7d: {  	_ =	shalt  }
0x7e: {  	_ =	shalt  }
0x7f: {  	_ =	shalt  }
0x80: {  	_ =	shalt  }
0x81: {  	_ =	shalt  }
0x82: {  	_ =	shalt  }
0x83: {  	_ =	shalt  }
0x84: {  	_ =	shalt  }
0x85: {  	_ =	shalt  }
0x86: {  	_ =	shalt  }
0x87: {  	_ =	shalt  }
.Lfunc_end0:
.L_simem_size_0:
called_computation_lowered:
.L_overlay_start_0:
0x88: {  	s2 =	sld [smem:$0x3FD9]  }
0x89: {  	s3 =	sld [smem:$0x3FFE];
	_ =	sdelay $0x1  }
0x8a: {  	s1 =	srdreg.scid  }
0x8b: {  	s0 =	sand.u32 $0x1, s1  }
0x8c: {  	s14 =	sshll.u32 s0, $0xA;
	s2 =	sadd.s32 s3, s2  }
0x8d: {  	s2 =	sadd.s32 s2, s14  }
0x8e: {  	[smem:$0x3FBD] =	sst s2  }
0x8f: {  	_ = 	snop  }
0x90: {  	s2 =	sld [smem:$0x3FD0];
	_ =	sdelay $0x2  }
0x91: {  	s4 =	simm.s32 $0xA;
	s5 =	simm.s32 $0x10;
	s15 =	sld [smem:$0x3FC7]  }
0x92: {  	[smem:s5], [sflag:s4] =	dma.local [hbm:s2], $0x1  }
0x93: {  	_ =	swait.eq [sflag:s4], $0x1  }
0x94: {  	[sflag:s4] =	ssyncset.done $0x0  }
0x95: {  	s16 =	sld [smem:$0x10];
	[sflag:s4] =	ssyncadd.s32 $0xFFFFFFFF  }
0x96: {  	s17 =	sld [smem:$0x11];
	(tm) =	ssettm $0x1  }
0x97: {  	s18 =	sld [smem:$0x3FFB];
	_ =	sdelay $0x3  }
0x98: {  	_ =	strace s18  }
0x99: {  	s5 =	sld [smem:$0x3FFC];
	_ =	sdelay $0x3  }
0x9a: {  	_ =	strace s5  }
0x9b: {  	s5 =	sld [smem:$0x3FFD];
	_ =	sdelay $0x3  }
0x9c: {  	_ =	strace s5  }
0x9d: {  	_ =	strace $0x8FFFFFFF  }
0x9e: {  	s19 =	sld [smem:$0x3FDB];
	_ =	sdelay $0x1  }
0x9f: {  	s6 =	simm.s32 $_scs_section_size  }
0xa0: {  	s7 =	simm.s32 $_size__tile_overlayer_lowered;
	s8 =	simm.s32 $_tile_overlayer_lowered  }
0xa1: {  	s22 =	simm.s32 $0x1BFF;
	s21 =	sshll.u32 s8, $0x1;
	s5 =	sadd.s32 s6, s19  }
0xa2: {  	s9 =	simm.s32 $0x0;
	s20 =	sshll.u32 s7, $0x1;
	s7 =	sadd.s32 s21, s5  }
0xa3: {  	[timem:s9], [sflag:s22] =	dma.local [hbm:s7], s20  }
0xa4: {  	_ =	swait.ge [sflag:s22], s20  }
0xa5: {  	s6 =	ssub.s32 $0x0, s20;
	[sflag:s22] =	ssyncset.done $0x0  }
0xa6: {  	[sflag:s22] =	ssyncadd.s32 s6;
	_ =	sdelay $0x1  }
0xa7: {  	s23 =	simm.s32 $0x1B8B  }
0xa8: {  	_ =	swait.ge [sflag:s23], $0x1  }
0xa9: {  	[sflag:s23] =	ssyncset.done $0x0  }
0xaa: {  	s25 =	simm.s32 $0x1B8E;
	s24 =	sld [smem:$0x3FFE];
	[sflag:s23] =	ssyncadd.s32 $0xFFFFFFFF  }
0xab: {  	s26 =	simm.s32 $execute0_lowered;
	[smem:$0x3FD2] =	sst s25  }
0xac: {  	s7 =	sshll.u32 s26, $0x1;
	_ =	strace $0x80000046;
	[dreg:$0x1] =	wrdreg $0xFFFFFFFF  }
0xad: {  	s28 =	simm.s32 $_size_execute0_lowered;
	s5 =	sadd.s32 s5, s7;
	[dreg:$0x0] =	wrdreg $0x0  }
0xae: {  	s7 =	sshll.u32 s28, $0x1;
	[dreg:$0x2] =	wrdreg s5  }
0xaf: {  	[dreg:$0x3] =	wrdreg s7  }
0xb0: {  	[dreg:$0x4] =	wrdreg $0xC0  }
0xb1: {  	_ =	task [dreg:s9], $0x5FFFF  }
0xb2: {  	[dreg:$0x1] =	wrdreg $0xFFFFFFFF  }
0xb3: {  	[dreg:$0x0] =	wrdreg $0x60  }
0xb4: {  	[dreg:$0x2] =	wrdreg s16  }
0xb5: {  	[dreg:$0x3] =	wrdreg s24  }
0xb6: {  	[dreg:$0x4] =	wrdreg s15  }
0xb7: {  	[dreg:$0x5] =	wrdreg s17  }
0xb8: {  	[dreg:$0x6] =	wrdreg $0x9  }
0xb9: {  	_ =	task.clear_ibuf [dreg:s9], $0x7FFFF;
	_ =	strace $0x90000046  }
0xba: {  	s29 =	simm.s32 $0x9;
	_ =	strace $0x80000048  }
0xbb: {  	_ =	swait.ge [sflag:s29], $0x1  }
0xbc: {  	[sflag:s29] =	ssyncadd.s32 $0xFFFFFFFF  }
0xbd: {  	_ =	strace $0x90000048  }
0xbe: {  	_ =	sfence  }
0xbf: {  	s30 =	sld [smem:$0x0];
	_ =	sdelay $0x2  }
0xc0: {  	s31 =	sshll.u32 s1, $0xD;
	s1 =	sshrl.u32 s1, $0x2  }
0xc1: {  	s3 =	sand.u32 $0x4000, s31;
	s1 =	sadd.s32 s1, s30  }
0xc2: {  	s0 =	sor.u32 s3, s0;
	s1 =	sshll.u32 s1, $0x11  }
0xc3: {  	s0 =	sor.u32 s1, s0  }
0xc4: {  	s0 =	sadd.s32 $0x8F2B, s0  }
0xc5: {  	[sflag:s0] =	ssyncadd.remote.s32 $0x1  }
0xc6: {  	_ =	sfence.sel $0xFFFF  }
0xc7: {  	[dreg:$0x0] =	wrdreg $0xFFFFFFFF;
	(pc) =	sbr.abs _section_cstart, $3  }
0xc8: {  	[dreg:$0x1] =	wrdreg $0xFFFFFFFF  }
0xc9: {  	_ =	task.clear_ibuf [dreg:s9], $0x2FFFF;
	_ =	strace $0x9FFFFFFF  }
0xca: {  	(tm) =	ssettm $0x7FFFFFFF  }
0xcb: {  	_ =	shalt  }
tec
execute0_lowered:
.L_overlay_start_1:
0x0: {  	(tag) =	ssettag $0x1  }
0x1: {  	s0 =	rddreg [dreg:$0x1];
	s4 =	simm.s32 $0x0;
	s30 =	srdreg.scid  }
0x2: {  	s7 =	stileid.u32;
	s17 =	simm.s32 $0x1;
	s19 =	simm.s32 $0x1C040  }
0x3: {  	s22 =	simm.s32 $0x1A740;
	s23 =	simm.s32 $0x1AD80;
	s24 =	simm.s32 $0x1B3C0  }
0x4: {  	s25 =	simm.s32 $0x1BA00;
	s28 =	simm.s32 $0x0;
	[smem:$0x7FF] =	sst s4  }
0x5: {  	s5 =	sadd.s32 $0xC5A00, s0;
	s6 =	sadd.s32 $0x2400, s0;
	s1 =	sadd.s32 $0x189000, s0  }
0x6: {  	_ =	strace $0x80000047;
	[dreg:$0x5] =	wrdreg s1;
	s1 =	sand.u32 $0x1, s30  }
0x7: {  	s8 =	sadd.s32 $0x189200, s0;
	s9 =	sadd.s32 $0x24C800, s0;
	s2 =	ssub.s32 $0x2, s1  }
0x8: {  	s10 =	sadd.s32 $0x30FE00, s0;
	s12 =	sadd.s32 $0x3D3400, s0;
	s3 =	sshrl.u32 s2, $0x1  }
0x9: {  	s13 =	sadd.s32 $0x496A00, s0;
	s1 =	sshll.u32 s1, $0x4;
	s31 =	ssub.s32 s2, s3  }
0xa: {  	v0 =	vlaneseq.u32;
	s14 =	sadd.s32 $0x55A000, s0;
	s1 =	sor.u32 s7, s1;
	s0 =	smax.u32 s31, $0x1  }
0xb: {  	v1 =	vimm.f32 $0.0e+00;
	v0 =	vmul.u32 $0x8, v0;
	s15 =	smul.u32 $0x30D40, s1;
	s1 =	simm.s32 $0x0;
	[dreg:$0x6] =	wrdreg s0  }
.LBB2_1:
0xc: {  	[dreg:$0x7] =	wrdreg s1  }
0xd: {  	s0 =	rddreg [dreg:$0x0]  }
0xe: {  	[tilespmem:s4], [sflag:$0x1] =	stream.linear.gather [hbm4b:s0+s4], $0x18800, $0x38;
	[tilespmem:$0x1F250] =	vst v63  }
0xf: {  	_ =	swait.ge [sflag:s17], $0x18800  }
0x10: {  	[sflag:s17] =	ssyncset.done $0x0  }
0x11: {  	s31 =	simm.s32 $0x1F240;
	v2 =	vmov s4;
	s30 =	rddreg [dreg:$0x5];
	[sflag:s17] =	ssyncadd.s32 $0xFFFE7800  }
0x12: {  	v2 =	vshll.u32 v2, $0x3;
	[tilespmem:s31], [sflag:$0x1] =	stream.linear.gather [hbm4b:s30+s4], $0x10, $0x38;
	[tilespmem:$0x1F250] =	vst v63  }
0x13: {  	v3 =	vor.u32 v0, v2;
	_ =	swait.ge [sflag:s17], $0x10  }
0x14: {  	v2 =	vor.u32 $0x6, v3;
	[sflag:s17] =	ssyncset.done $0x0  }
0x15: {  	s0 =	simm.s32 $0x10;
	v3 =	vor.u32 $0x7, v3;
	[sflag:s17] =	ssyncadd.s32 $0xFFFFFFF0  }
.LBB2_2:
0x16: {  	p0 =	sne.s32 s0, $0x630  }
.Ltmp0:
0x17: {  	v4 =	vmov s0;
	(pc) =	sbr.rel @p0 .LBB2_2-.Ltmp0, $4  }
0x18: {  	s0 =	sadd.s32 $0x10, s0;
	v4 =	vshll.u32 v4, $0x3  }
0x19: {  	v4 =	vor.u32 v0, v4;
	[tilespmem:v2+s19+$0x0] =	vst.idx.msk $0xffff, v1  }
0x1a: {  	v2 =	vor.u32 $0x6, v4;
	[tilespmem:v3+s19+$0x0] =	vst.idx.msk $0xffff, v1  }
0x1b: {  	v3 =	vor.u32 $0x7, v4  }
0x1c: {  	_ =	sdelay $0x3  }
0x1d: {  	[tilespmem:v2+s19+$0x0] =	vst.idx.msk $0xffff, v1  }
0x1e: {  	[tilespmem:v3+s19+$0x0] =	vst.idx.msk $0xffff, v1  }
0x1f: {  	v17 =	vld [tilespmem:$0x1F240];
	_ =	sdelay $0x4  }
0x20: {  	v2 =	vbroadcast v17, $0x0;
	v3 =	vbroadcast v17, $0x2  }
0x21: {  	v4 =	vbroadcast v17, $0x1;
	v5 =	vbroadcast v17, $0x3  }
0x22: {  	v6 =	vbroadcast v17, $0x4;
	v7 =	vbroadcast v17, $0x5  }
0x23: {  	v8 =	vbroadcast v17, $0xC;
	v9 =	vbroadcast v17, $0x6  }
0x24: {  	v10 =	vbroadcast v17, $0x7;
	v11 =	vbroadcast v17, $0xD  }
0x25: {  	v12 =	vbroadcast v17, $0x8;
	v13 =	vbroadcast v17, $0x9  }
0x26: {  	v14 =	vbroadcast v17, $0xE;
	v15 =	vbroadcast v17, $0xA  }
0x27: {  	s29 =	simm.s32 $0x0;
	v16 =	vbroadcast v17, $0xB;
	v17 =	vbroadcast v17, $0xF  }
.LBB2_4:
0x28: {  	s0 =	smul.u32 $0x640, s29;
	_ =	sdelay $0x1  }
0x29: {  	s30 =	sadd.s32 s15, s0  }
0x2a: {  	s31 =	sshrl.u32 s30, $0x3  }
0x2b: {  	s1 =	simm.s32 $0x18800;
	s18 =	sadd.s32 s5, s31  }
0x2c: {  	[tilespmem:s1], [sflag:$0x1] =	stream.linear.gather [hbm4b:s18+s28], $0x640, $0x38;
	[tilespmem:$0x1F250] =	vst v63  }
0x2d: {  	_ =	swait.ge [sflag:s17], $0x640  }
0x2e: {  	[sflag:s17] =	ssyncset.done $0x0  }
0x2f: {  	s2 =	simm.s32 $0x18E40;
	s20 =	sadd.s32 s6, s31;
	[sflag:s17] =	ssyncadd.s32 $0xFFFFF9C0  }
0x30: {  	[tilespmem:s2], [sflag:$0x1] =	stream.linear.gather [hbm4b:s20+s28], $0x640, $0x38;
	[tilespmem:$0x1F250] =	vst v63  }
0x31: {  	_ =	swait.ge [sflag:s17], $0x640  }
0x32: {  	[sflag:s17] =	ssyncset.done $0x0  }
0x33: {  	[sflag:s17] =	ssyncadd.s32 $0xFFFFF9C0  }
0x34: {  	s21 =	rddreg [dreg:$0x2]  }
0x35: {  	s3 =	simm.s32 $0x19480;
	s0 =	sadd.s32 s21, s31  }
0x36: {  	[tilespmem:s3], [sflag:$0x1] =	stream.linear.gather [hbm4b:s0+s28], $0x640, $0x38;
	[tilespmem:$0x1F250] =	vst v63  }
0x37: {  	_ =	swait.ge [sflag:s17], $0x640  }
0x38: {  	[sflag:s17] =	ssyncset.done $0x0  }
0x39: {  	[sflag:s17] =	ssyncadd.s32 $0xFFFFF9C0  }
0x3a: {  	v18 =	vld [tilespmem:s2+$0x0]  }
0x3b: {  	v19 =	vld [tilespmem:s1+$0x0];
	_ =	sdelay $0x6  }
0x3c: {  	v18 =	vld.idx.msk [tilespmem:v18+s4+$0x0], $0xffff  }
0x3d: {  	v19 =	vld.idx.msk [tilespmem:v19+s4+$0x0], $0xffff;
	_ =	sdelay $0x3  }
0x3e: {  	v20 =	vand.u32 $0xFFFF0000, v18  }
0x3f: {  	v21 =	vshll.u32 v19, $0x10;
	v18 =	vshll.u32 v18, $0x10;
	v19 =	vand.u32 $0xFFFF0000, v19  }
0x40: {  	v18 =	vadd.f32 v18, v21;
	v19 =	vadd.f32 v20, v19  }
0x41: {  	v20 =	vld [tilespmem:s3+$0x0]  }
0x42: {  	v21 =	vmul.f32 v18, v6;
	v22 =	vmul.f32 v19, v7  }
0x43: {  	v23 =	vmul.f32 v18, v9;
	v24 =	vmul.f32 v19, v10  }
0x44: {  	v25 =	vmul.f32 v19, v13;
	v21 =	vadd.f32 v22, v21;
	v22 =	vmul.f32 v18, v12  }
0x45: {  	v19 =	vmul.f32 v19, v16;
	v23 =	vadd.f32 v24, v23  }
0x46: {  	v24 =	vmul.f32 v20, v4;
	v21 =	vadd.f32 v21, v8;
	v22 =	vadd.f32 v25, v22  }
0x47: {  	v20 =	vmul.f32 v20, v2;
	v25 =	vmul.f32 v18, v15;
	v23 =	vadd.f32 v23, v11  }
0x48: {  	v18 =	vmax.f32 v21, $0.0e+00;
	v21 =	vadd.f32 v22, v14;
	v22 =	vadd.f32 v24, v5  }
0x49: {  	s26 =	simm.s32 $0x1AD80;
	v24 =	vadd.f32 v19, v25;
	v19 =	vmax.f32 v23, $0.0e+00;
	v23 =	vmov s28  }
0x4a: {  	v25 =	vadd.f32 v20, v3;
	[tilespmem:s26+$0xFFFFF9C0] =	vst v18;
	v23 =	vshll.u32 v23, $0x3  }
0x4b: {  	[tilespmem:s26+$0x0] =	vst v19;
	v20 =	vmax.f32 v21, $0.0e+00;
	v21 =	vadd.f32 v24, v17;
	v23 =	vor.u32 v0, v23  }
0x4c: {  	s11 =	simm.s32 $0x10;
	v22 =	vmax.f32 v22, $0.0e+00;
	v27 =	vmax.f32 v25, $0.0e+00;
	[tilespmem:s26+$0x640] =	vst v20;
	v25 =	vor.u32 $0x1, v23  }
0x4d: {  	s7 =	simm.s32 $0x19490;
	s16 =	simm.s32 $0x20;
	s18 =	simm.s32 $0x18E50;
	[tilespmem:s26+$0xFFFFF380] =	vst v22;
	v26 =	vor.u32 $0x2, v23  }
0x4e: {  	s20 =	simm.s32 $0x1ADA0;
	s0 =	simm.s32 $0x1AD90;
	s1 =	simm.s32 $0x18810;
	[tilespmem:s26+$0xFFFFED40] =	vst v27;
	v28 =	vor.u32 $0x3, v23;
	v21 =	vmax.f32 v21, $0.0e+00  }
0x4f: {  	s2 =	simm.s32 $0x18E50;
	s3 =	simm.s32 $0x18810;
	v24 =	vor.u32 $0x5, v23;
	v29 =	vor.u32 $0x4, v23;
	[tilespmem:s26+$0xC80] =	vst v21;
	s26 =	simm.s32 $0x19490  }
.LBB2_5:
0x50: {  	s1 =	sadd.s32 $0x10, s1;
	s18 =	sadd.s32 $0x10, s18;
	s7 =	sadd.s32 $0x10, s7;
	[tilespmem:v23+s19+$0x0] =	vst.idx.msk $0xffff, v27  }
0x51: {  	p0 =	sne.s32 s16, $0x630;
	s21 =	smov.u32 s16;
	s16 =	sadd.s32 $0x10, s16;
	[tilespmem:v25+s19+$0x0] =	vst.idx.msk $0xffff, v22  }
0x52: {  	[tilespmem:v26+s19+$0x0] =	vst.idx.msk $0xffff, v18  }
0x53: {  	[tilespmem:v28+s19+$0x0] =	vst.idx.msk $0xffff, v19  }
0x54: {  	[tilespmem:v29+s19+$0x0] =	vst.idx.msk $0xffff, v20  }
0x55: {  	[tilespmem:v24+s19+$0x0] =	vst.idx.msk $0xffff, v21  }
0x56: {  	v18 =	vld [tilespmem:s2+$0x0];
	s2 =	smov.u32 s18  }
0x57: {  	v19 =	vld [tilespmem:s3+$0x0];
	s3 =	smov.u32 s1;
	_ =	sdelay $0x6  }
0x58: {  	v18 =	vld.idx.msk [tilespmem:v18+s4+$0x0], $0xffff  }
0x59: {  	v19 =	vld.idx.msk [tilespmem:v19+s4+$0x0], $0xffff;
	_ =	sdelay $0x1  }
0x5a: {  	v20 =	vld [tilespmem:s26+$0x0];
	s26 =	smov.u32 s7;
	_ =	sdelay $0x2  }
0x5b: {  	v21 =	vand.u32 $0xFFFF0000, v18  }
0x5c: {  	v18 =	vshll.u32 v18, $0x10;
	v22 =	vshll.u32 v19, $0x10;
	v19 =	vand.u32 $0xFFFF0000, v19  }
0x5d: {  	v18 =	vadd.f32 v18, v22;
	v19 =	vadd.f32 v21, v19;
	v21 =	vmul.f32 v20, v2  }
0x5e: {  	v20 =	vmul.f32 v20, v4  }
0x5f: {  	v22 =	vmul.f32 v19, v7;
	v24 =	vadd.f32 v21, v3;
	v21 =	vmul.f32 v18, v6  }
0x60: {  	v23 =	vmul.f32 v19, v10;
	v25 =	vadd.f32 v20, v5;
	v20 =	vmul.f32 v18, v9  }
0x61: {  	v26 =	vmul.f32 v19, v13;
	v21 =	vadd.f32 v22, v21;
	v22 =	vmul.f32 v18, v12  }
0x62: {  	v19 =	vmul.f32 v19, v16;
	v20 =	vadd.f32 v23, v20;
	v18 =	vmul.f32 v18, v15  }
0x63: {  	v21 =	vadd.f32 v21, v8;
	v22 =	vadd.f32 v26, v22  }
0x64: {  	v20 =	vadd.f32 v20, v11;
	v23 =	vadd.f32 v19, v18  }
0x65: {  	v18 =	vmax.f32 v21, $0.0e+00;
	v21 =	vadd.f32 v22, v14;
	v22 =	vmov s11;
	s11 =	smov.u32 s21  }
0x66: {  	v19 =	vmax.f32 v20, $0.0e+00;
	v26 =	vadd.f32 v23, v17;
	[tilespmem:s0+$0xFFFFF9C0] =	vst v18;
	v22 =	vshll.u32 v22, $0x3  }
.Ltmp1:
0x67: {  	v20 =	vmax.f32 v21, $0.0e+00;
	[tilespmem:s0+$0x0] =	vst v19;
	v23 =	vor.u32 v0, v22;
	(pc) =	sbr.rel @p0 .LBB2_5-.Ltmp1, $4  }
0x68: {  	v22 =	vmax.f32 v25, $0.0e+00;
	v21 =	vmax.f32 v26, $0.0e+00;
	[tilespmem:s0+$0x640] =	vst v20;
	v25 =	vor.u32 $0x1, v23  }
0x69: {  	v27 =	vmax.f32 v24, $0.0e+00;
	v26 =	vor.u32 $0x2, v23;
	v24 =	vor.u32 $0x5, v23;
	[tilespmem:s0+$0xFFFFF380] =	vst v22  }
0x6a: {  	v28 =	vor.u32 $0x3, v23;
	[tilespmem:s0+$0xFFFFED40] =	vst v27  }
0x6b: {  	v29 =	vor.u32 $0x4, v23;
	[tilespmem:s0+$0xC80] =	vst v21;
	s0 =	smov.u32 s20;
	s20 =	sadd.s32 $0x10, s20  }
0x6c: {  	_ =	sdelay $0x3  }
0x6d: {  	[tilespmem:v23+s19+$0x0] =	vst.idx.msk $0xffff, v27  }
0x6e: {  	[tilespmem:v25+s19+$0x0] =	vst.idx.msk $0xffff, v22  }
0x6f: {  	[tilespmem:v26+s19+$0x0] =	vst.idx.msk $0xffff, v18  }
0x70: {  	[tilespmem:v28+s19+$0x0] =	vst.idx.msk $0xffff, v19  }
0x71: {  	[tilespmem:v29+s19+$0x0] =	vst.idx.msk $0xffff, v20  }
0x72: {  	[tilespmem:v24+s19+$0x0] =	vst.idx.msk $0xffff, v21  }
0x73: {  	v18 =	vld [tilespmem:s2+$0x0]  }
0x74: {  	v19 =	vld [tilespmem:s3+$0x0];
	_ =	sdelay $0x6  }
0x75: {  	v18 =	vld.idx.msk [tilespmem:v18+s4+$0x0], $0xffff  }
0x76: {  	v19 =	vld.idx.msk [tilespmem:v19+s4+$0x0], $0xffff;
	_ =	sdelay $0x1  }
0x77: {  	v20 =	vld [tilespmem:s26+$0x0];
	_ =	sdelay $0x1  }
0x78: {  	v49 =	vand.u32 $0xFFFF0000, v18  }
0x79: {  	v50 =	vshll.u32 v19, $0x10;
	v18 =	vshll.u32 v18, $0x10;
	v19 =	vand.u32 $0xFFFF0000, v19  }
0x7a: {  	v18 =	vadd.f32 v18, v50;
	v19 =	vadd.f32 v49, v19  }
0x7b: {  	v51 =	vmul.f32 v20, v4;
	v20 =	vmul.f32 v20, v2  }
0x7c: {  	v57 =	vmov s11;
	v22 =	vmul.f32 v18, v6;
	v52 =	vmul.f32 v19, v7  }
0x7d: {  	v21 =	vadd.f32 v51, v5;
	v53 =	vmul.f32 v18, v9;
	v54 =	vmul.f32 v19, v10  }
0x7e: {  	v20 =	vadd.f32 v20, v3;
	v55 =	vmul.f32 v18, v12;
	v56 =	vmul.f32 v19, v13  }
0x7f: {  	v58 =	vshll.u32 v57, $0x3;
	v22 =	vadd.f32 v52, v22;
	v24 =	vadd.f32 v54, v53  }
0x80: {  	v18 =	vmul.f32 v18, v15;
	v19 =	vmul.f32 v19, v16;
	v23 =	vadd.f32 v56, v55  }
0x81: {  	v21 =	vmax.f32 v21, $0.0e+00;
	v22 =	vadd.f32 v22, v8;
	v24 =	vadd.f32 v24, v11  }
0x82: {  	v20 =	vmax.f32 v20, $0.0e+00;
	[tilespmem:s0+$0xFFFFF380] =	vst v21;
	v18 =	vadd.f32 v19, v18;
	v23 =	vadd.f32 v23, v14  }
0x83: {  	[tilespmem:s0+$0xFFFFED40] =	vst v20;
	v22 =	vmax.f32 v22, $0.0e+00;
	v19 =	vmax.f32 v24, $0.0e+00;
	v24 =	vor.u32 v0, v58  }
0x84: {  	v18 =	vadd.f32 v18, v17;
	[tilespmem:s0+$0xFFFFF9C0] =	vst v22;
	v59 =	vor.u32 $0x1, v24  }
0x85: {  	v23 =	vmax.f32 v23, $0.0e+00;
	[tilespmem:s0+$0x0] =	vst v19;
	v60 =	vor.u32 $0x2, v24  }
0x86: {  	v18 =	vmax.f32 v18, $0.0e+00;
	[tilespmem:s0+$0x640] =	vst v23;
	v61 =	vor.u32 $0x3, v24  }
0x87: {  	[tilespmem:s0+$0xC80] =	vst v18;
	v62 =	vor.u32 $0x4, v24  }
0x88: {  	v63 =	vor.u32 $0x5, v24;
	[tilespmem:v24+s19+$0x0] =	vst.idx.msk $0xffff, v20  }
0x89: {  	[tilespmem:v59+s19+$0x0] =	vst.idx.msk $0xffff, v21  }
0x8a: {  	[tilespmem:v60+s19+$0x0] =	vst.idx.msk $0xffff, v22  }
0x8b: {  	[tilespmem:v61+s19+$0x0] =	vst.idx.msk $0xffff, v19  }
0x8c: {  	[tilespmem:v62+s19+$0x0] =	vst.idx.msk $0xffff, v23  }
0x8d: {  	s7 =	sadd.s32 s8, s31;
	s1 =	simm.s32 $0x19AC0;
	[tilespmem:v63+s19+$0x0] =	vst.idx.msk $0xffff, v18  }
0x8e: {  	[hbm4b:s7+s4] =	stream.linear.scatter [tilespmem:s1], [sflag:$0x1], $0x640, $0x38;
	[tilespmem:$0x1F250] =	vst v63  }
0x8f: {  	_ =	swait.ge [sflag:s17], $0x640  }
0x90: {  	[sflag:s17] =	ssyncset.done $0x0  }
0x91: {  	s11 =	sadd.s32 s9, s31;
	s16 =	simm.s32 $0x1A100;
	[sflag:s17] =	ssyncadd.s32 $0xFFFFF9C0  }
0x92: {  	[hbm4b:s11+s4] =	stream.linear.scatter [tilespmem:s16], [sflag:$0x1], $0x640, $0x38;
	[tilespmem:$0x1F250] =	vst v63  }
0x93: {  	_ =	swait.ge [sflag:s17], $0x640  }
0x94: {  	[sflag:s17] =	ssyncset.done $0x0  }
0x95: {  	s18 =	sadd.s32 s10, s31;
	[sflag:s17] =	ssyncadd.s32 $0xFFFFF9C0  }
0x96: {  	[hbm4b:s18+s4] =	stream.linear.scatter [tilespmem:s22], [sflag:$0x1], $0x640, $0x38;
	[tilespmem:$0x1F250] =	vst v63  }
0x97: {  	_ =	swait.ge [sflag:s17], $0x640  }
0x98: {  	[sflag:s17] =	ssyncset.done $0x0  }
0x99: {  	s20 =	sadd.s32 s12, s31;
	[sflag:s17] =	ssyncadd.s32 $0xFFFFF9C0  }
0x9a: {  	[hbm4b:s20+s4] =	stream.linear.scatter [tilespmem:s23], [sflag:$0x1], $0x640, $0x38;
	[tilespmem:$0x1F250] =	vst v63  }
0x9b: {  	_ =	swait.ge [sflag:s17], $0x640  }
0x9c: {  	[sflag:s17] =	ssyncset.done $0x0  }
0x9d: {  	s21 =	sadd.s32 s13, s31;
	[sflag:s17] =	ssyncadd.s32 $0xFFFFF9C0  }
0x9e: {  	[hbm4b:s21+s4] =	stream.linear.scatter [tilespmem:s24], [sflag:$0x1], $0x640, $0x38;
	[tilespmem:$0x1F250] =	vst v63  }
0x9f: {  	_ =	swait.ge [sflag:s17], $0x640  }
0xa0: {  	[sflag:s17] =	ssyncset.done $0x0  }
0xa1: {  	s26 =	sadd.s32 s14, s31;
	[sflag:s17] =	ssyncadd.s32 $0xFFFFF9C0  }
0xa2: {  	[hbm4b:s26+s4] =	stream.linear.scatter [tilespmem:s25], [sflag:$0x1], $0x640, $0x38;
	[tilespmem:$0x1F250] =	vst v63  }
0xa3: {  	_ =	swait.ge [sflag:s17], $0x640  }
0xa4: {  	[sflag:s17] =	ssyncset.done $0x0  }
0xa5: {  	s29 =	sadd.s32 $0x1, s29;
	[sflag:s17] =	ssyncadd.s32 $0xFFFFF9C0  }
0xa6: {  	p0 =	sne.s32 s29, $0x7D;
	s31 =	rddreg [dreg:$0x3]  }
.Ltmp2:
0xa7: {  	s0 =	sadd.s32 s31, s30;
	(pc) =	sbr.rel @p0 .LBB2_4-.Ltmp2, $4  }
0xa8: {  	[hbm4b:s0+s4] =	stream.linear.scatter [tilespmem:s19], [sflag:$0x1], $0x3200, $0x38;
	[tilespmem:$0x1F250] =	vst v63  }
0xa9: {  	_ =	swait.ge [sflag:s17], $0x3200  }
0xaa: {  	[sflag:s17] =	ssyncset.done $0x0  }
0xab: {  	[sflag:s17] =	ssyncadd.s32 $0xFFFFCE00  }
0xac: {  	s1 =	rddreg [dreg:$0x7]  }
0xad: {  	s0 =	rddreg [dreg:$0x6];
	s1 =	sadd.s32 $0x1, s1  }
0xae: {  	p0 =	sne.s32 s1, s0  }
.Ltmp3:
0xaf: {  	_ = 	snop;
	(pc) =	sbr.rel @p0 .LBB2_1-.Ltmp3, $1  }
0xb0: {  	_ =	sdelay $0x3  }
0xb1: {  	_ =	sfence.sel $0x180000  }
0xb2: {  	[bflag:$0x0] =	sbarrier.arrive $0xFFFF  }
0xb3: {  	_ =	strace $0x90000047  }
0xb4: {  	s0 =	stileid.u32;
	[bflag:$0x2] =	sbarrier.arrive $0xFFFF  }
0xb5: {  	p0 =	sne.s32 s0, $0x0;
	s0 =	rddreg [dreg:$0x4]  }
0xb6: {  	s0 =	sadd.s32 @!p0 $0x100000, s0  }
0xb7: {  	[sflag:s0] =	ssyncadd.tile.s32 @!p0 $0x1;
	_ =	shalt  }
.Lfunc_end2:
_tile_overlayer_lowered:
.L_overlay_start_2:
0xb8: {  	(tag) =	ssettag $0x2  }
0xb9: {  	s0 =	rddreg [dreg:$0x0];
	s2 =	stileid.u32  }
0xba: {  	s1 =	rddreg [dreg:$0x1];
	p0 =	sne.s32 s2, $0x0  }
0xbb: {  	s3 =	rddreg [dreg:$0x2];
	[bflag:$0x3] =	sbarrier.arrive $0xFFFF;
	s2 =	simm.s32 @!p0 $0x1C01  }
0xbc: {  	[timem:s3], [sflag:s2] =	dma.local @!p0 [hbm:s0], s1  }
0xbd: {  	s0 =	simm.s32 @!p0 $0x1  }
0xbe: {  	_ =	swait.ge @!p0 [sflag:s0], s1  }
0xbf: {  	s1 =	ssub.s32 @!p0 $0x0, s1;
	[sflag:s0] =	ssyncset.done @!p0 $0x0  }
0xc0: {  	[sflag:s0] =	ssyncadd.s32 @!p0 s1  }
0xc1: {  	[bflag:$0x3] =	sbarrier.arrive $0xFFFF  }
0xc2: {  	_ =	shalt  }

// kernel: kernel.8.cloned.1.call-start
scs
__scs_entry_jumppad:
0x0: {  	(pc) =	sbr.rel $0x88, $3  }
0x1: {  	(tag) =	ssettag $0x0;
	lr =	simm.s32 $0x1  }
0x2: {  	[smem:$0x3F96] =	sst lr;
	_ =	strace $0xD0000000  }
0x3: {  	_ = 	snop  }
0x4: {  	_ = 	snop  }
0x5: {  	_ = 	snop  }
0x6: {  	_ = 	snop  }
0x7: {  	_ = 	snop  }
__scs_overlays_trampoline_lowered:
0x8: {  	[smem:$0x3FA5] =	sst s0  }
0x9: {  	[smem:$0x3FA6] =	sst s1  }
0xa: {  	[smem:$0x3FA7] =	sst s2  }
0xb: {  	[smem:$0x3FA8] =	sst s3  }
0xc: {  	[smem:$0x3FA9] =	sst s4  }
0xd: {  	[smem:$0x3FAA] =	sst s5  }
0xe: {  	[smem:$0x3FAB] =	sst s6  }
0xf: {  	[smem:$0x3FAC] =	sst s7  }
0x10: {  	[smem:$0x3FAD] =	sst s8  }
0x11: {  	[smem:$0x3FAE] =	sst s9;
	s0 =	simm.s32 @!p0 $0x0  }
0x12: {  	s1 =	sld [smem:$0x3F94];
	s0 =	simm.s32 @p0 $0x1  }
0x13: {  	[smem:$0x3FAF] =	sst s0;
	s0 =	simm.s32 @!p1 $0x0  }
0x14: {  	s2 =	sld [smem:$0x3F93];
	s0 =	simm.s32 @p1 $0x1  }
0x15: {  	[smem:$0x3FB0] =	sst s0;
	s0 =	simm.s32 @!p2 $0x0  }
0x16: {  	s3 =	sld [smem:$0x3FDB];
	s0 =	simm.s32 @p2 $0x1  }
0x17: {  	s4 =	simm.s32 $0x1BF5;
	[smem:$0x3FB2] =	sst s0  }
0x18: {  	s0 =	sld [smem:$0x3F95];
	_ =	swait.ge [sflag:s4], $0x0  }
0x19: {  	s7 =	sld [smem:$0x3F96]  }
0x1a: {  	s8 =	sadd.s32 $0xFFFFE003, lr  }
0x1b: {  	s9 =	sadd.s32 $0xFFFFFEF7, lr;
	s5 =	simm.s32 $0xFFFFFFFF;
	p2 =	slt.u32 s8, $0xFFFFF086  }
0x1c: {  	p1 =	slt.u32 s9, $0xF7A;
	s5 =	simm.s32 @!p2 $0x0  }
0x1d: {  	s5 =	simm.s32 @p1 $0x1;
	p0 =	seq.s32 s7, s2  }
0x1e: {  	s7 =	smul.u32 @!p0 $0xF7A, s2;
	p2 =	seq.s32 @!p0 s5, $0x0  }
0x1f: {  	s9 =	smul.u32 $0xF7A, s1;
	s8 =	simm.s32 @!p0 $0x1BF5;
	p2 =	por !p2, p0  }
0x20: {  	[sflag:s8] =	ssyncset.s32 @!p0 $0xFFFFF086;
	s6 =	sadd.s32 @!p0 s3, s7;
	s7 =	simm.s32 @!p0 $0x108  }
0x21: {  	s3 =	sadd.s32 s3, s9;
	s6 =	sadd.s32 @!p0 $0x88, s6;
	s7 =	simm.s32 @p2 $0x1082  }
0x22: {  	[simem:s7], [sflag:s8] =	dma.local @!p0 [hbm:s6], $0xF7A  }
0x23: {  	s9 =	sor.u32 $0xD0000000, s2;
	s6 =	simm.s32 $0x108;
	_ =	swait.ge @!p0 [sflag:s8], $0x0  }
0x24: {  	s3 =	sadd.s32 $0x88, s3;
	s6 =	simm.s32 @!p1 $0x1082;
	[sflag:s4] =	ssyncset.s32 $0xFFFFF086  }
0x25: {  	[simem:s6], [sflag:s4] =	dma.local [hbm:s3], $0xF7A  }
0x26: {  	[smem:$0x3F96] =	sst s1;
	(tag) =	ssettag s2;
	_ =	strace s9  }
0x27: {  	s1 =	sld [smem:$0x3FA6]  }
0x28: {  	s2 =	sld [smem:$0x3FA7]  }
0x29: {  	s4 =	sld [smem:$0x3FA9]  }
0x2a: {  	p0 =	seq.s32 s5, $0x0;
	s5 =	sld [smem:$0x3FAA]  }
0x2b: {  	s6 =	sld [smem:$0x3FAB]  }
0x2c: {  	s7 =	sld [smem:$0x3FAC]  }
0x2d: {  	s3 =	simm.s32 $0x108;
	s8 =	sld [smem:$0x3FAD]  }
0x2e: {  	s3 =	simm.s32 @!p0 $0x1082;
	s9 =	sld [smem:$0x3FAE]  }
0x2f: {  	lr =	sadd.s32 s0, s3;
	s0 =	sld [smem:$0x3FA5]  }
0x30: {  	s3 =	sld [smem:$0x3FA8]  }
0x31: {  	[smem:$0x3FB1] =	sst s10  }
0x32: {  	s10 =	sld [smem:$0x3FAF];
	_ =	sdelay $0x3  }
0x33: {  	p0 =	seq.s32 s10, $0x1;
	s10 =	sld [smem:$0x3FB1];
	_ =	sdelay $0x3  }
0x34: {  	[smem:$0x3FB1] =	sst s10  }
0x35: {  	s10 =	sld [smem:$0x3FB0];
	_ =	sdelay $0x3  }
0x36: {  	p1 =	seq.s32 s10, $0x1;
	s10 =	sld [smem:$0x3FB1];
	_ =	sdelay $0x3  }
0x37: {  	[smem:$0x3FB1] =	sst s10  }
0x38: {  	s10 =	sld [smem:$0x3FB2]  }
0x39: {  	_ = 	snop;
	(pc) =	sbr.ind lr, $3  }
0x3a: {  	_ = 	snop  }
0x3b: {  	_ = 	snop  }
0x3c: {  	p2 =	seq.s32 s10, $0x1;
	s10 =	sld [smem:$0x3FB1]  }
0x3d: {  	_ =	shalt  }
0x3e: {  	_ =	shalt  }
0x3f: {  	_ =	shalt  }
0x40: {  	_ =	shalt  }
0x41: {  	_ =	shalt  }
0x42: {  	_ =	shalt  }
0x43: {  	_ =	shalt  }
0x44: {  	_ =	shalt  }
0x45: {  	_ =	shalt  }
0x46: {  	_ =	shalt  }
0x47: {  	_ =	shalt  }
0x48: {  	_ =	shalt  }
0x49: {  	_ =	shalt  }
0x4a: {  	_ =	shalt  }
0x4b: {  	_ =	shalt  }
0x4c: {  	_ =	shalt  }
0x4d: {  	_ =	shalt  }
0x4e: {  	_ =	shalt  }
0x4f: {  	_ =	shalt  }
0x50: {  	_ =	shalt  }
0x51: {  	_ =	shalt  }
0x52: {  	_ =	shalt  }
0x53: {  	_ =	shalt  }
0x54: {  	_ =	shalt  }
0x55: {  	_ =	shalt  }
0x56: {  	_ =	shalt  }
0x57: {  	_ =	shalt  }
0x58: {  	_ =	shalt  }
0x59: {  	_ =	shalt  }
0x5a: {  	_ =	shalt  }
0x5b: {  	_ =	shalt  }
0x5c: {  	_ =	shalt  }
0x5d: {  	_ =	shalt  }
0x5e: {  	_ =	shalt  }
0x5f: {  	_ =	shalt  }
0x60: {  	_ =	shalt  }
0x61: {  	_ =	shalt  }
0x62: {  	_ =	shalt  }
0x63: {  	_ =	shalt  }
0x64: {  	_ =	shalt  }
0x65: {  	_ =	shalt  }
0x66: {  	_ =	shalt  }
0x67: {  	_ =	shalt  }
0x68: {  	_ =	shalt  }
0x69: {  	_ =	shalt  }
0x6a: {  	_ =	shalt  }
0x6b: {  	_ =	shalt  }
0x6c: {  	_ =	shalt  }
0x6d: {  	_ =	shalt  }
0x6e: {  	_ =	shalt  }
0x6f: {  	_ =	shalt  }
0x70: {  	_ =	shalt  }
0x71: {  	_ =	shalt  }
0x72: {  	_ =	shalt  }
0x73: {  	_ =	shalt  }
0x74: {  	_ =	shalt  }
0x75: {  	_ =	shalt  }
0x76: {  	_ =	shalt  }
0x77: {  	_ =	shalt  }
0x78: {  	_ =	shalt  }
0x79: {  	_ =	shalt  }
0x7a: {  	_ =	shalt  }
0x7b: {  	_ =	shalt  }
0x7c: {  	_ =	shalt  }
0x7d: {  	_ =	shalt  }
0x7e: {  	_ =	shalt  }
0x7f: {  	_ =	shalt  }
0x80: {  	_ =	shalt  }
0x81: {  	_ =	shalt  }
0x82: {  	_ =	shalt  }
0x83: {  	_ =	shalt  }
0x84: {  	_ =	shalt  }
0x85: {  	_ =	shalt  }
0x86: {  	_ =	shalt  }
0x87: {  	_ =	shalt  }
.Lfunc_end0:
.L_simem_size_0:
called_computation.1_lowered:
.L_overlay_start_0:
0x88: {  	s2 =	sld [smem:$0x3FD9]  }
0x89: {  	s3 =	sld [smem:$0x3FFE];
	_ =	sdelay $0x1  }
0x8a: {  	s1 =	srdreg.scid  }
0x8b: {  	s0 =	sand.u32 $0x1, s1  }
0x8c: {  	s14 =	sshll.u32 s0, $0xA;
	s2 =	sadd.s32 s3, s2  }
0x8d: {  	s2 =	sadd.s32 s2, s14  }
0x8e: {  	[smem:$0x3FBD] =	sst s2  }
0x8f: {  	_ = 	snop  }
0x90: {  	s2 =	sld [smem:$0x3FD0];
	_ =	sdelay $0x2  }
0x91: {  	s15 =	simm.s32 $0xA;
	s4 =	simm.s32 $0x10  }
0x92: {  	[smem:s4], [sflag:s15] =	dma.local [hbm:s2], $0x1  }
0x93: {  	_ =	swait.eq [sflag:s15], $0x1  }
0x94: {  	[sflag:s15] =	ssyncset.done $0x0  }
0x95: {  	[sflag:s15] =	ssyncadd.s32 $0xFFFFFFFF  }
0x96: {  	s16 =	sld [smem:$0x11];
	(tm) =	ssettm $0x1  }
0x97: {  	s17 =	sld [smem:$0x3FFB];
	_ =	sdelay $0x3  }
0x98: {  	_ =	strace s17  }
0x99: {  	s3 =	sld [smem:$0x3FFC];
	_ =	sdelay $0x3  }
0x9a: {  	_ =	strace s3  }
0x9b: {  	s3 =	sld [smem:$0x3FFD];
	_ =	sdelay $0x3  }
0x9c: {  	_ =	strace s3  }
0x9d: {  	_ =	strace $0x8FFFFFFF  }
0x9e: {  	s18 =	sld [smem:$0x3FDB];
	_ =	sdelay $0x1  }
0x9f: {  	s19 =	simm.s32 $_scs_section_size  }
0xa0: {  	s5 =	simm.s32 $_size__tile_overlayer_lowered;
	s6 =	simm.s32 $_tile_overlayer_lowered  }
0xa1: {  	s22 =	simm.s32 $0x1BFF;
	s21 =	sshll.u32 s6, $0x1;
	s3 =	sadd.s32 s19, s18  }
0xa2: {  	s7 =	simm.s32 $0x0;
	s20 =	sshll.u32 s5, $0x1;
	s5 =	sadd.s32 s21, s3  }
0xa3: {  	[timem:s7], [sflag:s22] =	dma.local [hbm:s5], s20  }
0xa4: {  	_ =	swait.ge [sflag:s22], s20  }
0xa5: {  	s4 =	ssub.s32 $0x0, s20;
	[sflag:s22] =	ssyncset.done $0x0  }
0xa6: {  	[sflag:s22] =	ssyncadd.s32 s4;
	_ =	sdelay $0x1  }
0xa7: {  	s23 =	simm.s32 $0x1B8B  }
0xa8: {  	_ =	swait.ge [sflag:s23], $0x1  }
0xa9: {  	[sflag:s23] =	ssyncset.done $0x0  }
0xaa: {  	s25 =	simm.s32 $0x1B8E;
	s24 =	sld [smem:$0x3FFE];
	[sflag:s23] =	ssyncadd.s32 $0xFFFFFFFF  }
0xab: {  	s26 =	simm.s32 $execute0_lowered;
	[smem:$0x3FD2] =	sst s25  }
0xac: {  	s5 =	sshll.u32 s26, $0x1;
	_ =	strace $0x80000049;
	[dreg:$0x1] =	wrdreg $0xFFFFFFFF  }
0xad: {  	s28 =	simm.s32 $_size_execute0_lowered;
	s3 =	sadd.s32 s3, s5;
	[dreg:$0x0] =	wrdreg $0x0  }
0xae: {  	s5 =	sshll.u32 s28, $0x1;
	[dreg:$0x2] =	wrdreg s3  }
0xaf: {  	[dreg:$0x3] =	wrdreg s5  }
0xb0: {  	[dreg:$0x4] =	wrdreg $0xC0  }
0xb1: {  	_ =	task [dreg:s7], $0x5FFFF  }
0xb2: {  	[dreg:$0x1] =	wrdreg $0xFFFFFFFF  }
0xb3: {  	[dreg:$0x0] =	wrdreg $0x60  }
0xb4: {  	[dreg:$0x2] =	wrdreg s24  }
0xb5: {  	[dreg:$0x3] =	wrdreg s16  }
0xb6: {  	[dreg:$0x4] =	wrdreg $0xC3500  }
0xb7: {  	[dreg:$0x5] =	wrdreg $0x9  }
0xb8: {  	_ =	task.clear_ibuf [dreg:s7], $0x6FFFF;
	_ =	strace $0x90000049  }
0xb9: {  	s29 =	simm.s32 $0x9;
	_ =	strace $0x8000004B  }
0xba: {  	_ =	swait.ge [sflag:s29], $0x1  }
0xbb: {  	[sflag:s29] =	ssyncadd.s32 $0xFFFFFFFF  }
0xbc: {  	_ =	strace $0x9000004B  }
0xbd: {  	_ =	sfence  }
0xbe: {  	s30 =	sld [smem:$0x0];
	_ =	sdelay $0x2  }
0xbf: {  	s31 =	sshll.u32 s1, $0xD;
	s1 =	sshrl.u32 s1, $0x2  }
0xc0: {  	s3 =	sand.u32 $0x4000, s31;
	s1 =	sadd.s32 s1, s30  }
0xc1: {  	s0 =	sor.u32 s3, s0;
	s1 =	sshll.u32 s1, $0x11  }
0xc2: {  	s0 =	sor.u32 s1, s0  }
0xc3: {  	s0 =	sadd.s32 $0x8F2B, s0  }
0xc4: {  	[sflag:s0] =	ssyncadd.remote.s32 $0x1  }
0xc5: {  	_ =	sfence.sel $0xFFFF  }
0xc6: {  	[dreg:$0x0] =	wrdreg $0xFFFFFFFF;
	(pc) =	sbr.abs _section_cstart, $3  }
0xc7: {  	[dreg:$0x1] =	wrdreg $0xFFFFFFFF  }
0xc8: {  	_ =	task.clear_ibuf [dreg:s7], $0x2FFFF;
	_ =	strace $0x9FFFFFFF  }
0xc9: {  	(tm) =	ssettm $0x7FFFFFFF  }
tec
execute0_lowered:
.L_overlay_start_1:
0x0: {  	(tag) =	ssettag $0x1  }
0x1: {  	s4 =	rddreg [dreg:$0x0]  }
0x2: {  	s8 =	rddreg [dreg:$0x1]  }
0x3: {  	s0 =	srdreg.scid;
	s2 =	rddreg [dreg:$0x2]  }
0x4: {  	s1 =	rddreg [dreg:$0x3];
	s5 =	sand.u32 $0x1, s0  }
0x5: {  	s0 =	stileid.u32;
	s6 =	smul.u32 $0x30D400, s5  }
0x6: {  	s3 =	simm.s32 $0x0;
	s13 =	simm.s32 $0x1388;
	s7 =	smul.u32 $0x30D40, s0  }
0x7: {  	s16 =	simm.s32 $0x0;
	[smem:$0x7FF] =	sst s3;
	s28 =	smul.u32 $0x31000, s0  }
0x8: {  	_ =	strace $0x8000004A;
	s29 =	smul.u32 $0x1880, s0;
	s11 =	ssub.s32 $0x2, s5  }
0x9: {  	s12 =	smul.u32 $0x18800, s5;
	s14 =	sshll.u32 s0, $0x6;
	s30 =	sshrl.u32 s11, $0x1  }
0xa: {  	s14 =	sor.u32 $0x1C01, s14;
	s9 =	sadd.s32 s7, s6;
	s7 =	sshrl.u32 s28, $0x2  }
0xb: {  	s31 =	ssub.s32 s11, s30;
	s11 =	simm.s32 $0x2710;
	s6 =	sshrl.u32 s9, $0x3  }
0xc: {  	s10 =	sadd.s32 s6, s4;
	s6 =	sadd.s32 s29, s4;
	s4 =	sadd.s32 s7, s2  }
0xd: {  	s8 =	sadd.s32 s8, s9;
	s7 =	smax.u32 s31, $0x1;
	s5 =	sadd.s32 $0x9C40, s4  }
0xe: {  	v0 =	vlaneseq.u32;
	s6 =	sadd.s32 s12, s6;
	s9 =	sadd.s32 $0x2400, s10;
	s10 =	sadd.s32 $0xC5A00, s10  }
0xf: {  	v1 =	vimm.f32 $0.0e+00;
	v0 =	vmul.u32 $0x8, v0;
	s12 =	simm.s32 $0x1;
	s15 =	sshrl.u32 s4, $0x3;
	s6 =	sadd.s32 $0x61D600, s6  }
.LBB2_1:
0x10: {  	v2 =	vmov s3  }
0x11: {  	v2 =	vshll.u32 v2, $0x3  }
0x12: {  	v3 =	vor.u32 v0, v2  }
0x13: {  	v4 =	vor.u32 $0x1, v3  }
0x14: {  	v7 =	vor.u32 $0x2, v3  }
0x15: {  	v5 =	vor.u32 $0x3, v3  }
0x16: {  	v6 =	vor.u32 $0x4, v3  }
0x17: {  	s17 =	simm.s32 $0x10;
	v2 =	vor.u32 $0x6, v3;
	v8 =	vor.u32 $0x5, v3;
	[tilespmem:v3+s11+$0x0] =	vst.idx.msk $0xffff, v1  }
.LBB2_2:
0x18: {  	v9 =	vmov s17;
	p0 =	sne.s32 s17, $0x1370;
	s17 =	sadd.s32 $0x10, s17;
	[tilespmem:v4+s11+$0x0] =	vst.idx.msk $0xffff, v1  }
0x19: {  	v4 =	vshll.u32 v9, $0x3;
	[tilespmem:v7+s11+$0x0] =	vst.idx.msk $0xffff, v1;
	v9 =	vor.u32 $0x7, v3  }
0x1a: {  	v3 =	vor.u32 v0, v4;
	[tilespmem:v5+s11+$0x0] =	vst.idx.msk $0xffff, v1  }
.Ltmp0:
0x1b: {  	v4 =	vor.u32 $0x1, v3;
	v10 =	vor.u32 $0x6, v3;
	[tilespmem:v6+s11+$0x0] =	vst.idx.msk $0xffff, v1;
	(pc) =	sbr.rel @p0 .LBB2_2-.Ltmp0, $4  }
0x1c: {  	v7 =	vor.u32 $0x2, v3;
	[tilespmem:v8+s11+$0x0] =	vst.idx.msk $0xffff, v1  }
0x1d: {  	v5 =	vor.u32 $0x3, v3;
	[tilespmem:v2+s11+$0x0] =	vst.idx.msk $0xffff, v1;
	v2 =	vmov v10  }
0x1e: {  	v6 =	vor.u32 $0x4, v3;
	[tilespmem:v9+s11+$0x0] =	vst.idx.msk $0xffff, v1  }
0x1f: {  	v8 =	vor.u32 $0x5, v3;
	[tilespmem:v3+s11+$0x0] =	vst.idx.msk $0xffff, v1  }
0x20: {  	_ =	sdelay $0x3  }
0x21: {  	[tilespmem:v4+s11+$0x0] =	vst.idx.msk $0xffff, v1  }
0x22: {  	v3 =	vor.u32 $0x7, v3;
	[tilespmem:v7+s11+$0x0] =	vst.idx.msk $0xffff, v1  }
0x23: {  	[tilespmem:v5+s11+$0x0] =	vst.idx.msk $0xffff, v1  }
0x24: {  	[tilespmem:v6+s11+$0x0] =	vst.idx.msk $0xffff, v1  }
0x25: {  	[tilespmem:v8+s11+$0x0] =	vst.idx.msk $0xffff, v1  }
0x26: {  	[tilespmem:v2+s11+$0x0] =	vst.idx.msk $0xffff, v1  }
0x27: {  	[tilespmem:v3+s11+$0x0] =	vst.idx.msk $0xffff, v1  }
0x28: {  	[spmem:s4] =	stream.linear.scatter [tilespmem:s11], [sflag:$0x1], $0x9C40, $0x38;
	[tilespmem:$0x18750] =	vst v63  }
0x29: {  	_ =	swait.ge [sflag:s12], $0x9C40  }
0x2a: {  	[sflag:s12] =	ssyncset.done $0x0  }
0x2b: {  	[sflag:s12] =	ssyncadd.s32 $0xFFFF63C0  }
0x2c: {  	[spmem:s5] =	stream.linear.scatter [tilespmem:s11], [sflag:$0x1], $0x27C0, $0x38;
	[tilespmem:$0x18750] =	vst v63  }
0x2d: {  	_ =	swait.ge [sflag:s12], $0x27C0  }
0x2e: {  	[sflag:s12] =	ssyncset.done $0x0  }
0x2f: {  	[sflag:s12] =	ssyncadd.s32 $0xFFFFD840  }
0x30: {  	s17 =	sadd.s32 $0x0, s10;
	[bflag:$0x0] =	sbarrier.arrive $0xFFFF  }
0x31: {  	[tilespmem:s3], [sflag:$0x1] =	stream.linear.gather [hbm4b:s17+s3], $0x1388, $0x38;
	[tilespmem:$0x18750] =	vst v63  }
0x32: {  	_ =	swait.ge [sflag:s12], $0x1388  }
0x33: {  	[sflag:s12] =	ssyncset.done $0x0  }
0x34: {  	s31 =	sadd.s32 $0x0, s9;
	[sflag:s12] =	ssyncadd.s32 $0xFFFFEC78  }
0x35: {  	[tilespmem:s13], [sflag:$0x1] =	stream.linear.gather [hbm4b:s31+s3], $0x1388, $0x38;
	[tilespmem:$0x18750] =	vst v63  }
0x36: {  	_ =	swait.ge [sflag:s12], $0x1388  }
0x37: {  	[sflag:s12] =	ssyncset.done $0x0  }
0x38: {  	[sflag:s12] =	ssyncadd.s32 $0xFFFFEC78  }
0x39: {  	[tilespmem:s11], [sflag:$0x1] =	stream.linear.gather [hbm4b:s8+s3], $0x9C40, $0x38;
	[tilespmem:$0x18750] =	vst v63  }
0x3a: {  	_ =	swait.ge [sflag:s12], $0x9C40  }
0x3b: {  	[sflag:s12] =	ssyncset.done $0x0  }
0x3c: {  	[sflag:s12] =	ssyncadd.s32 $0xFFFF63C0  }
0x3d: {  	[spmem:s2] =	stream.indirect.scatter.add.f32 [tilespmem:s11], [sflag:$0x1], $0x8, s13, s13, $0xb8;
	[tilespmem:$0x18750] =	vst v63  }
0x3e: {  	_ =	swait.ge [sflag:s12], $0x9C40  }
0x3f: {  	[sflag:s12] =	ssyncset.done $0x0  }
0x40: {  	[sflag:s12] =	ssyncadd.s32 $0xFFFF63C0  }
0x41: {  	[spmem:s2] =	stream.indirect.scatter.add.f32 [tilespmem:s11], [sflag:$0x1], $0x8, s3, s13, $0xb8;
	[tilespmem:$0x18750] =	vst v63  }
0x42: {  	s18 =	simm.s32 $0x271;
	_ =	swait.ge [sflag:s12], $0x9C40  }
0x43: {  	s19 =	simm.s32 $0x4E2;
	s17 =	sadd.s32 $0x1388, s8;
	[sflag:s12] =	ssyncset.done $0x0  }
.LBB2_4:
0x44: {  	s20 =	sadd.s32 s18, s10  }
0x45: {  	[sflag:s12] =	ssyncadd.s32 $0xFFFF63C0;
	s21 =	smov.u32 s19;
	s22 =	sadd.s32 $0x271, s19  }
0x46: {  	[tilespmem:s3], [sflag:$0x1] =	stream.linear.gather [hbm4b:s20+s3], $0x1388, $0x38;
	[tilespmem:$0x18750] =	vst v63  }
0x47: {  	p0 =	sne.s32 s19, $0x5F37;
	_ =	swait.ge [sflag:s12], $0x1388  }
0x48: {  	[sflag:s12] =	ssyncset.done $0x0  }
0x49: {  	s19 =	sadd.s32 s18, s9;
	s18 =	smov.u32 s21;
	[sflag:s12] =	ssyncadd.s32 $0xFFFFEC78  }
0x4a: {  	[tilespmem:s13], [sflag:$0x1] =	stream.linear.gather [hbm4b:s19+s3], $0x1388, $0x38;
	[tilespmem:$0x18750] =	vst v63  }
0x4b: {  	_ =	swait.ge [sflag:s12], $0x1388  }
0x4c: {  	[sflag:s12] =	ssyncset.done $0x0  }
0x4d: {  	[sflag:s12] =	ssyncadd.s32 $0xFFFFEC78  }
0x4e: {  	[tilespmem:s11], [sflag:$0x1] =	stream.linear.gather [hbm4b:s17+s3], $0x9C40, $0x38;
	[tilespmem:$0x18750] =	vst v63  }
0x4f: {  	_ =	swait.ge [sflag:s12], $0x9C40  }
0x50: {  	[sflag:s12] =	ssyncset.done $0x0  }
0x51: {  	[sflag:s12] =	ssyncadd.s32 $0xFFFF63C0  }
0x52: {  	[spmem:s2] =	stream.indirect.scatter.add.f32 [tilespmem:s11], [sflag:$0x1], $0x8, s13, s13, $0xb8;
	[tilespmem:$0x18750] =	vst v63  }
0x53: {  	_ =	swait.ge [sflag:s12], $0x9C40  }
.Ltmp1:
0x54: {  	[sflag:s12] =	ssyncset.done $0x0;
	(pc) =	sbr.rel @p0 .LBB2_4-.Ltmp1, $4  }
0x55: {  	[sflag:s12] =	ssyncadd.s32 $0xFFFF63C0  }
0x56: {  	[spmem:s2] =	stream.indirect.scatter.add.f32 [tilespmem:s11], [sflag:$0x1], $0x8, s3, s13, $0xb8;
	[tilespmem:$0x18750] =	vst v63  }
0x57: {  	_ =	swait.ge [sflag:s12], $0x9C40  }
0x58: {  	s19 =	smov.u32 s22;
	s17 =	sadd.s32 $0x1388, s17;
	[sflag:s12] =	ssyncset.done $0x0  }
0x59: {  	s19 =	sadd.s32 s18, s10;
	[sflag:s12] =	ssyncadd.s32 $0xFFFF63C0  }
0x5a: {  	[tilespmem:s3], [sflag:$0x1] =	stream.linear.gather [hbm4b:s19+s3], $0x1388, $0x38;
	[tilespmem:$0x18750] =	vst v63  }
0x5b: {  	_ =	swait.ge [sflag:s12], $0x1388  }
0x5c: {  	[sflag:s12] =	ssyncset.done $0x0  }
0x5d: {  	s31 =	sadd.s32 s18, s9;
	[sflag:s12] =	ssyncadd.s32 $0xFFFFEC78  }
0x5e: {  	[tilespmem:s13], [sflag:$0x1] =	stream.linear.gather [hbm4b:s31+s3], $0x1388, $0x38;
	[tilespmem:$0x18750] =	vst v63  }
0x5f: {  	_ =	swait.ge [sflag:s12], $0x1388  }
0x60: {  	[sflag:s12] =	ssyncset.done $0x0  }
0x61: {  	[sflag:s12] =	ssyncadd.s32 $0xFFFFEC78  }
0x62: {  	[tilespmem:s11], [sflag:$0x1] =	stream.linear.gather [hbm4b:s17+s3], $0x9C40, $0x38;
	[tilespmem:$0x18750] =	vst v63  }
0x63: {  	_ =	swait.ge [sflag:s12], $0x9C40  }
0x64: {  	[sflag:s12] =	ssyncset.done $0x0  }
0x65: {  	[sflag:s12] =	ssyncadd.s32 $0xFFFF63C0  }
0x66: {  	[spmem:s2] =	stream.indirect.scatter.add.f32 [tilespmem:s11], [sflag:$0x1], $0x8, s13, s13, $0xb8;
	[tilespmem:$0x18750] =	vst v63  }
0x67: {  	_ =	swait.ge [sflag:s12], $0x9C40  }
0x68: {  	[sflag:s12] =	ssyncset.done $0x0  }
0x69: {  	[sflag:s12] =	ssyncadd.s32 $0xFFFF63C0  }
0x6a: {  	[spmem:s2] =	stream.indirect.scatter.add.f32 [tilespmem:s11], [sflag:$0x1], $0x8, s3, s13, $0xb8;
	[tilespmem:$0x18750] =	vst v63  }
0x6b: {  	_ =	swait.ge [sflag:s12], $0x9C40  }
0x6c: {  	s16 =	sadd.s32 $0x1, s16;
	[sflag:s12] =	ssyncset.done $0x0  }
0x6d: {  	p0 =	sne.s32 s16, s7;
	[sflag:s12] =	ssyncadd.s32 $0xFFFF63C0  }
.Ltmp2:
0x6e: {  	[bflag:$0x0] =	sbarrier.arrive $0xFFFF;
	(pc) =	sbr.rel @p0 .LBB2_1-.Ltmp2, $4  }
0x6f: {  	[hbm:s6], [sflag:s14] =	dma.local [spmem:s15], $0x1880  }
0x70: {  	_ =	swait.ge [sflag:s12], $0x1880  }
0x71: {  	[sflag:s12] =	ssyncset.done $0x0  }
0x72: {  	[sflag:s12] =	ssyncadd.s32 $0xFFFFE780  }
0x73: {  	_ =	sfence.sel $0x180000  }
0x74: {  	[bflag:$0x0] =	sbarrier.arrive $0xFFFF  }
0x75: {  	p0 =	sne.s32 s0, $0x0;
	_ =	strace $0x9000004A  }
0x76: {  	s0 =	sadd.s32 @!p0 $0x100000, s1;
	[bflag:$0x2] =	sbarrier.arrive $0xFFFF  }
0x77: {  	[sflag:s0] =	ssyncadd.tile.s32 @!p0 $0x1;
	_ =	shalt  }
.Lfunc_end2:
_tile_overlayer_lowered:
.L_overlay_start_2:
0x78: {  	(tag) =	ssettag $0x2  }
0x79: {  	s0 =	rddreg [dreg:$0x0];
	s2 =	stileid.u32  }
0x7a: {  	s1 =	rddreg [dreg:$0x1];
	p0 =	sne.s32 s2, $0x0  }
0x7b: {  	s3 =	rddreg [dreg:$0x2];
	[bflag:$0x3] =	sbarrier.arrive $0xFFFF;
	s2 =	simm.s32 @!p0 $0x1C01  }
0x7c: {  	[timem:s3], [sflag:s2] =	dma.local @!p0 [hbm:s0], s1  }
0x7d: {  	s0 =	simm.s32 @!p0 $0x1  }
0x7e: {  	_ =	swait.ge @!p0 [sflag:s0], s1  }
0x7f: {  	s1 =	ssub.s32 @!p0 $0x0, s1;
	[sflag:s0] =	ssyncset.done @!p0 $0x0  }
0x80: {  	[sflag:s0] =	ssyncadd.s32 @!p0 s1  }
0x81: {  	[bflag:$0x3] =	sbarrier.arrive $0xFFFF  }
0x82: {  	_ =	shalt  }

</sc_bundles>
